<compile_context>
chip_gen: v7x
topology: tpu7x:2x2x1
jax: 0.10.2.dev20260603
libtpu: 0.0.44.dev20260713+nightly
codegen_flags: <defaults>
</compile_context>

<pallas_src>
import functools

import jax
import jax.numpy as jnp
from jax import lax
from jax.experimental import pallas as pl
from jax.experimental.pallas import tpu as pltpu
from jax.experimental.pallas import tpu_sc as plsc

_N = 10000
_NP = 10240
_E = 320000
_D = 128
_H = 128
_C = 16

_CHUNK = 128
_NCHUNKS = _E // _CHUNK
_NWORKERS = 32
_TILES = 16
_RPT = _NP // _TILES
_NCHUNKS_PAD = 2560
_TILE_CHUNKS = _NCHUNKS_PAD // _NWORKERS
_HALF_CHUNKS = _TILE_CHUNKS // 2

_BLK = 1024
_GRID = _NP // _BLK


def _make_edge_agg(width):
    mesh = plsc.VectorSubcoreMesh(core_axis_name="c", subcore_axis_name="s",
                                  num_cores=2, num_subcores=_TILES)

    @functools.partial(
        pl.kernel,
        mesh=mesh,
        out_type=jax.ShapeDtypeStruct((2 * _NP, width), jnp.float32),
        scratch_types=[
            pltpu.VMEM_SHARED((_NP, width), jnp.float32),
            pltpu.VMEM((_HALF_CHUNKS, _CHUNK), jnp.int32),
            pltpu.VMEM((_HALF_CHUNKS, _CHUNK), jnp.int32),
            pltpu.VMEM((_CHUNK, width), jnp.float32),
            pltpu.VMEM((_CHUNK, width), jnp.float32),
            pltpu.SemaphoreType.DMA,
            pltpu.SemaphoreType.DMA,
            pltpu.SemaphoreType.DMA,
            pltpu.SemaphoreType.DMA,
            pltpu.SemaphoreType.DMA,
        ],
    )
    def agg(y_hbm, src2_hbm, dst2_hbm, zeros_hbm, out_hbm,
            acc, src_v, dst_v, rows0, rows1, sg0, sg1, ss0, ss1, si):
        c = lax.axis_index("c")
        s = lax.axis_index("s")
        wid = s * 2 + c
        r0 = s * _RPT
        start = _TILE_CHUNKS * wid

        zdesc = pltpu.async_copy(zeros_hbm.at[pl.ds(r0, _RPT)],
                                 acc.at[pl.ds(r0, _RPT)], si)

        def g_start(buf, sem, i):
            pltpu.async_copy(y_hbm.at[src_v.at[i]], buf, sem)

        def g_wait(buf, sem):
            pltpu.make_async_copy(y_hbm.at[src_v.at[0]], buf, sem).wait()

        def s_start(buf, sem, i):
            pltpu.async_copy(buf, acc.at[dst_v.at[i]], sem, add=True)

        def s_wait(buf, sem):
            pltpu.make_async_copy(buf, acc.at[dst_v.at[0]], sem).wait()

        def pair_body(p, carry):
            i0 = 2 * p
            i1 = 2 * p + 1
            g_wait(rows0, sg0)
            s_start(rows0, ss0, i0)

            @pl.when(p > 0)
            def _():
                s_wait(rows1, ss1)

            g_start(rows1, sg1, i1)
            g_wait(rows1, sg1)
            s_start(rows1, ss1, i1)
            s_wait(rows0, ss0)

            @pl.when(i0 + 2 < _HALF_CHUNKS)
            def _():
                g_start(rows0, sg0, i0 + 2)

            return carry

        for h in range(2):
            pltpu.sync_copy(
                src2_hbm.at[pl.ds(start + h * _HALF_CHUNKS, _HALF_CHUNKS)], src_v)
            pltpu.sync_copy(
                dst2_hbm.at[pl.ds(start + h * _HALF_CHUNKS, _HALF_CHUNKS)], dst_v)
            if h == 0:
                zdesc.wait()
                plsc.subcore_barrier()
            g_start(rows0, sg0, 0)
            lax.fori_loop(0, _HALF_CHUNKS // 2, pair_body, 0)
            s_wait(rows1, ss1)

        plsc.subcore_barrier()
        pltpu.sync_copy(acc.at[pl.ds(r0, _RPT)],
                        out_hbm.at[pl.ds(c * _NP + r0, _RPT)])

    return agg


@functools.lru_cache(maxsize=None)
def _edge_agg_h():
    return _make_edge_agg(_H)


_DEGW = 128
_DEGO = 8

@functools.lru_cache(maxsize=None)
def _make_deg_count():
    mesh = plsc.VectorSubcoreMesh(core_axis_name="c", subcore_axis_name="s",
                                  num_cores=2, num_subcores=_TILES)

    @functools.partial(
        pl.kernel,
        mesh=mesh,
        out_type=jax.ShapeDtypeStruct((2 * _NP, _DEGW), jnp.float32),
        scratch_types=[
            pltpu.VMEM_SHARED((_NP, _DEGW), jnp.float32),
            pltpu.VMEM((_TILE_CHUNKS, _CHUNK), jnp.int32),
            pltpu.VMEM((_CHUNK, _DEGW), jnp.float32),
            pltpu.SemaphoreType.DMA,
            pltpu.SemaphoreType.DMA,
        ],
    )
    def _deg_count(dst2_hbm, zeros_hbm, ones_hbm, out_hbm, acc, dst_v, ones_v,
                   sa, sb):
        c = lax.axis_index("c")
        s = lax.axis_index("s")
        wid = s * 2 + c
        r0 = s * _RPT
        start = _TILE_CHUNKS * wid
        pltpu.sync_copy(dst2_hbm.at[pl.ds(start, _TILE_CHUNKS)], dst_v)
        pltpu.sync_copy(zeros_hbm.at[pl.ds(r0, _RPT)], acc.at[pl.ds(r0, _RPT)])
        pltpu.sync_copy(ones_hbm, ones_v)
        plsc.subcore_barrier()

        def s_issue(i, sem):
            pltpu.async_copy(ones_v, acc.at[dst_v.at[i]], sem, add=True)

        def s_wait(sem):
            pltpu.make_async_copy(ones_v, acc.at[dst_v.at[0]], sem).wait()

        s_issue(0, sa)
        s_issue(1, sb)

        def body(p, carry):
            s_wait(sa)
            s_issue(2 * p + 2, sa)
            s_wait(sb)
            s_issue(2 * p + 3, sb)
            return carry

        lax.fori_loop(0, _TILE_CHUNKS // 2 - 1, body, 0)
        s_wait(sa)
        s_wait(sb)
        plsc.subcore_barrier()
        pltpu.sync_copy(acc.at[pl.ds(r0, _RPT)],
                        out_hbm.at[pl.ds(c * _NP + r0, _RPT)])

    return _deg_count


_DVW = 8


def _k1_body(d0_ref, d1_ref, x_ref, w_ref, o_ref, dv_ref):
    dinv = lax.rsqrt(d0_ref[:, 0:1] + d1_ref[:, 0:1] + 1.0)
    o_ref[...] = jnp.dot(x_ref[...], w_ref[...],
                         preferred_element_type=jnp.float32) * dinv
    dv_ref[...] = jnp.broadcast_to(dinv, (_BLK, _DVW))


def _k_mid_body(dv_ref, p0_ref, p1_ref, y_ref, b_ref, w_ref, o_ref):
    dinv = dv_ref[:, 0:1]
    h = jax.nn.relu(dinv * (p0_ref[...] + p1_ref[...] + y_ref[...]) + b_ref[...])
    o_ref[...] = jnp.dot(h, w_ref[...],
                         preferred_element_type=jnp.float32) * dinv


def _k_pre_body(dv_ref, p0_ref, p1_ref, y_ref, b_ref, o_ref):
    dinv = dv_ref[:, 0:1]
    h = jax.nn.relu(dinv * (p0_ref[...] + p1_ref[...] + y_ref[...]) + b_ref[...])
    o_ref[...] = h * dinv


def _k_final_body(dv_ref, p0_ref, p1_ref, z_ref, w_ref, b_ref, o_ref):
    dinv = dv_ref[:, 0:1]
    agg = p0_ref[...] + p1_ref[...] + z_ref[...]
    o_ref[...] = dinv * jnp.dot(agg, w_ref[...],
                                preferred_element_type=jnp.float32) + b_ref[...]


def _deg_specs():
    return [
        pl.BlockSpec((_BLK, _DEGW), lambda i: (i, 0)),
        pl.BlockSpec((_BLK, _DEGW), lambda i: (i + _GRID, 0)),
    ]


def _dv_spec():
    return [pl.BlockSpec((_BLK, _DVW), lambda i: (i, 0))]


def _part_specs(width):
    return [
        pl.BlockSpec((_BLK, width), lambda i: (i, 0)),
        pl.BlockSpec((_BLK, width), lambda i: (i + _GRID, 0)),
    ]


def _tc_k1(degp, x, w):
    return pl.pallas_call(
        _k1_body,
        grid=(_GRID,),
        in_specs=_deg_specs() + [
            pl.BlockSpec((_BLK, _D), lambda i: (i, 0)),
            pl.BlockSpec((_D, _H), lambda i: (0, 0)),
        ],
        out_specs=[pl.BlockSpec((_BLK, _H), lambda i: (i, 0)),
                   pl.BlockSpec((_BLK, _DVW), lambda i: (i, 0))],
        out_shape=[jax.ShapeDtypeStruct((_NP, _H), jnp.float32),
                   jax.ShapeDtypeStruct((_NP, _DVW), jnp.float32)],
    )(degp, degp, x, w)


def _tc_k_mid(dv, part, y, b, w, wout):
    return pl.pallas_call(
        _k_mid_body,
        grid=(_GRID,),
        in_specs=_dv_spec() + _part_specs(_H) + [
            pl.BlockSpec((_BLK, _H), lambda i: (i, 0)),
            pl.BlockSpec((1, _H), lambda i: (0, 0)),
            pl.BlockSpec((_H, wout), lambda i: (0, 0)),
        ],
        out_specs=pl.BlockSpec((_BLK, wout), lambda i: (i, 0)),
        out_shape=jax.ShapeDtypeStruct((_NP, wout), jnp.float32),
    )(dv, part, part, y, b, w)


def _tc_k_pre(dv, part, y, b):
    return pl.pallas_call(
        _k_pre_body,
        grid=(_GRID,),
        in_specs=_dv_spec() + _part_specs(_H) + [
            pl.BlockSpec((_BLK, _H), lambda i: (i, 0)),
            pl.BlockSpec((1, _H), lambda i: (0, 0)),
        ],
        out_specs=pl.BlockSpec((_BLK, _H), lambda i: (i, 0)),
        out_shape=jax.ShapeDtypeStruct((_NP, _H), jnp.float32),
    )(dv, part, part, y, b)


def _tc_k_final(dv, part, z, w, b):
    return pl.pallas_call(
        _k_final_body,
        grid=(_GRID,),
        in_specs=_dv_spec() + _part_specs(_H) + [
            pl.BlockSpec((_BLK, _H), lambda i: (i, 0)),
            pl.BlockSpec((_H, _C), lambda i: (0, 0)),
            pl.BlockSpec((1, _C), lambda i: (0, 0)),
        ],
        out_specs=pl.BlockSpec((_BLK, _C), lambda i: (i, 0)),
        out_shape=jax.ShapeDtypeStruct((_NP, _C), jnp.float32),
    )(dv, part, part, z, w, b)


def kernel(x, edge_index, W1, b1, W2, b2, W3, b3):
    n_pad_edges = (_NCHUNKS_PAD - _NCHUNKS) * _CHUNK
    idx_pad = (_N + jnp.arange(n_pad_edges, dtype=jnp.int32) % (_NP - _N)
               ).reshape(_NCHUNKS_PAD - _NCHUNKS, _CHUNK)
    src2 = jnp.concatenate([edge_index[0].reshape(_NCHUNKS, _CHUNK), idx_pad])
    dst2 = jnp.concatenate([edge_index[1].reshape(_NCHUNKS, _CHUNK), idx_pad])

    x_pad = jnp.concatenate([x, jnp.zeros((_NP - _N, _D), jnp.float32)], axis=0)
    zeros_h = jnp.zeros((_NP, _H), jnp.float32)
    zeros_d = jnp.zeros((_NP, _DEGW), jnp.float32)
    ones_d = jnp.ones((_CHUNK, _DEGW), jnp.float32)

    agg = _edge_agg_h()
    degp = _make_deg_count()(dst2, zeros_d, ones_d)

    y1, dv = _tc_k1(degp, x_pad, W1)
    p1 = agg(y1, src2, dst2, zeros_h)
    y2 = _tc_k_mid(dv, p1, y1, b1.reshape(1, _H), W2, _H)
    p2 = agg(y2, src2, dst2, zeros_h)
    z = _tc_k_pre(dv, p2, y2, b2.reshape(1, _H))
    p3 = agg(z, src2, dst2, zeros_h)
    out = _tc_k_final(dv, p3, z, W3, b3.reshape(1, _C))
    return out[:_N]

# --- scband reference (transcript-rebuilt; emitter-appended) ---
"""Pipeline reference for scband-mgnn-3401614098765 (READ-ONLY COPY).

The authoritative reference and input builder live on the scoring server;
editing this copy changes nothing except your own understanding.
"""

import jax, jax.numpy as jnp
import numpy as np

N = 10000
E = 320000
D = 128
H = 128
C = 16


def gcn_conv(x, edge_index, W, b, num_nodes):
    # x @ W (linear transform, no bias applied until after aggregation)
    x = x @ W
    src = edge_index[0]
    dst = edge_index[1]
    # add self loops
    loop = jnp.arange(num_nodes, dtype=src.dtype)
    src = jnp.concatenate([src, loop])
    dst = jnp.concatenate([dst, loop])
    # symmetric normalization: deg^{-1/2}[src] * deg^{-1/2}[dst]
    deg = jnp.zeros((num_nodes,), dtype=x.dtype).at[dst].add(1.0)
    dinv = jnp.where(deg > 0, jax.lax.rsqrt(jnp.maximum(deg, 1e-12)), 0.0)
    norm = dinv[src] * dinv[dst]
    msg = x[src] * norm[:, None]
    out = jax.ops.segment_sum(msg, dst, num_segments=num_nodes)
    return out + b


def setup_inputs(seed: int = 0) -> dict:
    key = jax.random.key(seed)
    ks = jax.random.split(key, 8)
    x = jax.random.normal(ks[0], (N, D), dtype=jnp.float32)
    edge_index = jax.random.randint(ks[1], (2, E), 0, N, dtype=jnp.int32)
    s1 = 1.0 / np.sqrt(D)
    s2 = 1.0 / np.sqrt(H)
    W1 = jax.random.uniform(ks[2], (D, H), dtype=jnp.float32, minval=-s1, maxval=s1)
    b1 = jnp.zeros((H,), dtype=jnp.float32)
    W2 = jax.random.uniform(ks[3], (H, H), dtype=jnp.float32, minval=-s2, maxval=s2)
    b2 = jnp.zeros((H,), dtype=jnp.float32)
    W3 = jax.random.uniform(ks[4], (H, C), dtype=jnp.float32, minval=-s2, maxval=s2)
    b3 = jnp.zeros((C,), dtype=jnp.float32)
    return {"x": x, "edge_index": edge_index, "W1": W1, "b1": b1, "W2": W2, "b2": b2, "W3": W3, "b3": b3}


def reference(x, edge_index, W1, b1, W2, b2, W3, b3):
    # eval mode: dropout(p=0.5, training=False) is identity
    h = jax.nn.relu(gcn_conv(x, edge_index, W1, b1, N))
    h = jax.nn.relu(gcn_conv(h, edge_index, W2, b2, N))
    out = gcn_conv(h, edge_index, W3, b3, N)
    return out

if __name__ == "__main__":
    import jax
    _d = setup_inputs()
    print(jax.jit(kernel)(*tuple(_d.values())))

</pallas_src>

<mosaic_0001>
#map = affine_map<(d0, d1) -> (0, 0)>
module attributes {stable_mosaic.version = 14 : i64} {
  func.func @agg(%arg0: i32, %arg1: i32, %arg2: memref<10240x128xf32, #tpu.memory_space<hbm>>, %arg3: memref<2560x128xi32, #tpu.memory_space<hbm>>, %arg4: memref<2560x128xi32, #tpu.memory_space<hbm>>, %arg5: memref<10240x128xf32, #tpu.memory_space<hbm>>, %arg6: memref<20480x128xf32, #tpu.memory_space<hbm>>, %arg7: memref<10240x128xf32, #tpu.memory_space<vmem_shared>>, %arg8: memref<40x128xi32, #tpu.memory_space<vmem>>, %arg9: memref<40x128xi32, #tpu.memory_space<vmem>>, %arg10: memref<128x128xf32, #tpu.memory_space<vmem>>, %arg11: memref<128x128xf32, #tpu.memory_space<vmem>>, %arg12: memref<!tpu.dma_semaphore, #tpu.memory_space<semaphore_mem>>, %arg13: memref<!tpu.dma_semaphore, #tpu.memory_space<semaphore_mem>>, %arg14: memref<!tpu.dma_semaphore, #tpu.memory_space<semaphore_mem>>, %arg15: memref<!tpu.dma_semaphore, #tpu.memory_space<semaphore_mem>>, %arg16: memref<!tpu.dma_semaphore, #tpu.memory_space<semaphore_mem>>) attributes {dimension_semantics = [#tpu.dimension_semantics<core_parallel>, #tpu.dimension_semantics<subcore_parallel>], iteration_bounds = array<i64: 2, 16>, scalar_prefetch = 0 : i64, scratch_operands = 10 : i64, tpu.core_type = #tpu.core_type<sc_vector_subcore>, window_params = [{transform_indices = #map}, {transform_indices = #map}, {transform_indices = #map}, {transform_indices = #map}, {transform_indices = #map}]} {
    %mul3A = arith.constant 2 : i32
    %mul3A_0 = arith.muli %arg1, %mul3A : i32
    %add3A = arith.addi %mul3A_0, %arg0 : i32
    %mul3A_1 = arith.constant 640 : i32
    %mul3A_2 = arith.muli %arg1, %mul3A_1 : i32
    %mul3A_3 = arith.constant 80 : i32
    %mul3A_4 = arith.muli %mul3A_3, %add3A : i32
    %dma_start3A = arith.constant 0 : i32
    %dma_start3A_5 = tpu.memref_slice %arg7[%mul3A_2, %dma_start3A] : memref<10240x128xf32, #tpu.memory_space<vmem_shared>> -> memref<640x128xf32, #tpu.memory_space<vmem_shared>>
    %dma_start3A_6 = arith.constant 0 : i32
    %dma_start3A_7 = tpu.memref_slice %arg5[%mul3A_2, %dma_start3A_6] : memref<10240x128xf32, #tpu.memory_space<hbm>> -> memref<640x128xf32, #tpu.memory_space<hbm>>
    tpu.enqueue_dma source(%dma_start3A_7 : memref<640x128xf32, #tpu.memory_space<hbm>>) target(%dma_start3A_5 : memref<640x128xf32, #tpu.memory_space<vmem_shared>>) target_semaphore(%arg16 : memref<!tpu.dma_semaphore, #tpu.memory_space<semaphore_mem>>)
    %add3A_8 = arith.constant 0 : i32
    %add3A_9 = arith.addi %mul3A_4, %add3A_8 : i32
    "tpu.region"() ({
      %run_scoped3A = tpu.sem_alloc : memref<!tpu.dma_semaphore, #tpu.memory_space<semaphore_mem>>
      %dma_start3A_62 = arith.constant 0 : i32
      %dma_start3A_63 = tpu.memref_slice %arg3[%add3A_9, %dma_start3A_62] : memref<2560x128xi32, #tpu.memory_space<hbm>> -> memref<40x128xi32, #tpu.memory_space<hbm>>
      %dma_start3A_64 = arith.constant 0 : i32
      %dma_start3A_65 = tpu.memref_slice %arg3[%add3A_9, %dma_start3A_64] : memref<2560x128xi32, #tpu.memory_space<hbm>> -> memref<40x128xi32, #tpu.memory_space<hbm>>
      tpu.enqueue_dma source(%dma_start3A_65 : memref<40x128xi32, #tpu.memory_space<hbm>>) target(%arg8 : memref<40x128xi32, #tpu.memory_space<vmem>>) target_semaphore(%run_scoped3A : memref<!tpu.dma_semaphore, #tpu.memory_space<semaphore_mem>>)
      %dma_wait3A_66 = arith.constant 0 : i32
      %dma_wait3A_67 = tpu.memref_slice %arg3[%add3A_9, %dma_wait3A_66] : memref<2560x128xi32, #tpu.memory_space<hbm>> -> memref<40x128xi32, #tpu.memory_space<hbm>>
      %dma_wait3A_68 = arith.constant 0 : i32
      %dma_wait3A_69 = tpu.memref_slice %arg3[%add3A_9, %dma_wait3A_68] : memref<2560x128xi32, #tpu.memory_space<hbm>> -> memref<40x128xi32, #tpu.memory_space<hbm>>
      tpu.wait_dma2 semaphore(%run_scoped3A : memref<!tpu.dma_semaphore, #tpu.memory_space<semaphore_mem>>) src(%dma_wait3A_69 : memref<40x128xi32, #tpu.memory_space<hbm>>) dst(%arg8 : memref<40x128xi32, #tpu.memory_space<vmem>>)
      tpu.yield
    }) : () -> ()
    %add3A_10 = arith.constant 0 : i32
    %add3A_11 = arith.addi %mul3A_4, %add3A_10 : i32
    "tpu.region"() ({
      %run_scoped3A = tpu.sem_alloc : memref<!tpu.dma_semaphore, #tpu.memory_space<semaphore_mem>>
      %dma_start3A_62 = arith.constant 0 : i32
      %dma_start3A_63 = tpu.memref_slice %arg4[%add3A_11, %dma_start3A_62] : memref<2560x128xi32, #tpu.memory_space<hbm>> -> memref<40x128xi32, #tpu.memory_space<hbm>>
      %dma_start3A_64 = arith.constant 0 : i32
      %dma_start3A_65 = tpu.memref_slice %arg4[%add3A_11, %dma_start3A_64] : memref<2560x128xi32, #tpu.memory_space<hbm>> -> memref<40x128xi32, #tpu.memory_space<hbm>>
      tpu.enqueue_dma source(%dma_start3A_65 : memref<40x128xi32, #tpu.memory_space<hbm>>) target(%arg9 : memref<40x128xi32, #tpu.memory_space<vmem>>) target_semaphore(%run_scoped3A : memref<!tpu.dma_semaphore, #tpu.memory_space<semaphore_mem>>)
      %dma_wait3A_66 = arith.constant 0 : i32
      %dma_wait3A_67 = tpu.memref_slice %arg4[%add3A_11, %dma_wait3A_66] : memref<2560x128xi32, #tpu.memory_space<hbm>> -> memref<40x128xi32, #tpu.memory_space<hbm>>
      %dma_wait3A_68 = arith.constant 0 : i32
      %dma_wait3A_69 = tpu.memref_slice %arg4[%add3A_11, %dma_wait3A_68] : memref<2560x128xi32, #tpu.memory_space<hbm>> -> memref<40x128xi32, #tpu.memory_space<hbm>>
      tpu.wait_dma2 semaphore(%run_scoped3A : memref<!tpu.dma_semaphore, #tpu.memory_space<semaphore_mem>>) src(%dma_wait3A_69 : memref<40x128xi32, #tpu.memory_space<hbm>>) dst(%arg9 : memref<40x128xi32, #tpu.memory_space<vmem>>)
      tpu.yield
    }) : () -> ()
    %dma_wait3A = arith.constant 0 : i32
    %dma_wait3A_12 = tpu.memref_slice %arg7[%mul3A_2, %dma_wait3A] : memref<10240x128xf32, #tpu.memory_space<vmem_shared>> -> memref<640x128xf32, #tpu.memory_space<vmem_shared>>
    %dma_wait3A_13 = arith.constant 0 : i32
    %dma_wait3A_14 = tpu.memref_slice %arg5[%mul3A_2, %dma_wait3A_13] : memref<10240x128xf32, #tpu.memory_space<hbm>> -> memref<640x128xf32, #tpu.memory_space<hbm>>
    tpu.wait_dma2 semaphore(%arg16 : memref<!tpu.dma_semaphore, #tpu.memory_space<semaphore_mem>>) src(%dma_wait3A_14 : memref<640x128xf32, #tpu.memory_space<hbm>>) dst(%dma_wait3A_12 : memref<640x128xf32, #tpu.memory_space<vmem_shared>>)
    %barrier3A = arith.constant 0 : index
    tpu.barrier barrier_id(%barrier3A)
    %dma_start3A_15 = arith.constant 0 : i32
    %dma_start3A_16 = arith.constant 0 : i32
    %dma_start3A_17 = tpu.memref_slice %arg8[%dma_start3A_15, %dma_start3A_16] : memref<40x128xi32, #tpu.memory_space<vmem>> -> memref<1x128xi32, #tpu.memory_space<vmem>>
    %dma_start3A_18 = tpu.memref_squeeze %dma_start3A_17 : memref<1x128xi32, #tpu.memory_space<vmem>> -> memref<128xi32, #tpu.memory_space<vmem>>
    %dma_start3A_19 = arith.constant 0 : i32
    %dma_start3A_20 = arith.constant 0 : i32
    %dma_start3A_21 = tpu.memref_slice %arg2[%dma_start3A_19, %dma_start3A_20] : memref<10240x128xf32, #tpu.memory_space<hbm>> -> memref<10240x128xf32, #tpu.memory_space<hbm>>
    tpu.enqueue_indirect_dma source(%dma_start3A_21 : memref<10240x128xf32, #tpu.memory_space<hbm>>) target(%arg10 : memref<128x128xf32, #tpu.memory_space<vmem>>) offsets(%dma_start3A_18 : memref<128xi32, #tpu.memory_space<vmem>>) semaphore(%arg12 : memref<!tpu.dma_semaphore, #tpu.memory_space<semaphore_mem>>)
    %scan3A = arith.constant 0 : i32
    %scan3A_22 = arith.constant 0 : i32
    %scan3A_23 = arith.constant 20 : i32
    %scan3A_24 = arith.addi %scan3A_22, %scan3A_23 : i32
    %scan3A_25 = arith.constant 1 : i32
    scf.for %scan3A_62 = %scan3A_22 to %scan3A_24 step %scan3A_25  : i32 {
      %mul3A_63 = arith.constant 2 : i32
      %mul3A_64 = arith.muli %mul3A_63, %scan3A_62 : i32
      %mul3A_65 = arith.constant 2 : i32
      %mul3A_66 = arith.muli %mul3A_65, %scan3A_62 : i32
      %add3A_67 = arith.constant 1 : i32
      %add3A_68 = arith.addi %mul3A_66, %add3A_67 : i32
      %dma_wait3A_69 = arith.constant 0 : i32
      %dma_wait3A_70 = arith.constant 0 : i32
      %dma_wait3A_71 = tpu.memref_slice %arg8[%dma_wait3A_69, %dma_wait3A_70] : memref<40x128xi32, #tpu.memory_space<vmem>> -> memref<1x128xi32, #tpu.memory_space<vmem>>
      %dma_wait3A_72 = tpu.memref_squeeze %dma_wait3A_71 : memref<1x128xi32, #tpu.memory_space<vmem>> -> memref<128xi32, #tpu.memory_space<vmem>>
      %dma_wait3A_73 = arith.constant 0 : i32
      %dma_wait3A_74 = arith.constant 0 : i32
      %dma_wait3A_75 = tpu.memref_slice %arg2[%dma_wait3A_73, %dma_wait3A_74] : memref<10240x128xf32, #tpu.memory_space<hbm>> -> memref<10240x128xf32, #tpu.memory_space<hbm>>
      tpu.wait_indirect_dma semaphore(%arg12 : memref<!tpu.dma_semaphore, #tpu.memory_space<semaphore_mem>>) src(%dma_wait3A_75 : memref<10240x128xf32, #tpu.memory_space<hbm>>) dst(%arg10 : memref<128x128xf32, #tpu.memory_space<vmem>>)
      %dma_start3A_76 = arith.constant 0 : i32
      %dma_start3A_77 = tpu.memref_slice %arg9[%mul3A_64, %dma_start3A_76] : memref<40x128xi32, #tpu.memory_space<vmem>> -> memref<1x128xi32, #tpu.memory_space<vmem>>
      %dma_start3A_78 = tpu.memref_squeeze %dma_start3A_77 : memref<1x128xi32, #tpu.memory_space<vmem>> -> memref<128xi32, #tpu.memory_space<vmem>>
      %dma_start3A_79 = arith.constant 0 : i32
      %dma_start3A_80 = arith.constant 0 : i32
      %dma_start3A_81 = tpu.memref_slice %arg7[%dma_start3A_79, %dma_start3A_80] : memref<10240x128xf32, #tpu.memory_space<vmem_shared>> -> memref<10240x128xf32, #tpu.memory_space<vmem_shared>>
      tpu.enqueue_indirect_dma source(%arg10 : memref<128x128xf32, #tpu.memory_space<vmem>>) target(%dma_start3A_81 : memref<10240x128xf32, #tpu.memory_space<vmem_shared>>) offsets(%dma_start3A_78 : memref<128xi32, #tpu.memory_space<vmem>>) semaphore(%arg14 : memref<!tpu.dma_semaphore, #tpu.memory_space<semaphore_mem>>) {add = true}
      %gt3A = arith.constant 0 : i32
      %gt3A_82 = arith.cmpi sgt, %scan3A_62, %gt3A : i32
      %convert_element_type3A = arith.extui %gt3A_82 : i1 to i32
      %cond3A = arith.constant 0 : i32
      %cond3A_83 = arith.cmpi ne, %convert_element_type3A, %cond3A : i32
      scf.if %cond3A_83 {
        %dma_wait3A_116 = arith.constant 0 : i32
        %dma_wait3A_117 = arith.constant 0 : i32
        %dma_wait3A_118 = tpu.memref_slice %arg9[%dma_wait3A_116, %dma_wait3A_117] : memref<40x128xi32, #tpu.memory_space<vmem>> -> memref<1x128xi32, #tpu.memory_space<vmem>>
        %dma_wait3A_119 = tpu.memref_squeeze %dma_wait3A_118 : memref<1x128xi32, #tpu.memory_space<vmem>> -> memref<128xi32, #tpu.memory_space<vmem>>
        %dma_wait3A_120 = arith.constant 0 : i32
        %dma_wait3A_121 = arith.constant 0 : i32
        %dma_wait3A_122 = tpu.memref_slice %arg7[%dma_wait3A_120, %dma_wait3A_121] : memref<10240x128xf32, #tpu.memory_space<vmem_shared>> -> memref<10240x128xf32, #tpu.memory_space<vmem_shared>>
        tpu.wait_indirect_dma semaphore(%arg15 : memref<!tpu.dma_semaphore, #tpu.memory_space<semaphore_mem>>) src(%arg11 : memref<128x128xf32, #tpu.memory_space<vmem>>) dst(%dma_wait3A_122 : memref<10240x128xf32, #tpu.memory_space<vmem_shared>>)
      } else {
      }
      %dma_start3A_84 = arith.constant 0 : i32
      %dma_start3A_85 = tpu.memref_slice %arg8[%add3A_68, %dma_start3A_84] : memref<40x128xi32, #tpu.memory_space<vmem>> -> memref<1x128xi32, #tpu.memory_space<vmem>>
      %dma_start3A_86 = tpu.memref_squeeze %dma_start3A_85 : memref<1x128xi32, #tpu.memory_space<vmem>> -> memref<128xi32, #tpu.memory_space<vmem>>
      %dma_start3A_87 = arith.constant 0 : i32
      %dma_start3A_88 = arith.constant 0 : i32
      %dma_start3A_89 = tpu.memref_slice %arg2[%dma_start3A_87, %dma_start3A_88] : memref<10240x128xf32, #tpu.memory_space<hbm>> -> memref<10240x128xf32, #tpu.memory_space<hbm>>
      tpu.enqueue_indirect_dma source(%dma_start3A_89 : memref<10240x128xf32, #tpu.memory_space<hbm>>) target(%arg11 : memref<128x128xf32, #tpu.memory_space<vmem>>) offsets(%dma_start3A_86 : memref<128xi32, #tpu.memory_space<vmem>>) semaphore(%arg13 : memref<!tpu.dma_semaphore, #tpu.memory_space<semaphore_mem>>)
      %dma_wait3A_90 = arith.constant 0 : i32
      %dma_wait3A_91 = arith.constant 0 : i32
      %dma_wait3A_92 = tpu.memref_slice %arg8[%dma_wait3A_90, %dma_wait3A_91] : memref<40x128xi32, #tpu.memory_space<vmem>> -> memref<1x128xi32, #tpu.memory_space<vmem>>
      %dma_wait3A_93 = tpu.memref_squeeze %dma_wait3A_92 : memref<1x128xi32, #tpu.memory_space<vmem>> -> memref<128xi32, #tpu.memory_space<vmem>>
      %dma_wait3A_94 = arith.constant 0 : i32
      %dma_wait3A_95 = arith.constant 0 : i32
      %dma_wait3A_96 = tpu.memref_slice %arg2[%dma_wait3A_94, %dma_wait3A_95] : memref<10240x128xf32, #tpu.memory_space<hbm>> -> memref<10240x128xf32, #tpu.memory_space<hbm>>
      tpu.wait_indirect_dma semaphore(%arg13 : memref<!tpu.dma_semaphore, #tpu.memory_space<semaphore_mem>>) src(%dma_wait3A_96 : memref<10240x128xf32, #tpu.memory_space<hbm>>) dst(%arg11 : memref<128x128xf32, #tpu.memory_space<vmem>>)
      %dma_start3A_97 = arith.constant 0 : i32
      %dma_start3A_98 = tpu.memref_slice %arg9[%add3A_68, %dma_start3A_97] : memref<40x128xi32, #tpu.memory_space<vmem>> -> memref<1x128xi32, #tpu.memory_space<vmem>>
      %dma_start3A_99 = tpu.memref_squeeze %dma_start3A_98 : memref<1x128xi32, #tpu.memory_space<vmem>> -> memref<128xi32, #tpu.memory_space<vmem>>
      %dma_start3A_100 = arith.constant 0 : i32
      %dma_start3A_101 = arith.constant 0 : i32
      %dma_start3A_102 = tpu.memref_slice %arg7[%dma_start3A_100, %dma_start3A_101] : memref<10240x128xf32, #tpu.memory_space<vmem_shared>> -> memref<10240x128xf32, #tpu.memory_space<vmem_shared>>
      tpu.enqueue_indirect_dma source(%arg11 : memref<128x128xf32, #tpu.memory_space<vmem>>) target(%dma_start3A_102 : memref<10240x128xf32, #tpu.memory_space<vmem_shared>>) offsets(%dma_start3A_99 : memref<128xi32, #tpu.memory_space<vmem>>) semaphore(%arg15 : memref<!tpu.dma_semaphore, #tpu.memory_space<semaphore_mem>>) {add = true}
      %dma_wait3A_103 = arith.constant 0 : i32
      %dma_wait3A_104 = arith.constant 0 : i32
      %dma_wait3A_105 = tpu.memref_slice %arg9[%dma_wait3A_103, %dma_wait3A_104] : memref<40x128xi32, #tpu.memory_space<vmem>> -> memref<1x128xi32, #tpu.memory_space<vmem>>
      %dma_wait3A_106 = tpu.memref_squeeze %dma_wait3A_105 : memref<1x128xi32, #tpu.memory_space<vmem>> -> memref<128xi32, #tpu.memory_space<vmem>>
      %dma_wait3A_107 = arith.constant 0 : i32
      %dma_wait3A_108 = arith.constant 0 : i32
      %dma_wait3A_109 = tpu.memref_slice %arg7[%dma_wait3A_107, %dma_wait3A_108] : memref<10240x128xf32, #tpu.memory_space<vmem_shared>> -> memref<10240x128xf32, #tpu.memory_space<vmem_shared>>
      tpu.wait_indirect_dma semaphore(%arg14 : memref<!tpu.dma_semaphore, #tpu.memory_space<semaphore_mem>>) src(%arg10 : memref<128x128xf32, #tpu.memory_space<vmem>>) dst(%dma_wait3A_109 : memref<10240x128xf32, #tpu.memory_space<vmem_shared>>)
      %add3A_110 = arith.constant 2 : i32
      %add3A_111 = arith.addi %mul3A_64, %add3A_110 : i32
      %lt3A = arith.constant 40 : i32
      %lt3A_112 = arith.cmpi slt, %add3A_111, %lt3A : i32
      %convert_element_type3A_113 = arith.extui %lt3A_112 : i1 to i32
      %cond3A_114 = arith.constant 0 : i32
      %cond3A_115 = arith.cmpi ne, %convert_element_type3A_113, %cond3A_114 : i32
      scf.if %cond3A_115 {
        %add3A_116 = arith.constant 2 : i32
        %add3A_117 = arith.addi %mul3A_64, %add3A_116 : i32
        %dma_start3A_118 = arith.constant 0 : i32
        %dma_start3A_119 = tpu.memref_slice %arg8[%add3A_117, %dma_start3A_118] : memref<40x128xi32, #tpu.memory_space<vmem>> -> memref<1x128xi32, #tpu.memory_space<vmem>>
        %dma_start3A_120 = tpu.memref_squeeze %dma_start3A_119 : memref<1x128xi32, #tpu.memory_space<vmem>> -> memref<128xi32, #tpu.memory_space<vmem>>
        %dma_start3A_121 = arith.constant 0 : i32
        %dma_start3A_122 = arith.constant 0 : i32
        %dma_start3A_123 = tpu.memref_slice %arg2[%dma_start3A_121, %dma_start3A_122] : memref<10240x128xf32, #tpu.memory_space<hbm>> -> memref<10240x128xf32, #tpu.memory_space<hbm>>
        tpu.enqueue_indirect_dma source(%dma_start3A_123 : memref<10240x128xf32, #tpu.memory_space<hbm>>) target(%arg10 : memref<128x128xf32, #tpu.memory_space<vmem>>) offsets(%dma_start3A_120 : memref<128xi32, #tpu.memory_space<vmem>>) semaphore(%arg12 : memref<!tpu.dma_semaphore, #tpu.memory_space<semaphore_mem>>)
      } else {
      }
    }
    %scan3A_26 = arith.constant 20 : i32
    %dma_wait3A_27 = arith.constant 0 : i32
    %dma_wait3A_28 = arith.constant 0 : i32
    %dma_wait3A_29 = tpu.memref_slice %arg9[%dma_wait3A_27, %dma_wait3A_28] : memref<40x128xi32, #tpu.memory_space<vmem>> -> memref<1x128xi32, #tpu.memory_space<vmem>>
    %dma_wait3A_30 = tpu.memref_squeeze %dma_wait3A_29 : memref<1x128xi32, #tpu.memory_space<vmem>> -> memref<128xi32, #tpu.memory_space<vmem>>
    %dma_wait3A_31 = arith.constant 0 : i32
    %dma_wait3A_32 = arith.constant 0 : i32
    %dma_wait3A_33 = tpu.memref_slice %arg7[%dma_wait3A_31, %dma_wait3A_32] : memref<10240x128xf32, #tpu.memory_space<vmem_shared>> -> memref<10240x128xf32, #tpu.memory_space<vmem_shared>>
    tpu.wait_indirect_dma semaphore(%arg15 : memref<!tpu.dma_semaphore, #tpu.memory_space<semaphore_mem>>) src(%arg11 : memref<128x128xf32, #tpu.memory_space<vmem>>) dst(%dma_wait3A_33 : memref<10240x128xf32, #tpu.memory_space<vmem_shared>>)
    %add3A_34 = arith.constant 40 : i32
    %add3A_35 = arith.addi %mul3A_4, %add3A_34 : i32
    "tpu.region"() ({
      %run_scoped3A = tpu.sem_alloc : memref<!tpu.dma_semaphore, #tpu.memory_space<semaphore_mem>>
      %dma_start3A_62 = arith.constant 0 : i32
      %dma_start3A_63 = tpu.memref_slice %arg3[%add3A_35, %dma_start3A_62] : memref<2560x128xi32, #tpu.memory_space<hbm>> -> memref<40x128xi32, #tpu.memory_space<hbm>>
      %dma_start3A_64 = arith.constant 0 : i32
      %dma_start3A_65 = tpu.memref_slice %arg3[%add3A_35, %dma_start3A_64] : memref<2560x128xi32, #tpu.memory_space<hbm>> -> memref<40x128xi32, #tpu.memory_space<hbm>>
      tpu.enqueue_dma source(%dma_start3A_65 : memref<40x128xi32, #tpu.memory_space<hbm>>) target(%arg8 : memref<40x128xi32, #tpu.memory_space<vmem>>) target_semaphore(%run_scoped3A : memref<!tpu.dma_semaphore, #tpu.memory_space<semaphore_mem>>)
      %dma_wait3A_66 = arith.constant 0 : i32
      %dma_wait3A_67 = tpu.memref_slice %arg3[%add3A_35, %dma_wait3A_66] : memref<2560x128xi32, #tpu.memory_space<hbm>> -> memref<40x128xi32, #tpu.memory_space<hbm>>
      %dma_wait3A_68 = arith.constant 0 : i32
      %dma_wait3A_69 = tpu.memref_slice %arg3[%add3A_35, %dma_wait3A_68] : memref<2560x128xi32, #tpu.memory_space<hbm>> -> memref<40x128xi32, #tpu.memory_space<hbm>>
      tpu.wait_dma2 semaphore(%run_scoped3A : memref<!tpu.dma_semaphore, #tpu.memory_space<semaphore_mem>>) src(%dma_wait3A_69 : memref<40x128xi32, #tpu.memory_space<hbm>>) dst(%arg8 : memref<40x128xi32, #tpu.memory_space<vmem>>)
      tpu.yield
    }) : () -> ()
    %add3A_36 = arith.constant 40 : i32
    %add3A_37 = arith.addi %mul3A_4, %add3A_36 : i32
    "tpu.region"() ({
      %run_scoped3A = tpu.sem_alloc : memref<!tpu.dma_semaphore, #tpu.memory_space<semaphore_mem>>
      %dma_start3A_62 = arith.constant 0 : i32
      %dma_start3A_63 = tpu.memref_slice %arg4[%add3A_37, %dma_start3A_62] : memref<2560x128xi32, #tpu.memory_space<hbm>> -> memref<40x128xi32, #tpu.memory_space<hbm>>
      %dma_start3A_64 = arith.constant 0 : i32
      %dma_start3A_65 = tpu.memref_slice %arg4[%add3A_37, %dma_start3A_64] : memref<2560x128xi32, #tpu.memory_space<hbm>> -> memref<40x128xi32, #tpu.memory_space<hbm>>
      tpu.enqueue_dma source(%dma_start3A_65 : memref<40x128xi32, #tpu.memory_space<hbm>>) target(%arg9 : memref<40x128xi32, #tpu.memory_space<vmem>>) target_semaphore(%run_scoped3A : memref<!tpu.dma_semaphore, #tpu.memory_space<semaphore_mem>>)
      %dma_wait3A_66 = arith.constant 0 : i32
      %dma_wait3A_67 = tpu.memref_slice %arg4[%add3A_37, %dma_wait3A_66] : memref<2560x128xi32, #tpu.memory_space<hbm>> -> memref<40x128xi32, #tpu.memory_space<hbm>>
      %dma_wait3A_68 = arith.constant 0 : i32
      %dma_wait3A_69 = tpu.memref_slice %arg4[%add3A_37, %dma_wait3A_68] : memref<2560x128xi32, #tpu.memory_space<hbm>> -> memref<40x128xi32, #tpu.memory_space<hbm>>
      tpu.wait_dma2 semaphore(%run_scoped3A : memref<!tpu.dma_semaphore, #tpu.memory_space<semaphore_mem>>) src(%dma_wait3A_69 : memref<40x128xi32, #tpu.memory_space<hbm>>) dst(%arg9 : memref<40x128xi32, #tpu.memory_space<vmem>>)
      tpu.yield
    }) : () -> ()
    %dma_start3A_38 = arith.constant 0 : i32
    %dma_start3A_39 = arith.constant 0 : i32
    %dma_start3A_40 = tpu.memref_slice %arg8[%dma_start3A_38, %dma_start3A_39] : memref<40x128xi32, #tpu.memory_space<vmem>> -> memref<1x128xi32, #tpu.memory_space<vmem>>
    %dma_start3A_41 = tpu.memref_squeeze %dma_start3A_40 : memref<1x128xi32, #tpu.memory_space<vmem>> -> memref<128xi32, #tpu.memory_space<vmem>>
    %dma_start3A_42 = arith.constant 0 : i32
    %dma_start3A_43 = arith.constant 0 : i32
    %dma_start3A_44 = tpu.memref_slice %arg2[%dma_start3A_42, %dma_start3A_43] : memref<10240x128xf32, #tpu.memory_space<hbm>> -> memref<10240x128xf32, #tpu.memory_space<hbm>>
    tpu.enqueue_indirect_dma source(%dma_start3A_44 : memref<10240x128xf32, #tpu.memory_space<hbm>>) target(%arg10 : memref<128x128xf32, #tpu.memory_space<vmem>>) offsets(%dma_start3A_41 : memref<128xi32, #tpu.memory_space<vmem>>) semaphore(%arg12 : memref<!tpu.dma_semaphore, #tpu.memory_space<semaphore_mem>>)
    %scan3A_45 = arith.constant 0 : i32
    %scan3A_46 = arith.constant 0 : i32
    %scan3A_47 = arith.constant 20 : i32
    %scan3A_48 = arith.addi %scan3A_46, %scan3A_47 : i32
    %scan3A_49 = arith.constant 1 : i32
    scf.for %scan3A_62 = %scan3A_46 to %scan3A_48 step %scan3A_49  : i32 {
      %mul3A_63 = arith.constant 2 : i32
      %mul3A_64 = arith.muli %mul3A_63, %scan3A_62 : i32
      %mul3A_65 = arith.constant 2 : i32
      %mul3A_66 = arith.muli %mul3A_65, %scan3A_62 : i32
      %add3A_67 = arith.constant 1 : i32
      %add3A_68 = arith.addi %mul3A_66, %add3A_67 : i32
      %dma_wait3A_69 = arith.constant 0 : i32
      %dma_wait3A_70 = arith.constant 0 : i32
      %dma_wait3A_71 = tpu.memref_slice %arg8[%dma_wait3A_69, %dma_wait3A_70] : memref<40x128xi32, #tpu.memory_space<vmem>> -> memref<1x128xi32, #tpu.memory_space<vmem>>
      %dma_wait3A_72 = tpu.memref_squeeze %dma_wait3A_71 : memref<1x128xi32, #tpu.memory_space<vmem>> -> memref<128xi32, #tpu.memory_space<vmem>>
      %dma_wait3A_73 = arith.constant 0 : i32
      %dma_wait3A_74 = arith.constant 0 : i32
      %dma_wait3A_75 = tpu.memref_slice %arg2[%dma_wait3A_73, %dma_wait3A_74] : memref<10240x128xf32, #tpu.memory_space<hbm>> -> memref<10240x128xf32, #tpu.memory_space<hbm>>
      tpu.wait_indirect_dma semaphore(%arg12 : memref<!tpu.dma_semaphore, #tpu.memory_space<semaphore_mem>>) src(%dma_wait3A_75 : memref<10240x128xf32, #tpu.memory_space<hbm>>) dst(%arg10 : memref<128x128xf32, #tpu.memory_space<vmem>>)
      %dma_start3A_76 = arith.constant 0 : i32
      %dma_start3A_77 = tpu.memref_slice %arg9[%mul3A_64, %dma_start3A_76] : memref<40x128xi32, #tpu.memory_space<vmem>> -> memref<1x128xi32, #tpu.memory_space<vmem>>
      %dma_start3A_78 = tpu.memref_squeeze %dma_start3A_77 : memref<1x128xi32, #tpu.memory_space<vmem>> -> memref<128xi32, #tpu.memory_space<vmem>>
      %dma_start3A_79 = arith.constant 0 : i32
      %dma_start3A_80 = arith.constant 0 : i32
      %dma_start3A_81 = tpu.memref_slice %arg7[%dma_start3A_79, %dma_start3A_80] : memref<10240x128xf32, #tpu.memory_space<vmem_shared>> -> memref<10240x128xf32, #tpu.memory_space<vmem_shared>>
      tpu.enqueue_indirect_dma source(%arg10 : memref<128x128xf32, #tpu.memory_space<vmem>>) target(%dma_start3A_81 : memref<10240x128xf32, #tpu.memory_space<vmem_shared>>) offsets(%dma_start3A_78 : memref<128xi32, #tpu.memory_space<vmem>>) semaphore(%arg14 : memref<!tpu.dma_semaphore, #tpu.memory_space<semaphore_mem>>) {add = true}
      %gt3A = arith.constant 0 : i32
      %gt3A_82 = arith.cmpi sgt, %scan3A_62, %gt3A : i32
      %convert_element_type3A = arith.extui %gt3A_82 : i1 to i32
      %cond3A = arith.constant 0 : i32
      %cond3A_83 = arith.cmpi ne, %convert_element_type3A, %cond3A : i32
      scf.if %cond3A_83 {
        %dma_wait3A_116 = arith.constant 0 : i32
        %dma_wait3A_117 = arith.constant 0 : i32
        %dma_wait3A_118 = tpu.memref_slice %arg9[%dma_wait3A_116, %dma_wait3A_117] : memref<40x128xi32, #tpu.memory_space<vmem>> -> memref<1x128xi32, #tpu.memory_space<vmem>>
        %dma_wait3A_119 = tpu.memref_squeeze %dma_wait3A_118 : memref<1x128xi32, #tpu.memory_space<vmem>> -> memref<128xi32, #tpu.memory_space<vmem>>
        %dma_wait3A_120 = arith.constant 0 : i32
        %dma_wait3A_121 = arith.constant 0 : i32
        %dma_wait3A_122 = tpu.memref_slice %arg7[%dma_wait3A_120, %dma_wait3A_121] : memref<10240x128xf32, #tpu.memory_space<vmem_shared>> -> memref<10240x128xf32, #tpu.memory_space<vmem_shared>>
        tpu.wait_indirect_dma semaphore(%arg15 : memref<!tpu.dma_semaphore, #tpu.memory_space<semaphore_mem>>) src(%arg11 : memref<128x128xf32, #tpu.memory_space<vmem>>) dst(%dma_wait3A_122 : memref<10240x128xf32, #tpu.memory_space<vmem_shared>>)
      } else {
      }
      %dma_start3A_84 = arith.constant 0 : i32
      %dma_start3A_85 = tpu.memref_slice %arg8[%add3A_68, %dma_start3A_84] : memref<40x128xi32, #tpu.memory_space<vmem>> -> memref<1x128xi32, #tpu.memory_space<vmem>>
      %dma_start3A_86 = tpu.memref_squeeze %dma_start3A_85 : memref<1x128xi32, #tpu.memory_space<vmem>> -> memref<128xi32, #tpu.memory_space<vmem>>
      %dma_start3A_87 = arith.constant 0 : i32
      %dma_start3A_88 = arith.constant 0 : i32
      %dma_start3A_89 = tpu.memref_slice %arg2[%dma_start3A_87, %dma_start3A_88] : memref<10240x128xf32, #tpu.memory_space<hbm>> -> memref<10240x128xf32, #tpu.memory_space<hbm>>
      tpu.enqueue_indirect_dma source(%dma_start3A_89 : memref<10240x128xf32, #tpu.memory_space<hbm>>) target(%arg11 : memref<128x128xf32, #tpu.memory_space<vmem>>) offsets(%dma_start3A_86 : memref<128xi32, #tpu.memory_space<vmem>>) semaphore(%arg13 : memref<!tpu.dma_semaphore, #tpu.memory_space<semaphore_mem>>)
      %dma_wait3A_90 = arith.constant 0 : i32
      %dma_wait3A_91 = arith.constant 0 : i32
      %dma_wait3A_92 = tpu.memref_slice %arg8[%dma_wait3A_90, %dma_wait3A_91] : memref<40x128xi32, #tpu.memory_space<vmem>> -> memref<1x128xi32, #tpu.memory_space<vmem>>
      %dma_wait3A_93 = tpu.memref_squeeze %dma_wait3A_92 : memref<1x128xi32, #tpu.memory_space<vmem>> -> memref<128xi32, #tpu.memory_space<vmem>>
      %dma_wait3A_94 = arith.constant 0 : i32
      %dma_wait3A_95 = arith.constant 0 : i32
      %dma_wait3A_96 = tpu.memref_slice %arg2[%dma_wait3A_94, %dma_wait3A_95] : memref<10240x128xf32, #tpu.memory_space<hbm>> -> memref<10240x128xf32, #tpu.memory_space<hbm>>
      tpu.wait_indirect_dma semaphore(%arg13 : memref<!tpu.dma_semaphore, #tpu.memory_space<semaphore_mem>>) src(%dma_wait3A_96 : memref<10240x128xf32, #tpu.memory_space<hbm>>) dst(%arg11 : memref<128x128xf32, #tpu.memory_space<vmem>>)
      %dma_start3A_97 = arith.constant 0 : i32
      %dma_start3A_98 = tpu.memref_slice %arg9[%add3A_68, %dma_start3A_97] : memref<40x128xi32, #tpu.memory_space<vmem>> -> memref<1x128xi32, #tpu.memory_space<vmem>>
      %dma_start3A_99 = tpu.memref_squeeze %dma_start3A_98 : memref<1x128xi32, #tpu.memory_space<vmem>> -> memref<128xi32, #tpu.memory_space<vmem>>
      %dma_start3A_100 = arith.constant 0 : i32
      %dma_start3A_101 = arith.constant 0 : i32
      %dma_start3A_102 = tpu.memref_slice %arg7[%dma_start3A_100, %dma_start3A_101] : memref<10240x128xf32, #tpu.memory_space<vmem_shared>> -> memref<10240x128xf32, #tpu.memory_space<vmem_shared>>
      tpu.enqueue_indirect_dma source(%arg11 : memref<128x128xf32, #tpu.memory_space<vmem>>) target(%dma_start3A_102 : memref<10240x128xf32, #tpu.memory_space<vmem_shared>>) offsets(%dma_start3A_99 : memref<128xi32, #tpu.memory_space<vmem>>) semaphore(%arg15 : memref<!tpu.dma_semaphore, #tpu.memory_space<semaphore_mem>>) {add = true}
      %dma_wait3A_103 = arith.constant 0 : i32
      %dma_wait3A_104 = arith.constant 0 : i32
      %dma_wait3A_105 = tpu.memref_slice %arg9[%dma_wait3A_103, %dma_wait3A_104] : memref<40x128xi32, #tpu.memory_space<vmem>> -> memref<1x128xi32, #tpu.memory_space<vmem>>
      %dma_wait3A_106 = tpu.memref_squeeze %dma_wait3A_105 : memref<1x128xi32, #tpu.memory_space<vmem>> -> memref<128xi32, #tpu.memory_space<vmem>>
      %dma_wait3A_107 = arith.constant 0 : i32
      %dma_wait3A_108 = arith.constant 0 : i32
      %dma_wait3A_109 = tpu.memref_slice %arg7[%dma_wait3A_107, %dma_wait3A_108] : memref<10240x128xf32, #tpu.memory_space<vmem_shared>> -> memref<10240x128xf32, #tpu.memory_space<vmem_shared>>
      tpu.wait_indirect_dma semaphore(%arg14 : memref<!tpu.dma_semaphore, #tpu.memory_space<semaphore_mem>>) src(%arg10 : memref<128x128xf32, #tpu.memory_space<vmem>>) dst(%dma_wait3A_109 : memref<10240x128xf32, #tpu.memory_space<vmem_shared>>)
      %add3A_110 = arith.constant 2 : i32
      %add3A_111 = arith.addi %mul3A_64, %add3A_110 : i32
      %lt3A = arith.constant 40 : i32
      %lt3A_112 = arith.cmpi slt, %add3A_111, %lt3A : i32
      %convert_element_type3A_113 = arith.extui %lt3A_112 : i1 to i32
      %cond3A_114 = arith.constant 0 : i32
      %cond3A_115 = arith.cmpi ne, %convert_element_type3A_113, %cond3A_114 : i32
      scf.if %cond3A_115 {
        %add3A_116 = arith.constant 2 : i32
        %add3A_117 = arith.addi %mul3A_64, %add3A_116 : i32
        %dma_start3A_118 = arith.constant 0 : i32
        %dma_start3A_119 = tpu.memref_slice %arg8[%add3A_117, %dma_start3A_118] : memref<40x128xi32, #tpu.memory_space<vmem>> -> memref<1x128xi32, #tpu.memory_space<vmem>>
        %dma_start3A_120 = tpu.memref_squeeze %dma_start3A_119 : memref<1x128xi32, #tpu.memory_space<vmem>> -> memref<128xi32, #tpu.memory_space<vmem>>
        %dma_start3A_121 = arith.constant 0 : i32
        %dma_start3A_122 = arith.constant 0 : i32
        %dma_start3A_123 = tpu.memref_slice %arg2[%dma_start3A_121, %dma_start3A_122] : memref<10240x128xf32, #tpu.memory_space<hbm>> -> memref<10240x128xf32, #tpu.memory_space<hbm>>
        tpu.enqueue_indirect_dma source(%dma_start3A_123 : memref<10240x128xf32, #tpu.memory_space<hbm>>) target(%arg10 : memref<128x128xf32, #tpu.memory_space<vmem>>) offsets(%dma_start3A_120 : memref<128xi32, #tpu.memory_space<vmem>>) semaphore(%arg12 : memref<!tpu.dma_semaphore, #tpu.memory_space<semaphore_mem>>)
      } else {
      }
    }
    %scan3A_50 = arith.constant 20 : i32
    %dma_wait3A_51 = arith.constant 0 : i32
    %dma_wait3A_52 = arith.constant 0 : i32
    %dma_wait3A_53 = tpu.memref_slice %arg9[%dma_wait3A_51, %dma_wait3A_52] : memref<40x128xi32, #tpu.memory_space<vmem>> -> memref<1x128xi32, #tpu.memory_space<vmem>>
    %dma_wait3A_54 = tpu.memref_squeeze %dma_wait3A_53 : memref<1x128xi32, #tpu.memory_space<vmem>> -> memref<128xi32, #tpu.memory_space<vmem>>
    %dma_wait3A_55 = arith.constant 0 : i32
    %dma_wait3A_56 = arith.constant 0 : i32
    %dma_wait3A_57 = tpu.memref_slice %arg7[%dma_wait3A_55, %dma_wait3A_56] : memref<10240x128xf32, #tpu.memory_space<vmem_shared>> -> memref<10240x128xf32, #tpu.memory_space<vmem_shared>>
    tpu.wait_indirect_dma semaphore(%arg15 : memref<!tpu.dma_semaphore, #tpu.memory_space<semaphore_mem>>) src(%arg11 : memref<128x128xf32, #tpu.memory_space<vmem>>) dst(%dma_wait3A_57 : memref<10240x128xf32, #tpu.memory_space<vmem_shared>>)
    %barrier3A_58 = arith.constant 0 : index
    tpu.barrier barrier_id(%barrier3A_58)
    %mul3A_59 = arith.constant 10240 : i32
    %mul3A_60 = arith.muli %arg0, %mul3A_59 : i32
    %add3A_61 = arith.addi %mul3A_60, %mul3A_2 : i32
    "tpu.region"() ({
      %run_scoped3A = tpu.sem_alloc : memref<!tpu.dma_semaphore, #tpu.memory_space<semaphore_mem>>
      %dma_start3A_62 = arith.constant 0 : i32
      %dma_start3A_63 = tpu.memref_slice %arg6[%add3A_61, %dma_start3A_62] : memref<20480x128xf32, #tpu.memory_space<hbm>> -> memref<640x128xf32, #tpu.memory_space<hbm>>
      %dma_start3A_64 = arith.constant 0 : i32
      %dma_start3A_65 = tpu.memref_slice %arg7[%mul3A_2, %dma_start3A_64] : memref<10240x128xf32, #tpu.memory_space<vmem_shared>> -> memref<640x128xf32, #tpu.memory_space<vmem_shared>>
      tpu.enqueue_dma source(%dma_start3A_65 : memref<640x128xf32, #tpu.memory_space<vmem_shared>>) target(%dma_start3A_63 : memref<640x128xf32, #tpu.memory_space<hbm>>) target_semaphore(%run_scoped3A : memref<!tpu.dma_semaphore, #tpu.memory_space<semaphore_mem>>)
      %dma_wait3A_66 = arith.constant 0 : i32
      %dma_wait3A_67 = tpu.memref_slice %arg6[%add3A_61, %dma_wait3A_66] : memref<20480x128xf32, #tpu.memory_space<hbm>> -> memref<640x128xf32, #tpu.memory_space<hbm>>
      %dma_wait3A_68 = arith.constant 0 : i32
      %dma_wait3A_69 = tpu.memref_slice %arg7[%mul3A_2, %dma_wait3A_68] : memref<10240x128xf32, #tpu.memory_space<vmem_shared>> -> memref<640x128xf32, #tpu.memory_space<vmem_shared>>
      tpu.wait_dma2 semaphore(%run_scoped3A : memref<!tpu.dma_semaphore, #tpu.memory_space<semaphore_mem>>) src(%dma_wait3A_69 : memref<640x128xf32, #tpu.memory_space<vmem_shared>>) dst(%dma_wait3A_67 : memref<640x128xf32, #tpu.memory_space<hbm>>)
      tpu.yield
    }) : () -> ()
    return
  }
}

#map = affine_map<(d0, d1) -> (0, 0)>
module attributes {stable_mosaic.version = 14 : i64} {
  func.func @agg(%arg0: i32, %arg1: i32, %arg2: memref<10240x128xf32, #tpu.memory_space<hbm>>, %arg3: memref<2560x128xi32, #tpu.memory_space<hbm>>, %arg4: memref<2560x128xi32, #tpu.memory_space<hbm>>, %arg5: memref<10240x128xf32, #tpu.memory_space<hbm>>, %arg6: memref<20480x128xf32, #tpu.memory_space<hbm>>, %arg7: memref<10240x128xf32, #tpu.memory_space<vmem_shared>>, %arg8: memref<40x128xi32, #tpu.memory_space<vmem>>, %arg9: memref<40x128xi32, #tpu.memory_space<vmem>>, %arg10: memref<128x128xf32, #tpu.memory_space<vmem>>, %arg11: memref<128x128xf32, #tpu.memory_space<vmem>>, %arg12: memref<!tpu.dma_semaphore, #tpu.memory_space<semaphore_mem>>, %arg13: memref<!tpu.dma_semaphore, #tpu.memory_space<semaphore_mem>>, %arg14: memref<!tpu.dma_semaphore, #tpu.memory_space<semaphore_mem>>, %arg15: memref<!tpu.dma_semaphore, #tpu.memory_space<semaphore_mem>>, %arg16: memref<!tpu.dma_semaphore, #tpu.memory_space<semaphore_mem>>) attributes {dimension_semantics = [#tpu.dimension_semantics<core_parallel>, #tpu.dimension_semantics<subcore_parallel>], iteration_bounds = array<i64: 2, 16>, scalar_prefetch = 0 : i64, scratch_operands = 10 : i64, tpu.core_type = #tpu.core_type<sc_vector_subcore>, window_params = [{transform_indices = #map}, {transform_indices = #map}, {transform_indices = #map}, {transform_indices = #map}, {transform_indices = #map}]} {
    %mul3A = arith.constant 2 : i32
    %mul3A_0 = arith.muli %arg1, %mul3A : i32
    %add3A = arith.addi %mul3A_0, %arg0 : i32
    %mul3A_1 = arith.constant 640 : i32
    %mul3A_2 = arith.muli %arg1, %mul3A_1 : i32
    %mul3A_3 = arith.constant 80 : i32
    %mul3A_4 = arith.muli %mul3A_3, %add3A : i32
    %dma_start3A = arith.constant 0 : i32
    %dma_start3A_5 = tpu.memref_slice %arg7[%mul3A_2, %dma_start3A] : memref<10240x128xf32, #tpu.memory_space<vmem_shared>> -> memref<640x128xf32, #tpu.memory_space<vmem_shared>>
    %dma_start3A_6 = arith.constant 0 : i32
    %dma_start3A_7 = tpu.memref_slice %arg5[%mul3A_2, %dma_start3A_6] : memref<10240x128xf32, #tpu.memory_space<hbm>> -> memref<640x128xf32, #tpu.memory_space<hbm>>
    tpu.enqueue_dma source(%dma_start3A_7 : memref<640x128xf32, #tpu.memory_space<hbm>>) target(%dma_start3A_5 : memref<640x128xf32, #tpu.memory_space<vmem_shared>>) target_semaphore(%arg16 : memref<!tpu.dma_semaphore, #tpu.memory_space<semaphore_mem>>)
    %add3A_8 = arith.constant 0 : i32
    %add3A_9 = arith.addi %mul3A_4, %add3A_8 : i32
    "tpu.region"() ({
      %run_scoped3A = tpu.sem_alloc : memref<!tpu.dma_semaphore, #tpu.memory_space<semaphore_mem>>
      %dma_start3A_62 = arith.constant 0 : i32
      %dma_start3A_63 = tpu.memref_slice %arg3[%add3A_9, %dma_start3A_62] : memref<2560x128xi32, #tpu.memory_space<hbm>> -> memref<40x128xi32, #tpu.memory_space<hbm>>
      %dma_start3A_64 = arith.constant 0 : i32
      %dma_start3A_65 = tpu.memref_slice %arg3[%add3A_9, %dma_start3A_64] : memref<2560x128xi32, #tpu.memory_space<hbm>> -> memref<40x128xi32, #tpu.memory_space<hbm>>
      tpu.enqueue_dma source(%dma_start3A_65 : memref<40x128xi32, #tpu.memory_space<hbm>>) target(%arg8 : memref<40x128xi32, #tpu.memory_space<vmem>>) target_semaphore(%run_scoped3A : memref<!tpu.dma_semaphore, #tpu.memory_space<semaphore_mem>>)
      %dma_wait3A_66 = arith.constant 0 : i32
      %dma_wait3A_67 = tpu.memref_slice %arg3[%add3A_9, %dma_wait3A_66] : memref<2560x128xi32, #tpu.memory_space<hbm>> -> memref<40x128xi32, #tpu.memory_space<hbm>>
      %dma_wait3A_68 = arith.constant 0 : i32
      %dma_wait3A_69 = tpu.memref_slice %arg3[%add3A_9, %dma_wait3A_68] : memref<2560x128xi32, #tpu.memory_space<hbm>> -> memref<40x128xi32, #tpu.memory_space<hbm>>
      tpu.wait_dma2 semaphore(%run_scoped3A : memref<!tpu.dma_semaphore, #tpu.memory_space<semaphore_mem>>) src(%dma_wait3A_69 : memref<40x128xi32, #tpu.memory_space<hbm>>) dst(%arg8 : memref<40x128xi32, #tpu.memory_space<vmem>>)
      tpu.yield
    }) : () -> ()
    %add3A_10 = arith.constant 0 : i32
    %add3A_11 = arith.addi %mul3A_4, %add3A_10 : i32
    "tpu.region"() ({
      %run_scoped3A = tpu.sem_alloc : memref<!tpu.dma_semaphore, #tpu.memory_space<semaphore_mem>>
      %dma_start3A_62 = arith.constant 0 : i32
      %dma_start3A_63 = tpu.memref_slice %arg4[%add3A_11, %dma_start3A_62] : memref<2560x128xi32, #tpu.memory_space<hbm>> -> memref<40x128xi32, #tpu.memory_space<hbm>>
      %dma_start3A_64 = arith.constant 0 : i32
      %dma_start3A_65 = tpu.memref_slice %arg4[%add3A_11, %dma_start3A_64] : memref<2560x128xi32, #tpu.memory_space<hbm>> -> memref<40x128xi32, #tpu.memory_space<hbm>>
      tpu.enqueue_dma source(%dma_start3A_65 : memref<40x128xi32, #tpu.memory_space<hbm>>) target(%arg9 : memref<40x128xi32, #tpu.memory_space<vmem>>) target_semaphore(%run_scoped3A : memref<!tpu.dma_semaphore, #tpu.memory_space<semaphore_mem>>)
      %dma_wait3A_66 = arith.constant 0 : i32
      %dma_wait3A_67 = tpu.memref_slice %arg4[%add3A_11, %dma_wait3A_66] : memref<2560x128xi32, #tpu.memory_space<hbm>> -> memref<40x128xi32, #tpu.memory_space<hbm>>
      %dma_wait3A_68 = arith.constant 0 : i32
      %dma_wait3A_69 = tpu.memref_slice %arg4[%add3A_11, %dma_wait3A_68] : memref<2560x128xi32, #tpu.memory_space<hbm>> -> memref<40x128xi32, #tpu.memory_space<hbm>>
      tpu.wait_dma2 semaphore(%run_scoped3A : memref<!tpu.dma_semaphore, #tpu.memory_space<semaphore_mem>>) src(%dma_wait3A_69 : memref<40x128xi32, #tpu.memory_space<hbm>>) dst(%arg9 : memref<40x128xi32, #tpu.memory_space<vmem>>)
      tpu.yield
    }) : () -> ()
    %dma_wait3A = arith.constant 0 : i32
    %dma_wait3A_12 = tpu.memref_slice %arg7[%mul3A_2, %dma_wait3A] : memref<10240x128xf32, #tpu.memory_space<vmem_shared>> -> memref<640x128xf32, #tpu.memory_space<vmem_shared>>
    %dma_wait3A_13 = arith.constant 0 : i32
    %dma_wait3A_14 = tpu.memref_slice %arg5[%mul3A_2, %dma_wait3A_13] : memref<10240x128xf32, #tpu.memory_space<hbm>> -> memref<640x128xf32, #tpu.memory_space<hbm>>
    tpu.wait_dma2 semaphore(%arg16 : memref<!tpu.dma_semaphore, #tpu.memory_space<semaphore_mem>>) src(%dma_wait3A_14 : memref<640x128xf32, #tpu.memory_space<hbm>>) dst(%dma_wait3A_12 : memref<640x128xf32, #tpu.memory_space<vmem_shared>>)
    %barrier3A = arith.constant 0 : index
    tpu.barrier barrier_id(%barrier3A)
    %dma_start3A_15 = arith.constant 0 : i32
    %dma_start3A_16 = arith.constant 0 : i32
    %dma_start3A_17 = tpu.memref_slice %arg8[%dma_start3A_15, %dma_start3A_16] : memref<40x128xi32, #tpu.memory_space<vmem>> -> memref<1x128xi32, #tpu.memory_space<vmem>>
    %dma_start3A_18 = tpu.memref_squeeze %dma_start3A_17 : memref<1x128xi32, #tpu.memory_space<vmem>> -> memref<128xi32, #tpu.memory_space<vmem>>
    %dma_start3A_19 = arith.constant 0 : i32
    %dma_start3A_20 = arith.constant 0 : i32
    %dma_start3A_21 = tpu.memref_slice %arg2[%dma_start3A_19, %dma_start3A_20] : memref<10240x128xf32, #tpu.memory_space<hbm>> -> memref<10240x128xf32, #tpu.memory_space<hbm>>
    tpu.enqueue_indirect_dma source(%dma_start3A_21 : memref<10240x128xf32, #tpu.memory_space<hbm>>) target(%arg10 : memref<128x128xf32, #tpu.memory_space<vmem>>) offsets(%dma_start3A_18 : memref<128xi32, #tpu.memory_space<vmem>>) semaphore(%arg12 : memref<!tpu.dma_semaphore, #tpu.memory_space<semaphore_mem>>)
    %scan3A = arith.constant 0 : i32
    %scan3A_22 = arith.constant 0 : i32
    %scan3A_23 = arith.constant 20 : i32
    %scan3A_24 = arith.addi %scan3A_22, %scan3A_23 : i32
    %scan3A_25 = arith.constant 1 : i32
    scf.for %scan3A_62 = %scan3A_22 to %scan3A_24 step %scan3A_25  : i32 {
      %mul3A_63 = arith.constant 2 : i32
      %mul3A_64 = arith.muli %mul3A_63, %scan3A_62 : i32
      %mul3A_65 = arith.constant 2 : i32
      %mul3A_66 = arith.muli %mul3A_65, %scan3A_62 : i32
      %add3A_67 = arith.constant 1 : i32
      %add3A_68 = arith.addi %mul3A_66, %add3A_67 : i32
      %dma_wait3A_69 = arith.constant 0 : i32
      %dma_wait3A_70 = arith.constant 0 : i32
      %dma_wait3A_71 = tpu.memref_slice %arg8[%dma_wait3A_69, %dma_wait3A_70] : memref<40x128xi32, #tpu.memory_space<vmem>> -> memref<1x128xi32, #tpu.memory_space<vmem>>
      %dma_wait3A_72 = tpu.memref_squeeze %dma_wait3A_71 : memref<1x128xi32, #tpu.memory_space<vmem>> -> memref<128xi32, #tpu.memory_space<vmem>>
      %dma_wait3A_73 = arith.constant 0 : i32
      %dma_wait3A_74 = arith.constant 0 : i32
      %dma_wait3A_75 = tpu.memref_slice %arg2[%dma_wait3A_73, %dma_wait3A_74] : memref<10240x128xf32, #tpu.memory_space<hbm>> -> memref<10240x128xf32, #tpu.memory_space<hbm>>
      tpu.wait_indirect_dma semaphore(%arg12 : memref<!tpu.dma_semaphore, #tpu.memory_space<semaphore_mem>>) src(%dma_wait3A_75 : memref<10240x128xf32, #tpu.memory_space<hbm>>) dst(%arg10 : memref<128x128xf32, #tpu.memory_space<vmem>>)
      %dma_start3A_76 = arith.constant 0 : i32
      %dma_start3A_77 = tpu.memref_slice %arg9[%mul3A_64, %dma_start3A_76] : memref<40x128xi32, #tpu.memory_space<vmem>> -> memref<1x128xi32, #tpu.memory_space<vmem>>
      %dma_start3A_78 = tpu.memref_squeeze %dma_start3A_77 : memref<1x128xi32, #tpu.memory_space<vmem>> -> memref<128xi32, #tpu.memory_space<vmem>>
      %dma_start3A_79 = arith.constant 0 : i32
      %dma_start3A_80 = arith.constant 0 : i32
      %dma_start3A_81 = tpu.memref_slice %arg7[%dma_start3A_79, %dma_start3A_80] : memref<10240x128xf32, #tpu.memory_space<vmem_shared>> -> memref<10240x128xf32, #tpu.memory_space<vmem_shared>>
      tpu.enqueue_indirect_dma source(%arg10 : memref<128x128xf32, #tpu.memory_space<vmem>>) target(%dma_start3A_81 : memref<10240x128xf32, #tpu.memory_space<vmem_shared>>) offsets(%dma_start3A_78 : memref<128xi32, #tpu.memory_space<vmem>>) semaphore(%arg14 : memref<!tpu.dma_semaphore, #tpu.memory_space<semaphore_mem>>) {add = true}
      %gt3A = arith.constant 0 : i32
      %gt3A_82 = arith.cmpi sgt, %scan3A_62, %gt3A : i32
      %convert_element_type3A = arith.extui %gt3A_82 : i1 to i32
      %cond3A = arith.constant 0 : i32
      %cond3A_83 = arith.cmpi ne, %convert_element_type3A, %cond3A : i32
      scf.if %cond3A_83 {
        %dma_wait3A_116 = arith.constant 0 : i32
        %dma_wait3A_117 = arith.constant 0 : i32
        %dma_wait3A_118 = tpu.memref_slice %arg9[%dma_wait3A_116, %dma_wait3A_117] : memref<40x128xi32, #tpu.memory_space<vmem>> -> memref<1x128xi32, #tpu.memory_space<vmem>>
        %dma_wait3A_119 = tpu.memref_squeeze %dma_wait3A_118 : memref<1x128xi32, #tpu.memory_space<vmem>> -> memref<128xi32, #tpu.memory_space<vmem>>
        %dma_wait3A_120 = arith.constant 0 : i32
        %dma_wait3A_121 = arith.constant 0 : i32
        %dma_wait3A_122 = tpu.memref_slice %arg7[%dma_wait3A_120, %dma_wait3A_121] : memref<10240x128xf32, #tpu.memory_space<vmem_shared>> -> memref<10240x128xf32, #tpu.memory_space<vmem_shared>>
        tpu.wait_indirect_dma semaphore(%arg15 : memref<!tpu.dma_semaphore, #tpu.memory_space<semaphore_mem>>) src(%arg11 : memref<128x128xf32, #tpu.memory_space<vmem>>) dst(%dma_wait3A_122 : memref<10240x128xf32, #tpu.memory_space<vmem_shared>>)
      } else {
      }
      %dma_start3A_84 = arith.constant 0 : i32
      %dma_start3A_85 = tpu.memref_slice %arg8[%add3A_68, %dma_start3A_84] : memref<40x128xi32, #tpu.memory_space<vmem>> -> memref<1x128xi32, #tpu.memory_space<vmem>>
      %dma_start3A_86 = tpu.memref_squeeze %dma_start3A_85 : memref<1x128xi32, #tpu.memory_space<vmem>> -> memref<128xi32, #tpu.memory_space<vmem>>
      %dma_start3A_87 = arith.constant 0 : i32
      %dma_start3A_88 = arith.constant 0 : i32
      %dma_start3A_89 = tpu.memref_slice %arg2[%dma_start3A_87, %dma_start3A_88] : memref<10240x128xf32, #tpu.memory_space<hbm>> -> memref<10240x128xf32, #tpu.memory_space<hbm>>
      tpu.enqueue_indirect_dma source(%dma_start3A_89 : memref<10240x128xf32, #tpu.memory_space<hbm>>) target(%arg11 : memref<128x128xf32, #tpu.memory_space<vmem>>) offsets(%dma_start3A_86 : memref<128xi32, #tpu.memory_space<vmem>>) semaphore(%arg13 : memref<!tpu.dma_semaphore, #tpu.memory_space<semaphore_mem>>)
      %dma_wait3A_90 = arith.constant 0 : i32
      %dma_wait3A_91 = arith.constant 0 : i32
      %dma_wait3A_92 = tpu.memref_slice %arg8[%dma_wait3A_90, %dma_wait3A_91] : memref<40x128xi32, #tpu.memory_space<vmem>> -> memref<1x128xi32, #tpu.memory_space<vmem>>
      %dma_wait3A_93 = tpu.memref_squeeze %dma_wait3A_92 : memref<1x128xi32, #tpu.memory_space<vmem>> -> memref<128xi32, #tpu.memory_space<vmem>>
      %dma_wait3A_94 = arith.constant 0 : i32
      %dma_wait3A_95 = arith.constant 0 : i32
      %dma_wait3A_96 = tpu.memref_slice %arg2[%dma_wait3A_94, %dma_wait3A_95] : memref<10240x128xf32, #tpu.memory_space<hbm>> -> memref<10240x128xf32, #tpu.memory_space<hbm>>
      tpu.wait_indirect_dma semaphore(%arg13 : memref<!tpu.dma_semaphore, #tpu.memory_space<semaphore_mem>>) src(%dma_wait3A_96 : memref<10240x128xf32, #tpu.memory_space<hbm>>) dst(%arg11 : memref<128x128xf32, #tpu.memory_space<vmem>>)
      %dma_start3A_97 = arith.constant 0 : i32
      %dma_start3A_98 = tpu.memref_slice %arg9[%add3A_68, %dma_start3A_97] : memref<40x128xi32, #tpu.memory_space<vmem>> -> memref<1x128xi32, #tpu.memory_space<vmem>>
      %dma_start3A_99 = tpu.memref_squeeze %dma_start3A_98 : memref<1x128xi32, #tpu.memory_space<vmem>> -> memref<128xi32, #tpu.memory_space<vmem>>
      %dma_start3A_100 = arith.constant 0 : i32
      %dma_start3A_101 = arith.constant 0 : i32
      %dma_start3A_102 = tpu.memref_slice %arg7[%dma_start3A_100, %dma_start3A_101] : memref<10240x128xf32, #tpu.memory_space<vmem_shared>> -> memref<10240x128xf32, #tpu.memory_space<vmem_shared>>
      tpu.enqueue_indirect_dma source(%arg11 : memref<128x128xf32, #tpu.memory_space<vmem>>) target(%dma_start3A_102 : memref<10240x128xf32, #tpu.memory_space<vmem_shared>>) offsets(%dma_start3A_99 : memref<128xi32, #tpu.memory_space<vmem>>) semaphore(%arg15 : memref<!tpu.dma_semaphore, #tpu.memory_space<semaphore_mem>>) {add = true}
      %dma_wait3A_103 = arith.constant 0 : i32
      %dma_wait3A_104 = arith.constant 0 : i32
      %dma_wait3A_105 = tpu.memref_slice %arg9[%dma_wait3A_103, %dma_wait3A_104] : memref<40x128xi32, #tpu.memory_space<vmem>> -> memref<1x128xi32, #tpu.memory_space<vmem>>
      %dma_wait3A_106 = tpu.memref_squeeze %dma_wait3A_105 : memref<1x128xi32, #tpu.memory_space<vmem>> -> memref<128xi32, #tpu.memory_space<vmem>>
      %dma_wait3A_107 = arith.constant 0 : i32
      %dma_wait3A_108 = arith.constant 0 : i32
      %dma_wait3A_109 = tpu.memref_slice %arg7[%dma_wait3A_107, %dma_wait3A_108] : memref<10240x128xf32, #tpu.memory_space<vmem_shared>> -> memref<10240x128xf32, #tpu.memory_space<vmem_shared>>
      tpu.wait_indirect_dma semaphore(%arg14 : memref<!tpu.dma_semaphore, #tpu.memory_space<semaphore_mem>>) src(%arg10 : memref<128x128xf32, #tpu.memory_space<vmem>>) dst(%dma_wait3A_109 : memref<10240x128xf32, #tpu.memory_space<vmem_shared>>)
      %add3A_110 = arith.constant 2 : i32
      %add3A_111 = arith.addi %mul3A_64, %add3A_110 : i32
      %lt3A = arith.constant 40 : i32
      %lt3A_112 = arith.cmpi slt, %add3A_111, %lt3A : i32
      %convert_element_type3A_113 = arith.extui %lt3A_112 : i1 to i32
      %cond3A_114 = arith.constant 0 : i32
      %cond3A_115 = arith.cmpi ne, %convert_element_type3A_113, %cond3A_114 : i32
      scf.if %cond3A_115 {
        %add3A_116 = arith.constant 2 : i32
        %add3A_117 = arith.addi %mul3A_64, %add3A_116 : i32
        %dma_start3A_118 = arith.constant 0 : i32
        %dma_start3A_119 = tpu.memref_slice %arg8[%add3A_117, %dma_start3A_118] : memref<40x128xi32, #tpu.memory_space<vmem>> -> memref<1x128xi32, #tpu.memory_space<vmem>>
        %dma_start3A_120 = tpu.memref_squeeze %dma_start3A_119 : memref<1x128xi32, #tpu.memory_space<vmem>> -> memref<128xi32, #tpu.memory_space<vmem>>
        %dma_start3A_121 = arith.constant 0 : i32
        %dma_start3A_122 = arith.constant 0 : i32
        %dma_start3A_123 = tpu.memref_slice %arg2[%dma_start3A_121, %dma_start3A_122] : memref<10240x128xf32, #tpu.memory_space<hbm>> -> memref<10240x128xf32, #tpu.memory_space<hbm>>
        tpu.enqueue_indirect_dma source(%dma_start3A_123 : memref<10240x128xf32, #tpu.memory_space<hbm>>) target(%arg10 : memref<128x128xf32, #tpu.memory_space<vmem>>) offsets(%dma_start3A_120 : memref<128xi32, #tpu.memory_space<vmem>>) semaphore(%arg12 : memref<!tpu.dma_semaphore, #tpu.memory_space<semaphore_mem>>)
      } else {
      }
    }
    %scan3A_26 = arith.constant 20 : i32
    %dma_wait3A_27 = arith.constant 0 : i32
    %dma_wait3A_28 = arith.constant 0 : i32
    %dma_wait3A_29 = tpu.memref_slice %arg9[%dma_wait3A_27, %dma_wait3A_28] : memref<40x128xi32, #tpu.memory_space<vmem>> -> memref<1x128xi32, #tpu.memory_space<vmem>>
    %dma_wait3A_30 = tpu.memref_squeeze %dma_wait3A_29 : memref<1x128xi32, #tpu.memory_space<vmem>> -> memref<128xi32, #tpu.memory_space<vmem>>
    %dma_wait3A_31 = arith.constant 0 : i32
    %dma_wait3A_32 = arith.constant 0 : i32
    %dma_wait3A_33 = tpu.memref_slice %arg7[%dma_wait3A_31, %dma_wait3A_32] : memref<10240x128xf32, #tpu.memory_space<vmem_shared>> -> memref<10240x128xf32, #tpu.memory_space<vmem_shared>>
    tpu.wait_indirect_dma semaphore(%arg15 : memref<!tpu.dma_semaphore, #tpu.memory_space<semaphore_mem>>) src(%arg11 : memref<128x128xf32, #tpu.memory_space<vmem>>) dst(%dma_wait3A_33 : memref<10240x128xf32, #tpu.memory_space<vmem_shared>>)
    %add3A_34 = arith.constant 40 : i32
    %add3A_35 = arith.addi %mul3A_4, %add3A_34 : i32
    "tpu.region"() ({
      %run_scoped3A = tpu.sem_alloc : memref<!tpu.dma_semaphore, #tpu.memory_space<semaphore_mem>>
      %dma_start3A_62 = arith.constant 0 : i32
      %dma_start3A_63 = tpu.memref_slice %arg3[%add3A_35, %dma_start3A_62] : memref<2560x128xi32, #tpu.memory_space<hbm>> -> memref<40x128xi32, #tpu.memory_space<hbm>>
      %dma_start3A_64 = arith.constant 0 : i32
      %dma_start3A_65 = tpu.memref_slice %arg3[%add3A_35, %dma_start3A_64] : memref<2560x128xi32, #tpu.memory_space<hbm>> -> memref<40x128xi32, #tpu.memory_space<hbm>>
      tpu.enqueue_dma source(%dma_start3A_65 : memref<40x128xi32, #tpu.memory_space<hbm>>) target(%arg8 : memref<40x128xi32, #tpu.memory_space<vmem>>) target_semaphore(%run_scoped3A : memref<!tpu.dma_semaphore, #tpu.memory_space<semaphore_mem>>)
      %dma_wait3A_66 = arith.constant 0 : i32
      %dma_wait3A_67 = tpu.memref_slice %arg3[%add3A_35, %dma_wait3A_66] : memref<2560x128xi32, #tpu.memory_space<hbm>> -> memref<40x128xi32, #tpu.memory_space<hbm>>
      %dma_wait3A_68 = arith.constant 0 : i32
      %dma_wait3A_69 = tpu.memref_slice %arg3[%add3A_35, %dma_wait3A_68] : memref<2560x128xi32, #tpu.memory_space<hbm>> -> memref<40x128xi32, #tpu.memory_space<hbm>>
      tpu.wait_dma2 semaphore(%run_scoped3A : memref<!tpu.dma_semaphore, #tpu.memory_space<semaphore_mem>>) src(%dma_wait3A_69 : memref<40x128xi32, #tpu.memory_space<hbm>>) dst(%arg8 : memref<40x128xi32, #tpu.memory_space<vmem>>)
      tpu.yield
    }) : () -> ()
    %add3A_36 = arith.constant 40 : i32
    %add3A_37 = arith.addi %mul3A_4, %add3A_36 : i32
    "tpu.region"() ({
      %run_scoped3A = tpu.sem_alloc : memref<!tpu.dma_semaphore, #tpu.memory_space<semaphore_mem>>
      %dma_start3A_62 = arith.constant 0 : i32
      %dma_start3A_63 = tpu.memref_slice %arg4[%add3A_37, %dma_start3A_62] : memref<2560x128xi32, #tpu.memory_space<hbm>> -> memref<40x128xi32, #tpu.memory_space<hbm>>
      %dma_start3A_64 = arith.constant 0 : i32
      %dma_start3A_65 = tpu.memref_slice %arg4[%add3A_37, %dma_start3A_64] : memref<2560x128xi32, #tpu.memory_space<hbm>> -> memref<40x128xi32, #tpu.memory_space<hbm>>
      tpu.enqueue_dma source(%dma_start3A_65 : memref<40x128xi32, #tpu.memory_space<hbm>>) target(%arg9 : memref<40x128xi32, #tpu.memory_space<vmem>>) target_semaphore(%run_scoped3A : memref<!tpu.dma_semaphore, #tpu.memory_space<semaphore_mem>>)
      %dma_wait3A_66 = arith.constant 0 : i32
      %dma_wait3A_67 = tpu.memref_slice %arg4[%add3A_37, %dma_wait3A_66] : memref<2560x128xi32, #tpu.memory_space<hbm>> -> memref<40x128xi32, #tpu.memory_space<hbm>>
      %dma_wait3A_68 = arith.constant 0 : i32
      %dma_wait3A_69 = tpu.memref_slice %arg4[%add3A_37, %dma_wait3A_68] : memref<2560x128xi32, #tpu.memory_space<hbm>> -> memref<40x128xi32, #tpu.memory_space<hbm>>
      tpu.wait_dma2 semaphore(%run_scoped3A : memref<!tpu.dma_semaphore, #tpu.memory_space<semaphore_mem>>) src(%dma_wait3A_69 : memref<40x128xi32, #tpu.memory_space<hbm>>) dst(%arg9 : memref<40x128xi32, #tpu.memory_space<vmem>>)
      tpu.yield
    }) : () -> ()
    %dma_start3A_38 = arith.constant 0 : i32
    %dma_start3A_39 = arith.constant 0 : i32
    %dma_start3A_40 = tpu.memref_slice %arg8[%dma_start3A_38, %dma_start3A_39] : memref<40x128xi32, #tpu.memory_space<vmem>> -> memref<1x128xi32, #tpu.memory_space<vmem>>
    %dma_start3A_41 = tpu.memref_squeeze %dma_start3A_40 : memref<1x128xi32, #tpu.memory_space<vmem>> -> memref<128xi32, #tpu.memory_space<vmem>>
    %dma_start3A_42 = arith.constant 0 : i32
    %dma_start3A_43 = arith.constant 0 : i32
    %dma_start3A_44 = tpu.memref_slice %arg2[%dma_start3A_42, %dma_start3A_43] : memref<10240x128xf32, #tpu.memory_space<hbm>> -> memref<10240x128xf32, #tpu.memory_space<hbm>>
    tpu.enqueue_indirect_dma source(%dma_start3A_44 : memref<10240x128xf32, #tpu.memory_space<hbm>>) target(%arg10 : memref<128x128xf32, #tpu.memory_space<vmem>>) offsets(%dma_start3A_41 : memref<128xi32, #tpu.memory_space<vmem>>) semaphore(%arg12 : memref<!tpu.dma_semaphore, #tpu.memory_space<semaphore_mem>>)
    %scan3A_45 = arith.constant 0 : i32
    %scan3A_46 = arith.constant 0 : i32
    %scan3A_47 = arith.constant 20 : i32
    %scan3A_48 = arith.addi %scan3A_46, %scan3A_47 : i32
    %scan3A_49 = arith.constant 1 : i32
    scf.for %scan3A_62 = %scan3A_46 to %scan3A_48 step %scan3A_49  : i32 {
      %mul3A_63 = arith.constant 2 : i32
      %mul3A_64 = arith.muli %mul3A_63, %scan3A_62 : i32
      %mul3A_65 = arith.constant 2 : i32
      %mul3A_66 = arith.muli %mul3A_65, %scan3A_62 : i32
      %add3A_67 = arith.constant 1 : i32
      %add3A_68 = arith.addi %mul3A_66, %add3A_67 : i32
      %dma_wait3A_69 = arith.constant 0 : i32
      %dma_wait3A_70 = arith.constant 0 : i32
      %dma_wait3A_71 = tpu.memref_slice %arg8[%dma_wait3A_69, %dma_wait3A_70] : memref<40x128xi32, #tpu.memory_space<vmem>> -> memref<1x128xi32, #tpu.memory_space<vmem>>
      %dma_wait3A_72 = tpu.memref_squeeze %dma_wait3A_71 : memref<1x128xi32, #tpu.memory_space<vmem>> -> memref<128xi32, #tpu.memory_space<vmem>>
      %dma_wait3A_73 = arith.constant 0 : i32
      %dma_wait3A_74 = arith.constant 0 : i32
      %dma_wait3A_75 = tpu.memref_slice %arg2[%dma_wait3A_73, %dma_wait3A_74] : memref<10240x128xf32, #tpu.memory_space<hbm>> -> memref<10240x128xf32, #tpu.memory_space<hbm>>
      tpu.wait_indirect_dma semaphore(%arg12 : memref<!tpu.dma_semaphore, #tpu.memory_space<semaphore_mem>>) src(%dma_wait3A_75 : memref<10240x128xf32, #tpu.memory_space<hbm>>) dst(%arg10 : memref<128x128xf32, #tpu.memory_space<vmem>>)
      %dma_start3A_76 = arith.constant 0 : i32
      %dma_start3A_77 = tpu.memref_slice %arg9[%mul3A_64, %dma_start3A_76] : memref<40x128xi32, #tpu.memory_space<vmem>> -> memref<1x128xi32, #tpu.memory_space<vmem>>
      %dma_start3A_78 = tpu.memref_squeeze %dma_start3A_77 : memref<1x128xi32, #tpu.memory_space<vmem>> -> memref<128xi32, #tpu.memory_space<vmem>>
      %dma_start3A_79 = arith.constant 0 : i32
      %dma_start3A_80 = arith.constant 0 : i32
      %dma_start3A_81 = tpu.memref_slice %arg7[%dma_start3A_79, %dma_start3A_80] : memref<10240x128xf32, #tpu.memory_space<vmem_shared>> -> memref<10240x128xf32, #tpu.memory_space<vmem_shared>>
      tpu.enqueue_indirect_dma source(%arg10 : memref<128x128xf32, #tpu.memory_space<vmem>>) target(%dma_start3A_81 : memref<10240x128xf32, #tpu.memory_space<vmem_shared>>) offsets(%dma_start3A_78 : memref<128xi32, #tpu.memory_space<vmem>>) semaphore(%arg14 : memref<!tpu.dma_semaphore, #tpu.memory_space<semaphore_mem>>) {add = true}
      %gt3A = arith.constant 0 : i32
      %gt3A_82 = arith.cmpi sgt, %scan3A_62, %gt3A : i32
      %convert_element_type3A = arith.extui %gt3A_82 : i1 to i32
      %cond3A = arith.constant 0 : i32
      %cond3A_83 = arith.cmpi ne, %convert_element_type3A, %cond3A : i32
      scf.if %cond3A_83 {
        %dma_wait3A_116 = arith.constant 0 : i32
        %dma_wait3A_117 = arith.constant 0 : i32
        %dma_wait3A_118 = tpu.memref_slice %arg9[%dma_wait3A_116, %dma_wait3A_117] : memref<40x128xi32, #tpu.memory_space<vmem>> -> memref<1x128xi32, #tpu.memory_space<vmem>>
        %dma_wait3A_119 = tpu.memref_squeeze %dma_wait3A_118 : memref<1x128xi32, #tpu.memory_space<vmem>> -> memref<128xi32, #tpu.memory_space<vmem>>
        %dma_wait3A_120 = arith.constant 0 : i32
        %dma_wait3A_121 = arith.constant 0 : i32
        %dma_wait3A_122 = tpu.memref_slice %arg7[%dma_wait3A_120, %dma_wait3A_121] : memref<10240x128xf32, #tpu.memory_space<vmem_shared>> -> memref<10240x128xf32, #tpu.memory_space<vmem_shared>>
        tpu.wait_indirect_dma semaphore(%arg15 : memref<!tpu.dma_semaphore, #tpu.memory_space<semaphore_mem>>) src(%arg11 : memref<128x128xf32, #tpu.memory_space<vmem>>) dst(%dma_wait3A_122 : memref<10240x128xf32, #tpu.memory_space<vmem_shared>>)
      } else {
      }
      %dma_start3A_84 = arith.constant 0 : i32
      %dma_start3A_85 = tpu.memref_slice %arg8[%add3A_68, %dma_start3A_84] : memref<40x128xi32, #tpu.memory_space<vmem>> -> memref<1x128xi32, #tpu.memory_space<vmem>>
      %dma_start3A_86 = tpu.memref_squeeze %dma_start3A_85 : memref<1x128xi32, #tpu.memory_space<vmem>> -> memref<128xi32, #tpu.memory_space<vmem>>
      %dma_start3A_87 = arith.constant 0 : i32
      %dma_start3A_88 = arith.constant 0 : i32
      %dma_start3A_89 = tpu.memref_slice %arg2[%dma_start3A_87, %dma_start3A_88] : memref<10240x128xf32, #tpu.memory_space<hbm>> -> memref<10240x128xf32, #tpu.memory_space<hbm>>
      tpu.enqueue_indirect_dma source(%dma_start3A_89 : memref<10240x128xf32, #tpu.memory_space<hbm>>) target(%arg11 : memref<128x128xf32, #tpu.memory_space<vmem>>) offsets(%dma_start3A_86 : memref<128xi32, #tpu.memory_space<vmem>>) semaphore(%arg13 : memref<!tpu.dma_semaphore, #tpu.memory_space<semaphore_mem>>)
      %dma_wait3A_90 = arith.constant 0 : i32
      %dma_wait3A_91 = arith.constant 0 : i32
      %dma_wait3A_92 = tpu.memref_slice %arg8[%dma_wait3A_90, %dma_wait3A_91] : memref<40x128xi32, #tpu.memory_space<vmem>> -> memref<1x128xi32, #tpu.memory_space<vmem>>
      %dma_wait3A_93 = tpu.memref_squeeze %dma_wait3A_92 : memref<1x128xi32, #tpu.memory_space<vmem>> -> memref<128xi32, #tpu.memory_space<vmem>>
      %dma_wait3A_94 = arith.constant 0 : i32
      %dma_wait3A_95 = arith.constant 0 : i32
      %dma_wait3A_96 = tpu.memref_slice %arg2[%dma_wait3A_94, %dma_wait3A_95] : memref<10240x128xf32, #tpu.memory_space<hbm>> -> memref<10240x128xf32, #tpu.memory_space<hbm>>
      tpu.wait_indirect_dma semaphore(%arg13 : memref<!tpu.dma_semaphore, #tpu.memory_space<semaphore_mem>>) src(%dma_wait3A_96 : memref<10240x128xf32, #tpu.memory_space<hbm>>) dst(%arg11 : memref<128x128xf32, #tpu.memory_space<vmem>>)
      %dma_start3A_97 = arith.constant 0 : i32
      %dma_start3A_98 = tpu.memref_slice %arg9[%add3A_68, %dma_start3A_97] : memref<40x128xi32, #tpu.memory_space<vmem>> -> memref<1x128xi32, #tpu.memory_space<vmem>>
      %dma_start3A_99 = tpu.memref_squeeze %dma_start3A_98 : memref<1x128xi32, #tpu.memory_space<vmem>> -> memref<128xi32, #tpu.memory_space<vmem>>
      %dma_start3A_100 = arith.constant 0 : i32
      %dma_start3A_101 = arith.constant 0 : i32
      %dma_start3A_102 = tpu.memref_slice %arg7[%dma_start3A_100, %dma_start3A_101] : memref<10240x128xf32, #tpu.memory_space<vmem_shared>> -> memref<10240x128xf32, #tpu.memory_space<vmem_shared>>
      tpu.enqueue_indirect_dma source(%arg11 : memref<128x128xf32, #tpu.memory_space<vmem>>) target(%dma_start3A_102 : memref<10240x128xf32, #tpu.memory_space<vmem_shared>>) offsets(%dma_start3A_99 : memref<128xi32, #tpu.memory_space<vmem>>) semaphore(%arg15 : memref<!tpu.dma_semaphore, #tpu.memory_space<semaphore_mem>>) {add = true}
      %dma_wait3A_103 = arith.constant 0 : i32
      %dma_wait3A_104 = arith.constant 0 : i32
      %dma_wait3A_105 = tpu.memref_slice %arg9[%dma_wait3A_103, %dma_wait3A_104] : memref<40x128xi32, #tpu.memory_space<vmem>> -> memref<1x128xi32, #tpu.memory_space<vmem>>
      %dma_wait3A_106 = tpu.memref_squeeze %dma_wait3A_105 : memref<1x128xi32, #tpu.memory_space<vmem>> -> memref<128xi32, #tpu.memory_space<vmem>>
      %dma_wait3A_107 = arith.constant 0 : i32
      %dma_wait3A_108 = arith.constant 0 : i32
      %dma_wait3A_109 = tpu.memref_slice %arg7[%dma_wait3A_107, %dma_wait3A_108] : memref<10240x128xf32, #tpu.memory_space<vmem_shared>> -> memref<10240x128xf32, #tpu.memory_space<vmem_shared>>
      tpu.wait_indirect_dma semaphore(%arg14 : memref<!tpu.dma_semaphore, #tpu.memory_space<semaphore_mem>>) src(%arg10 : memref<128x128xf32, #tpu.memory_space<vmem>>) dst(%dma_wait3A_109 : memref<10240x128xf32, #tpu.memory_space<vmem_shared>>)
      %add3A_110 = arith.constant 2 : i32
      %add3A_111 = arith.addi %mul3A_64, %add3A_110 : i32
      %lt3A = arith.constant 40 : i32
      %lt3A_112 = arith.cmpi slt, %add3A_111, %lt3A : i32
      %convert_element_type3A_113 = arith.extui %lt3A_112 : i1 to i32
      %cond3A_114 = arith.constant 0 : i32
      %cond3A_115 = arith.cmpi ne, %convert_element_type3A_113, %cond3A_114 : i32
      scf.if %cond3A_115 {
        %add3A_116 = arith.constant 2 : i32
        %add3A_117 = arith.addi %mul3A_64, %add3A_116 : i32
        %dma_start3A_118 = arith.constant 0 : i32
        %dma_start3A_119 = tpu.memref_slice %arg8[%add3A_117, %dma_start3A_118] : memref<40x128xi32, #tpu.memory_space<vmem>> -> memref<1x128xi32, #tpu.memory_space<vmem>>
        %dma_start3A_120 = tpu.memref_squeeze %dma_start3A_119 : memref<1x128xi32, #tpu.memory_space<vmem>> -> memref<128xi32, #tpu.memory_space<vmem>>
        %dma_start3A_121 = arith.constant 0 : i32
        %dma_start3A_122 = arith.constant 0 : i32
        %dma_start3A_123 = tpu.memref_slice %arg2[%dma_start3A_121, %dma_start3A_122] : memref<10240x128xf32, #tpu.memory_space<hbm>> -> memref<10240x128xf32, #tpu.memory_space<hbm>>
        tpu.enqueue_indirect_dma source(%dma_start3A_123 : memref<10240x128xf32, #tpu.memory_space<hbm>>) target(%arg10 : memref<128x128xf32, #tpu.memory_space<vmem>>) offsets(%dma_start3A_120 : memref<128xi32, #tpu.memory_space<vmem>>) semaphore(%arg12 : memref<!tpu.dma_semaphore, #tpu.memory_space<semaphore_mem>>)
      } else {
      }
    }
    %scan3A_50 = arith.constant 20 : i32
    %dma_wait3A_51 = arith.constant 0 : i32
    %dma_wait3A_52 = arith.constant 0 : i32
    %dma_wait3A_53 = tpu.memref_slice %arg9[%dma_wait3A_51, %dma_wait3A_52] : memref<40x128xi32, #tpu.memory_space<vmem>> -> memref<1x128xi32, #tpu.memory_space<vmem>>
    %dma_wait3A_54 = tpu.memref_squeeze %dma_wait3A_53 : memref<1x128xi32, #tpu.memory_space<vmem>> -> memref<128xi32, #tpu.memory_space<vmem>>
    %dma_wait3A_55 = arith.constant 0 : i32
    %dma_wait3A_56 = arith.constant 0 : i32
    %dma_wait3A_57 = tpu.memref_slice %arg7[%dma_wait3A_55, %dma_wait3A_56] : memref<10240x128xf32, #tpu.memory_space<vmem_shared>> -> memref<10240x128xf32, #tpu.memory_space<vmem_shared>>
    tpu.wait_indirect_dma semaphore(%arg15 : memref<!tpu.dma_semaphore, #tpu.memory_space<semaphore_mem>>) src(%arg11 : memref<128x128xf32, #tpu.memory_space<vmem>>) dst(%dma_wait3A_57 : memref<10240x128xf32, #tpu.memory_space<vmem_shared>>)
    %barrier3A_58 = arith.constant 0 : index
    tpu.barrier barrier_id(%barrier3A_58)
    %mul3A_59 = arith.constant 10240 : i32
    %mul3A_60 = arith.muli %arg0, %mul3A_59 : i32
    %add3A_61 = arith.addi %mul3A_60, %mul3A_2 : i32
    "tpu.region"() ({
      %run_scoped3A = tpu.sem_alloc : memref<!tpu.dma_semaphore, #tpu.memory_space<semaphore_mem>>
      %dma_start3A_62 = arith.constant 0 : i32
      %dma_start3A_63 = tpu.memref_slice %arg6[%add3A_61, %dma_start3A_62] : memref<20480x128xf32, #tpu.memory_space<hbm>> -> memref<640x128xf32, #tpu.memory_space<hbm>>
      %dma_start3A_64 = arith.constant 0 : i32
      %dma_start3A_65 = tpu.memref_slice %arg7[%mul3A_2, %dma_start3A_64] : memref<10240x128xf32, #tpu.memory_space<vmem_shared>> -> memref<640x128xf32, #tpu.memory_space<vmem_shared>>
      tpu.enqueue_dma source(%dma_start3A_65 : memref<640x128xf32, #tpu.memory_space<vmem_shared>>) target(%dma_start3A_63 : memref<640x128xf32, #tpu.memory_space<hbm>>) target_semaphore(%run_scoped3A : memref<!tpu.dma_semaphore, #tpu.memory_space<semaphore_mem>>)
      %dma_wait3A_66 = arith.constant 0 : i32
      %dma_wait3A_67 = tpu.memref_slice %arg6[%add3A_61, %dma_wait3A_66] : memref<20480x128xf32, #tpu.memory_space<hbm>> -> memref<640x128xf32, #tpu.memory_space<hbm>>
      %dma_wait3A_68 = arith.constant 0 : i32
      %dma_wait3A_69 = tpu.memref_slice %arg7[%mul3A_2, %dma_wait3A_68] : memref<10240x128xf32, #tpu.memory_space<vmem_shared>> -> memref<640x128xf32, #tpu.memory_space<vmem_shared>>
      tpu.wait_dma2 semaphore(%run_scoped3A : memref<!tpu.dma_semaphore, #tpu.memory_space<semaphore_mem>>) src(%dma_wait3A_69 : memref<640x128xf32, #tpu.memory_space<vmem_shared>>) dst(%dma_wait3A_67 : memref<640x128xf32, #tpu.memory_space<hbm>>)
      tpu.yield
    }) : () -> ()
    return
  }
}

#map = affine_map<(d0, d1) -> (0, 0)>
module attributes {stable_mosaic.version = 14 : i64} {
  func.func @_deg_count(%arg0: i32, %arg1: i32, %arg2: memref<2560x128xi32, #tpu.memory_space<hbm>>, %arg3: memref<10240x128xf32, #tpu.memory_space<hbm>>, %arg4: memref<128x128xf32, #tpu.memory_space<hbm>>, %arg5: memref<20480x128xf32, #tpu.memory_space<hbm>>, %arg6: memref<10240x128xf32, #tpu.memory_space<vmem_shared>>, %arg7: memref<80x128xi32, #tpu.memory_space<vmem>>, %arg8: memref<128x128xf32, #tpu.memory_space<vmem>>, %arg9: memref<!tpu.dma_semaphore, #tpu.memory_space<semaphore_mem>>, %arg10: memref<!tpu.dma_semaphore, #tpu.memory_space<semaphore_mem>>) attributes {dimension_semantics = [#tpu.dimension_semantics<core_parallel>, #tpu.dimension_semantics<subcore_parallel>], iteration_bounds = array<i64: 2, 16>, scalar_prefetch = 0 : i64, scratch_operands = 5 : i64, tpu.core_type = #tpu.core_type<sc_vector_subcore>, window_params = [{transform_indices = #map}, {transform_indices = #map}, {transform_indices = #map}, {transform_indices = #map}]} {
    %mul3A = arith.constant 2 : i32
    %mul3A_0 = arith.muli %arg1, %mul3A : i32
    %add3A = arith.addi %mul3A_0, %arg0 : i32
    %mul3A_1 = arith.constant 640 : i32
    %mul3A_2 = arith.muli %arg1, %mul3A_1 : i32
    %mul3A_3 = arith.constant 80 : i32
    %mul3A_4 = arith.muli %mul3A_3, %add3A : i32
    "tpu.region"() ({
      %run_scoped3A = tpu.sem_alloc : memref<!tpu.dma_semaphore, #tpu.memory_space<semaphore_mem>>
      %dma_start3A_40 = arith.constant 0 : i32
      %dma_start3A_41 = tpu.memref_slice %arg2[%mul3A_4, %dma_start3A_40] : memref<2560x128xi32, #tpu.memory_space<hbm>> -> memref<80x128xi32, #tpu.memory_space<hbm>>
      %dma_start3A_42 = arith.constant 0 : i32
      %dma_start3A_43 = tpu.memref_slice %arg2[%mul3A_4, %dma_start3A_42] : memref<2560x128xi32, #tpu.memory_space<hbm>> -> memref<80x128xi32, #tpu.memory_space<hbm>>
      tpu.enqueue_dma source(%dma_start3A_43 : memref<80x128xi32, #tpu.memory_space<hbm>>) target(%arg7 : memref<80x128xi32, #tpu.memory_space<vmem>>) target_semaphore(%run_scoped3A : memref<!tpu.dma_semaphore, #tpu.memory_space<semaphore_mem>>)
      %dma_wait3A_44 = arith.constant 0 : i32
      %dma_wait3A_45 = tpu.memref_slice %arg2[%mul3A_4, %dma_wait3A_44] : memref<2560x128xi32, #tpu.memory_space<hbm>> -> memref<80x128xi32, #tpu.memory_space<hbm>>
      %dma_wait3A_46 = arith.constant 0 : i32
      %dma_wait3A_47 = tpu.memref_slice %arg2[%mul3A_4, %dma_wait3A_46] : memref<2560x128xi32, #tpu.memory_space<hbm>> -> memref<80x128xi32, #tpu.memory_space<hbm>>
      tpu.wait_dma2 semaphore(%run_scoped3A : memref<!tpu.dma_semaphore, #tpu.memory_space<semaphore_mem>>) src(%dma_wait3A_47 : memref<80x128xi32, #tpu.memory_space<hbm>>) dst(%arg7 : memref<80x128xi32, #tpu.memory_space<vmem>>)
      tpu.yield
    }) : () -> ()
    "tpu.region"() ({
      %run_scoped3A = tpu.sem_alloc : memref<!tpu.dma_semaphore, #tpu.memory_space<semaphore_mem>>
      %dma_start3A_40 = arith.constant 0 : i32
      %dma_start3A_41 = tpu.memref_slice %arg6[%mul3A_2, %dma_start3A_40] : memref<10240x128xf32, #tpu.memory_space<vmem_shared>> -> memref<640x128xf32, #tpu.memory_space<vmem_shared>>
      %dma_start3A_42 = arith.constant 0 : i32
      %dma_start3A_43 = tpu.memref_slice %arg3[%mul3A_2, %dma_start3A_42] : memref<10240x128xf32, #tpu.memory_space<hbm>> -> memref<640x128xf32, #tpu.memory_space<hbm>>
      tpu.enqueue_dma source(%dma_start3A_43 : memref<640x128xf32, #tpu.memory_space<hbm>>) target(%dma_start3A_41 : memref<640x128xf32, #tpu.memory_space<vmem_shared>>) target_semaphore(%run_scoped3A : memref<!tpu.dma_semaphore, #tpu.memory_space<semaphore_mem>>)
      %dma_wait3A_44 = arith.constant 0 : i32
      %dma_wait3A_45 = tpu.memref_slice %arg6[%mul3A_2, %dma_wait3A_44] : memref<10240x128xf32, #tpu.memory_space<vmem_shared>> -> memref<640x128xf32, #tpu.memory_space<vmem_shared>>
      %dma_wait3A_46 = arith.constant 0 : i32
      %dma_wait3A_47 = tpu.memref_slice %arg3[%mul3A_2, %dma_wait3A_46] : memref<10240x128xf32, #tpu.memory_space<hbm>> -> memref<640x128xf32, #tpu.memory_space<hbm>>
      tpu.wait_dma2 semaphore(%run_scoped3A : memref<!tpu.dma_semaphore, #tpu.memory_space<semaphore_mem>>) src(%dma_wait3A_47 : memref<640x128xf32, #tpu.memory_space<hbm>>) dst(%dma_wait3A_45 : memref<640x128xf32, #tpu.memory_space<vmem_shared>>)
      tpu.yield
    }) : () -> ()
    "tpu.region"() ({
      %run_scoped3A = tpu.sem_alloc : memref<!tpu.dma_semaphore, #tpu.memory_space<semaphore_mem>>
      tpu.enqueue_dma source(%arg4 : memref<128x128xf32, #tpu.memory_space<hbm>>) target(%arg8 : memref<128x128xf32, #tpu.memory_space<vmem>>) target_semaphore(%run_scoped3A : memref<!tpu.dma_semaphore, #tpu.memory_space<semaphore_mem>>)
      tpu.wait_dma2 semaphore(%run_scoped3A : memref<!tpu.dma_semaphore, #tpu.memory_space<semaphore_mem>>) src(%arg4 : memref<128x128xf32, #tpu.memory_space<hbm>>) dst(%arg8 : memref<128x128xf32, #tpu.memory_space<vmem>>)
      tpu.yield
    }) : () -> ()
    %barrier3A = arith.constant 0 : index
    tpu.barrier barrier_id(%barrier3A)
    %dma_start3A = arith.constant 0 : i32
    %dma_start3A_5 = arith.constant 0 : i32
    %dma_start3A_6 = tpu.memref_slice %arg7[%dma_start3A, %dma_start3A_5] : memref<80x128xi32, #tpu.memory_space<vmem>> -> memref<1x128xi32, #tpu.memory_space<vmem>>
    %dma_start3A_7 = tpu.memref_squeeze %dma_start3A_6 : memref<1x128xi32, #tpu.memory_space<vmem>> -> memref<128xi32, #tpu.memory_space<vmem>>
    %dma_start3A_8 = arith.constant 0 : i32
    %dma_start3A_9 = arith.constant 0 : i32
    %dma_start3A_10 = tpu.memref_slice %arg6[%dma_start3A_8, %dma_start3A_9] : memref<10240x128xf32, #tpu.memory_space<vmem_shared>> -> memref<10240x128xf32, #tpu.memory_space<vmem_shared>>
    tpu.enqueue_indirect_dma source(%arg8 : memref<128x128xf32, #tpu.memory_space<vmem>>) target(%dma_start3A_10 : memref<10240x128xf32, #tpu.memory_space<vmem_shared>>) offsets(%dma_start3A_7 : memref<128xi32, #tpu.memory_space<vmem>>) semaphore(%arg9 : memref<!tpu.dma_semaphore, #tpu.memory_space<semaphore_mem>>) {add = true}
    %dma_start3A_11 = arith.constant 1 : i32
    %dma_start3A_12 = arith.constant 0 : i32
    %dma_start3A_13 = tpu.memref_slice %arg7[%dma_start3A_11, %dma_start3A_12] : memref<80x128xi32, #tpu.memory_space<vmem>> -> memref<1x128xi32, #tpu.memory_space<vmem>>
    %dma_start3A_14 = tpu.memref_squeeze %dma_start3A_13 : memref<1x128xi32, #tpu.memory_space<vmem>> -> memref<128xi32, #tpu.memory_space<vmem>>
    %dma_start3A_15 = arith.constant 0 : i32
    %dma_start3A_16 = arith.constant 0 : i32
    %dma_start3A_17 = tpu.memref_slice %arg6[%dma_start3A_15, %dma_start3A_16] : memref<10240x128xf32, #tpu.memory_space<vmem_shared>> -> memref<10240x128xf32, #tpu.memory_space<vmem_shared>>
    tpu.enqueue_indirect_dma source(%arg8 : memref<128x128xf32, #tpu.memory_space<vmem>>) target(%dma_start3A_17 : memref<10240x128xf32, #tpu.memory_space<vmem_shared>>) offsets(%dma_start3A_14 : memref<128xi32, #tpu.memory_space<vmem>>) semaphore(%arg10 : memref<!tpu.dma_semaphore, #tpu.memory_space<semaphore_mem>>) {add = true}
    %scan3A = arith.constant 0 : i32
    %scan3A_18 = arith.constant 0 : i32
    %scan3A_19 = arith.constant 39 : i32
    %scan3A_20 = arith.addi %scan3A_18, %scan3A_19 : i32
    %scan3A_21 = arith.constant 1 : i32
    scf.for %scan3A_40 = %scan3A_18 to %scan3A_20 step %scan3A_21  : i32 {
      %dma_wait3A_41 = arith.constant 0 : i32
      %dma_wait3A_42 = arith.constant 0 : i32
      %dma_wait3A_43 = tpu.memref_slice %arg7[%dma_wait3A_41, %dma_wait3A_42] : memref<80x128xi32, #tpu.memory_space<vmem>> -> memref<1x128xi32, #tpu.memory_space<vmem>>
      %dma_wait3A_44 = tpu.memref_squeeze %dma_wait3A_43 : memref<1x128xi32, #tpu.memory_space<vmem>> -> memref<128xi32, #tpu.memory_space<vmem>>
      %dma_wait3A_45 = arith.constant 0 : i32
      %dma_wait3A_46 = arith.constant 0 : i32
      %dma_wait3A_47 = tpu.memref_slice %arg6[%dma_wait3A_45, %dma_wait3A_46] : memref<10240x128xf32, #tpu.memory_space<vmem_shared>> -> memref<10240x128xf32, #tpu.memory_space<vmem_shared>>
      tpu.wait_indirect_dma semaphore(%arg9 : memref<!tpu.dma_semaphore, #tpu.memory_space<semaphore_mem>>) src(%arg8 : memref<128x128xf32, #tpu.memory_space<vmem>>) dst(%dma_wait3A_47 : memref<10240x128xf32, #tpu.memory_space<vmem_shared>>)
      %mul3A_48 = arith.constant 2 : i32
      %mul3A_49 = arith.muli %mul3A_48, %scan3A_40 : i32
      %add3A_50 = arith.constant 2 : i32
      %add3A_51 = arith.addi %mul3A_49, %add3A_50 : i32
      %dma_start3A_52 = arith.constant 0 : i32
      %dma_start3A_53 = tpu.memref_slice %arg7[%add3A_51, %dma_start3A_52] : memref<80x128xi32, #tpu.memory_space<vmem>> -> memref<1x128xi32, #tpu.memory_space<vmem>>
      %dma_start3A_54 = tpu.memref_squeeze %dma_start3A_53 : memref<1x128xi32, #tpu.memory_space<vmem>> -> memref<128xi32, #tpu.memory_space<vmem>>
      %dma_start3A_55 = arith.constant 0 : i32
      %dma_start3A_56 = arith.constant 0 : i32
      %dma_start3A_57 = tpu.memref_slice %arg6[%dma_start3A_55, %dma_start3A_56] : memref<10240x128xf32, #tpu.memory_space<vmem_shared>> -> memref<10240x128xf32, #tpu.memory_space<vmem_shared>>
      tpu.enqueue_indirect_dma source(%arg8 : memref<128x128xf32, #tpu.memory_space<vmem>>) target(%dma_start3A_57 : memref<10240x128xf32, #tpu.memory_space<vmem_shared>>) offsets(%dma_start3A_54 : memref<128xi32, #tpu.memory_space<vmem>>) semaphore(%arg9 : memref<!tpu.dma_semaphore, #tpu.memory_space<semaphore_mem>>) {add = true}
      %dma_wait3A_58 = arith.constant 0 : i32
      %dma_wait3A_59 = arith.constant 0 : i32
      %dma_wait3A_60 = tpu.memref_slice %arg7[%dma_wait3A_58, %dma_wait3A_59] : memref<80x128xi32, #tpu.memory_space<vmem>> -> memref<1x128xi32, #tpu.memory_space<vmem>>
      %dma_wait3A_61 = tpu.memref_squeeze %dma_wait3A_60 : memref<1x128xi32, #tpu.memory_space<vmem>> -> memref<128xi32, #tpu.memory_space<vmem>>
      %dma_wait3A_62 = arith.constant 0 : i32
      %dma_wait3A_63 = arith.constant 0 : i32
      %dma_wait3A_64 = tpu.memref_slice %arg6[%dma_wait3A_62, %dma_wait3A_63] : memref<10240x128xf32, #tpu.memory_space<vmem_shared>> -> memref<10240x128xf32, #tpu.memory_space<vmem_shared>>
      tpu.wait_indirect_dma semaphore(%arg10 : memref<!tpu.dma_semaphore, #tpu.memory_space<semaphore_mem>>) src(%arg8 : memref<128x128xf32, #tpu.memory_space<vmem>>) dst(%dma_wait3A_64 : memref<10240x128xf32, #tpu.memory_space<vmem_shared>>)
      %mul3A_65 = arith.constant 2 : i32
      %mul3A_66 = arith.muli %mul3A_65, %scan3A_40 : i32
      %add3A_67 = arith.constant 3 : i32
      %add3A_68 = arith.addi %mul3A_66, %add3A_67 : i32
      %dma_start3A_69 = arith.constant 0 : i32
      %dma_start3A_70 = tpu.memref_slice %arg7[%add3A_68, %dma_start3A_69] : memref<80x128xi32, #tpu.memory_space<vmem>> -> memref<1x128xi32, #tpu.memory_space<vmem>>
      %dma_start3A_71 = tpu.memref_squeeze %dma_start3A_70 : memref<1x128xi32, #tpu.memory_space<vmem>> -> memref<128xi32, #tpu.memory_space<vmem>>
      %dma_start3A_72 = arith.constant 0 : i32
      %dma_start3A_73 = arith.constant 0 : i32
      %dma_start3A_74 = tpu.memref_slice %arg6[%dma_start3A_72, %dma_start3A_73] : memref<10240x128xf32, #tpu.memory_space<vmem_shared>> -> memref<10240x128xf32, #tpu.memory_space<vmem_shared>>
      tpu.enqueue_indirect_dma source(%arg8 : memref<128x128xf32, #tpu.memory_space<vmem>>) target(%dma_start3A_74 : memref<10240x128xf32, #tpu.memory_space<vmem_shared>>) offsets(%dma_start3A_71 : memref<128xi32, #tpu.memory_space<vmem>>) semaphore(%arg10 : memref<!tpu.dma_semaphore, #tpu.memory_space<semaphore_mem>>) {add = true}
    }
    %scan3A_22 = arith.constant 39 : i32
    %dma_wait3A = arith.constant 0 : i32
    %dma_wait3A_23 = arith.constant 0 : i32
    %dma_wait3A_24 = tpu.memref_slice %arg7[%dma_wait3A, %dma_wait3A_23] : memref<80x128xi32, #tpu.memory_space<vmem>> -> memref<1x128xi32, #tpu.memory_space<vmem>>
    %dma_wait3A_25 = tpu.memref_squeeze %dma_wait3A_24 : memref<1x128xi32, #tpu.memory_space<vmem>> -> memref<128xi32, #tpu.memory_space<vmem>>
    %dma_wait3A_26 = arith.constant 0 : i32
    %dma_wait3A_27 = arith.constant 0 : i32
    %dma_wait3A_28 = tpu.memref_slice %arg6[%dma_wait3A_26, %dma_wait3A_27] : memref<10240x128xf32, #tpu.memory_space<vmem_shared>> -> memref<10240x128xf32, #tpu.memory_space<vmem_shared>>
    tpu.wait_indirect_dma semaphore(%arg9 : memref<!tpu.dma_semaphore, #tpu.memory_space<semaphore_mem>>) src(%arg8 : memref<128x128xf32, #tpu.memory_space<vmem>>) dst(%dma_wait3A_28 : memref<10240x128xf32, #tpu.memory_space<vmem_shared>>)
    %dma_wait3A_29 = arith.constant 0 : i32
    %dma_wait3A_30 = arith.constant 0 : i32
    %dma_wait3A_31 = tpu.memref_slice %arg7[%dma_wait3A_29, %dma_wait3A_30] : memref<80x128xi32, #tpu.memory_space<vmem>> -> memref<1x128xi32, #tpu.memory_space<vmem>>
    %dma_wait3A_32 = tpu.memref_squeeze %dma_wait3A_31 : memref<1x128xi32, #tpu.memory_space<vmem>> -> memref<128xi32, #tpu.memory_space<vmem>>
    %dma_wait3A_33 = arith.constant 0 : i32
    %dma_wait3A_34 = arith.constant 0 : i32
    %dma_wait3A_35 = tpu.memref_slice %arg6[%dma_wait3A_33, %dma_wait3A_34] : memref<10240x128xf32, #tpu.memory_space<vmem_shared>> -> memref<10240x128xf32, #tpu.memory_space<vmem_shared>>
    tpu.wait_indirect_dma semaphore(%arg10 : memref<!tpu.dma_semaphore, #tpu.memory_space<semaphore_mem>>) src(%arg8 : memref<128x128xf32, #tpu.memory_space<vmem>>) dst(%dma_wait3A_35 : memref<10240x128xf32, #tpu.memory_space<vmem_shared>>)
    %barrier3A_36 = arith.constant 0 : index
    tpu.barrier barrier_id(%barrier3A_36)
    %mul3A_37 = arith.constant 10240 : i32
    %mul3A_38 = arith.muli %arg0, %mul3A_37 : i32
    %add3A_39 = arith.addi %mul3A_38, %mul3A_2 : i32
    "tpu.region"() ({
      %run_scoped3A = tpu.sem_alloc : memref<!tpu.dma_semaphore, #tpu.memory_space<semaphore_mem>>
      %dma_start3A_40 = arith.constant 0 : i32
      %dma_start3A_41 = tpu.memref_slice %arg5[%add3A_39, %dma_start3A_40] : memref<20480x128xf32, #tpu.memory_space<hbm>> -> memref<640x128xf32, #tpu.memory_space<hbm>>
      %dma_start3A_42 = arith.constant 0 : i32
      %dma_start3A_43 = tpu.memref_slice %arg6[%mul3A_2, %dma_start3A_42] : memref<10240x128xf32, #tpu.memory_space<vmem_shared>> -> memref<640x128xf32, #tpu.memory_space<vmem_shared>>
      tpu.enqueue_dma source(%dma_start3A_43 : memref<640x128xf32, #tpu.memory_space<vmem_shared>>) target(%dma_start3A_41 : memref<640x128xf32, #tpu.memory_space<hbm>>) target_semaphore(%run_scoped3A : memref<!tpu.dma_semaphore, #tpu.memory_space<semaphore_mem>>)
      %dma_wait3A_44 = arith.constant 0 : i32
      %dma_wait3A_45 = tpu.memref_slice %arg5[%add3A_39, %dma_wait3A_44] : memref<20480x128xf32, #tpu.memory_space<hbm>> -> memref<640x128xf32, #tpu.memory_space<hbm>>
      %dma_wait3A_46 = arith.constant 0 : i32
      %dma_wait3A_47 = tpu.memref_slice %arg6[%mul3A_2, %dma_wait3A_46] : memref<10240x128xf32, #tpu.memory_space<vmem_shared>> -> memref<640x128xf32, #tpu.memory_space<vmem_shared>>
      tpu.wait_dma2 semaphore(%run_scoped3A : memref<!tpu.dma_semaphore, #tpu.memory_space<semaphore_mem>>) src(%dma_wait3A_47 : memref<640x128xf32, #tpu.memory_space<vmem_shared>>) dst(%dma_wait3A_45 : memref<640x128xf32, #tpu.memory_space<hbm>>)
      tpu.yield
    }) : () -> ()
    return
  }
}

#map = affine_map<(d0, d1) -> (0, 0)>
module attributes {stable_mosaic.version = 14 : i64} {
  func.func @agg(%arg0: i32, %arg1: i32, %arg2: memref<10240x128xf32, #tpu.memory_space<hbm>>, %arg3: memref<2560x128xi32, #tpu.memory_space<hbm>>, %arg4: memref<2560x128xi32, #tpu.memory_space<hbm>>, %arg5: memref<10240x128xf32, #tpu.memory_space<hbm>>, %arg6: memref<20480x128xf32, #tpu.memory_space<hbm>>, %arg7: memref<10240x128xf32, #tpu.memory_space<vmem_shared>>, %arg8: memref<40x128xi32, #tpu.memory_space<vmem>>, %arg9: memref<40x128xi32, #tpu.memory_space<vmem>>, %arg10: memref<128x128xf32, #tpu.memory_space<vmem>>, %arg11: memref<128x128xf32, #tpu.memory_space<vmem>>, %arg12: memref<!tpu.dma_semaphore, #tpu.memory_space<semaphore_mem>>, %arg13: memref<!tpu.dma_semaphore, #tpu.memory_space<semaphore_mem>>, %arg14: memref<!tpu.dma_semaphore, #tpu.memory_space<semaphore_mem>>, %arg15: memref<!tpu.dma_semaphore, #tpu.memory_space<semaphore_mem>>, %arg16: memref<!tpu.dma_semaphore, #tpu.memory_space<semaphore_mem>>) attributes {dimension_semantics = [#tpu.dimension_semantics<core_parallel>, #tpu.dimension_semantics<subcore_parallel>], iteration_bounds = array<i64: 2, 16>, scalar_prefetch = 0 : i64, scratch_operands = 10 : i64, tpu.core_type = #tpu.core_type<sc_vector_subcore>, window_params = [{transform_indices = #map}, {transform_indices = #map}, {transform_indices = #map}, {transform_indices = #map}, {transform_indices = #map}]} {
    %mul3A = arith.constant 2 : i32
    %mul3A_0 = arith.muli %arg1, %mul3A : i32
    %add3A = arith.addi %mul3A_0, %arg0 : i32
    %mul3A_1 = arith.constant 640 : i32
    %mul3A_2 = arith.muli %arg1, %mul3A_1 : i32
    %mul3A_3 = arith.constant 80 : i32
    %mul3A_4 = arith.muli %mul3A_3, %add3A : i32
    %dma_start3A = arith.constant 0 : i32
    %dma_start3A_5 = tpu.memref_slice %arg7[%mul3A_2, %dma_start3A] : memref<10240x128xf32, #tpu.memory_space<vmem_shared>> -> memref<640x128xf32, #tpu.memory_space<vmem_shared>>
    %dma_start3A_6 = arith.constant 0 : i32
    %dma_start3A_7 = tpu.memref_slice %arg5[%mul3A_2, %dma_start3A_6] : memref<10240x128xf32, #tpu.memory_space<hbm>> -> memref<640x128xf32, #tpu.memory_space<hbm>>
    tpu.enqueue_dma source(%dma_start3A_7 : memref<640x128xf32, #tpu.memory_space<hbm>>) target(%dma_start3A_5 : memref<640x128xf32, #tpu.memory_space<vmem_shared>>) target_semaphore(%arg16 : memref<!tpu.dma_semaphore, #tpu.memory_space<semaphore_mem>>)
    %add3A_8 = arith.constant 0 : i32
    %add3A_9 = arith.addi %mul3A_4, %add3A_8 : i32
    "tpu.region"() ({
      %run_scoped3A = tpu.sem_alloc : memref<!tpu.dma_semaphore, #tpu.memory_space<semaphore_mem>>
      %dma_start3A_62 = arith.constant 0 : i32
      %dma_start3A_63 = tpu.memref_slice %arg3[%add3A_9, %dma_start3A_62] : memref<2560x128xi32, #tpu.memory_space<hbm>> -> memref<40x128xi32, #tpu.memory_space<hbm>>
      %dma_start3A_64 = arith.constant 0 : i32
      %dma_start3A_65 = tpu.memref_slice %arg3[%add3A_9, %dma_start3A_64] : memref<2560x128xi32, #tpu.memory_space<hbm>> -> memref<40x128xi32, #tpu.memory_space<hbm>>
      tpu.enqueue_dma source(%dma_start3A_65 : memref<40x128xi32, #tpu.memory_space<hbm>>) target(%arg8 : memref<40x128xi32, #tpu.memory_space<vmem>>) target_semaphore(%run_scoped3A : memref<!tpu.dma_semaphore, #tpu.memory_space<semaphore_mem>>)
      %dma_wait3A_66 = arith.constant 0 : i32
      %dma_wait3A_67 = tpu.memref_slice %arg3[%add3A_9, %dma_wait3A_66] : memref<2560x128xi32, #tpu.memory_space<hbm>> -> memref<40x128xi32, #tpu.memory_space<hbm>>
      %dma_wait3A_68 = arith.constant 0 : i32
      %dma_wait3A_69 = tpu.memref_slice %arg3[%add3A_9, %dma_wait3A_68] : memref<2560x128xi32, #tpu.memory_space<hbm>> -> memref<40x128xi32, #tpu.memory_space<hbm>>
      tpu.wait_dma2 semaphore(%run_scoped3A : memref<!tpu.dma_semaphore, #tpu.memory_space<semaphore_mem>>) src(%dma_wait3A_69 : memref<40x128xi32, #tpu.memory_space<hbm>>) dst(%arg8 : memref<40x128xi32, #tpu.memory_space<vmem>>)
      tpu.yield
    }) : () -> ()
    %add3A_10 = arith.constant 0 : i32
    %add3A_11 = arith.addi %mul3A_4, %add3A_10 : i32
    "tpu.region"() ({
      %run_scoped3A = tpu.sem_alloc : memref<!tpu.dma_semaphore, #tpu.memory_space<semaphore_mem>>
      %dma_start3A_62 = arith.constant 0 : i32
      %dma_start3A_63 = tpu.memref_slice %arg4[%add3A_11, %dma_start3A_62] : memref<2560x128xi32, #tpu.memory_space<hbm>> -> memref<40x128xi32, #tpu.memory_space<hbm>>
      %dma_start3A_64 = arith.constant 0 : i32
      %dma_start3A_65 = tpu.memref_slice %arg4[%add3A_11, %dma_start3A_64] : memref<2560x128xi32, #tpu.memory_space<hbm>> -> memref<40x128xi32, #tpu.memory_space<hbm>>
      tpu.enqueue_dma source(%dma_start3A_65 : memref<40x128xi32, #tpu.memory_space<hbm>>) target(%arg9 : memref<40x128xi32, #tpu.memory_space<vmem>>) target_semaphore(%run_scoped3A : memref<!tpu.dma_semaphore, #tpu.memory_space<semaphore_mem>>)
      %dma_wait3A_66 = arith.constant 0 : i32
      %dma_wait3A_67 = tpu.memref_slice %arg4[%add3A_11, %dma_wait3A_66] : memref<2560x128xi32, #tpu.memory_space<hbm>> -> memref<40x128xi32, #tpu.memory_space<hbm>>
      %dma_wait3A_68 = arith.constant 0 : i32
      %dma_wait3A_69 = tpu.memref_slice %arg4[%add3A_11, %dma_wait3A_68] : memref<2560x128xi32, #tpu.memory_space<hbm>> -> memref<40x128xi32, #tpu.memory_space<hbm>>
      tpu.wait_dma2 semaphore(%run_scoped3A : memref<!tpu.dma_semaphore, #tpu.memory_space<semaphore_mem>>) src(%dma_wait3A_69 : memref<40x128xi32, #tpu.memory_space<hbm>>) dst(%arg9 : memref<40x128xi32, #tpu.memory_space<vmem>>)
      tpu.yield
    }) : () -> ()
    %dma_wait3A = arith.constant 0 : i32
    %dma_wait3A_12 = tpu.memref_slice %arg7[%mul3A_2, %dma_wait3A] : memref<10240x128xf32, #tpu.memory_space<vmem_shared>> -> memref<640x128xf32, #tpu.memory_space<vmem_shared>>
    %dma_wait3A_13 = arith.constant 0 : i32
    %dma_wait3A_14 = tpu.memref_slice %arg5[%mul3A_2, %dma_wait3A_13] : memref<10240x128xf32, #tpu.memory_space<hbm>> -> memref<640x128xf32, #tpu.memory_space<hbm>>
    tpu.wait_dma2 semaphore(%arg16 : memref<!tpu.dma_semaphore, #tpu.memory_space<semaphore_mem>>) src(%dma_wait3A_14 : memref<640x128xf32, #tpu.memory_space<hbm>>) dst(%dma_wait3A_12 : memref<640x128xf32, #tpu.memory_space<vmem_shared>>)
    %barrier3A = arith.constant 0 : index
    tpu.barrier barrier_id(%barrier3A)
    %dma_start3A_15 = arith.constant 0 : i32
    %dma_start3A_16 = arith.constant 0 : i32
    %dma_start3A_17 = tpu.memref_slice %arg8[%dma_start3A_15, %dma_start3A_16] : memref<40x128xi32, #tpu.memory_space<vmem>> -> memref<1x128xi32, #tpu.memory_space<vmem>>
    %dma_start3A_18 = tpu.memref_squeeze %dma_start3A_17 : memref<1x128xi32, #tpu.memory_space<vmem>> -> memref<128xi32, #tpu.memory_space<vmem>>
    %dma_start3A_19 = arith.constant 0 : i32
    %dma_start3A_20 = arith.constant 0 : i32
    %dma_start3A_21 = tpu.memref_slice %arg2[%dma_start3A_19, %dma_start3A_20] : memref<10240x128xf32, #tpu.memory_space<hbm>> -> memref<10240x128xf32, #tpu.memory_space<hbm>>
    tpu.enqueue_indirect_dma source(%dma_start3A_21 : memref<10240x128xf32, #tpu.memory_space<hbm>>) target(%arg10 : memref<128x128xf32, #tpu.memory_space<vmem>>) offsets(%dma_start3A_18 : memref<128xi32, #tpu.memory_space<vmem>>) semaphore(%arg12 : memref<!tpu.dma_semaphore, #tpu.memory_space<semaphore_mem>>)
    %scan3A = arith.constant 0 : i32
    %scan3A_22 = arith.constant 0 : i32
    %scan3A_23 = arith.constant 20 : i32
    %scan3A_24 = arith.addi %scan3A_22, %scan3A_23 : i32
    %scan3A_25 = arith.constant 1 : i32
    scf.for %scan3A_62 = %scan3A_22 to %scan3A_24 step %scan3A_25  : i32 {
      %mul3A_63 = arith.constant 2 : i32
      %mul3A_64 = arith.muli %mul3A_63, %scan3A_62 : i32
      %mul3A_65 = arith.constant 2 : i32
      %mul3A_66 = arith.muli %mul3A_65, %scan3A_62 : i32
      %add3A_67 = arith.constant 1 : i32
      %add3A_68 = arith.addi %mul3A_66, %add3A_67 : i32
      %dma_wait3A_69 = arith.constant 0 : i32
      %dma_wait3A_70 = arith.constant 0 : i32
      %dma_wait3A_71 = tpu.memref_slice %arg8[%dma_wait3A_69, %dma_wait3A_70] : memref<40x128xi32, #tpu.memory_space<vmem>> -> memref<1x128xi32, #tpu.memory_space<vmem>>
      %dma_wait3A_72 = tpu.memref_squeeze %dma_wait3A_71 : memref<1x128xi32, #tpu.memory_space<vmem>> -> memref<128xi32, #tpu.memory_space<vmem>>
      %dma_wait3A_73 = arith.constant 0 : i32
      %dma_wait3A_74 = arith.constant 0 : i32
      %dma_wait3A_75 = tpu.memref_slice %arg2[%dma_wait3A_73, %dma_wait3A_74] : memref<10240x128xf32, #tpu.memory_space<hbm>> -> memref<10240x128xf32, #tpu.memory_space<hbm>>
      tpu.wait_indirect_dma semaphore(%arg12 : memref<!tpu.dma_semaphore, #tpu.memory_space<semaphore_mem>>) src(%dma_wait3A_75 : memref<10240x128xf32, #tpu.memory_space<hbm>>) dst(%arg10 : memref<128x128xf32, #tpu.memory_space<vmem>>)
      %dma_start3A_76 = arith.constant 0 : i32
      %dma_start3A_77 = tpu.memref_slice %arg9[%mul3A_64, %dma_start3A_76] : memref<40x128xi32, #tpu.memory_space<vmem>> -> memref<1x128xi32, #tpu.memory_space<vmem>>
      %dma_start3A_78 = tpu.memref_squeeze %dma_start3A_77 : memref<1x128xi32, #tpu.memory_space<vmem>> -> memref<128xi32, #tpu.memory_space<vmem>>
      %dma_start3A_79 = arith.constant 0 : i32
      %dma_start3A_80 = arith.constant 0 : i32
      %dma_start3A_81 = tpu.memref_slice %arg7[%dma_start3A_79, %dma_start3A_80] : memref<10240x128xf32, #tpu.memory_space<vmem_shared>> -> memref<10240x128xf32, #tpu.memory_space<vmem_shared>>
      tpu.enqueue_indirect_dma source(%arg10 : memref<128x128xf32, #tpu.memory_space<vmem>>) target(%dma_start3A_81 : memref<10240x128xf32, #tpu.memory_space<vmem_shared>>) offsets(%dma_start3A_78 : memref<128xi32, #tpu.memory_space<vmem>>) semaphore(%arg14 : memref<!tpu.dma_semaphore, #tpu.memory_space<semaphore_mem>>) {add = true}
      %gt3A = arith.constant 0 : i32
      %gt3A_82 = arith.cmpi sgt, %scan3A_62, %gt3A : i32
      %convert_element_type3A = arith.extui %gt3A_82 : i1 to i32
      %cond3A = arith.constant 0 : i32
      %cond3A_83 = arith.cmpi ne, %convert_element_type3A, %cond3A : i32
      scf.if %cond3A_83 {
        %dma_wait3A_116 = arith.constant 0 : i32
        %dma_wait3A_117 = arith.constant 0 : i32
        %dma_wait3A_118 = tpu.memref_slice %arg9[%dma_wait3A_116, %dma_wait3A_117] : memref<40x128xi32, #tpu.memory_space<vmem>> -> memref<1x128xi32, #tpu.memory_space<vmem>>
        %dma_wait3A_119 = tpu.memref_squeeze %dma_wait3A_118 : memref<1x128xi32, #tpu.memory_space<vmem>> -> memref<128xi32, #tpu.memory_space<vmem>>
        %dma_wait3A_120 = arith.constant 0 : i32
        %dma_wait3A_121 = arith.constant 0 : i32
        %dma_wait3A_122 = tpu.memref_slice %arg7[%dma_wait3A_120, %dma_wait3A_121] : memref<10240x128xf32, #tpu.memory_space<vmem_shared>> -> memref<10240x128xf32, #tpu.memory_space<vmem_shared>>
        tpu.wait_indirect_dma semaphore(%arg15 : memref<!tpu.dma_semaphore, #tpu.memory_space<semaphore_mem>>) src(%arg11 : memref<128x128xf32, #tpu.memory_space<vmem>>) dst(%dma_wait3A_122 : memref<10240x128xf32, #tpu.memory_space<vmem_shared>>)
      } else {
      }
      %dma_start3A_84 = arith.constant 0 : i32
      %dma_start3A_85 = tpu.memref_slice %arg8[%add3A_68, %dma_start3A_84] : memref<40x128xi32, #tpu.memory_space<vmem>> -> memref<1x128xi32, #tpu.memory_space<vmem>>
      %dma_start3A_86 = tpu.memref_squeeze %dma_start3A_85 : memref<1x128xi32, #tpu.memory_space<vmem>> -> memref<128xi32, #tpu.memory_space<vmem>>
      %dma_start3A_87 = arith.constant 0 : i32
      %dma_start3A_88 = arith.constant 0 : i32
      %dma_start3A_89 = tpu.memref_slice %arg2[%dma_start3A_87, %dma_start3A_88] : memref<10240x128xf32, #tpu.memory_space<hbm>> -> memref<10240x128xf32, #tpu.memory_space<hbm>>
      tpu.enqueue_indirect_dma source(%dma_start3A_89 : memref<10240x128xf32, #tpu.memory_space<hbm>>) target(%arg11 : memref<128x128xf32, #tpu.memory_space<vmem>>) offsets(%dma_start3A_86 : memref<128xi32, #tpu.memory_space<vmem>>) semaphore(%arg13 : memref<!tpu.dma_semaphore, #tpu.memory_space<semaphore_mem>>)
      %dma_wait3A_90 = arith.constant 0 : i32
      %dma_wait3A_91 = arith.constant 0 : i32
      %dma_wait3A_92 = tpu.memref_slice %arg8[%dma_wait3A_90, %dma_wait3A_91] : memref<40x128xi32, #tpu.memory_space<vmem>> -> memref<1x128xi32, #tpu.memory_space<vmem>>
      %dma_wait3A_93 = tpu.memref_squeeze %dma_wait3A_92 : memref<1x128xi32, #tpu.memory_space<vmem>> -> memref<128xi32, #tpu.memory_space<vmem>>
      %dma_wait3A_94 = arith.constant 0 : i32
      %dma_wait3A_95 = arith.constant 0 : i32
      %dma_wait3A_96 = tpu.memref_slice %arg2[%dma_wait3A_94, %dma_wait3A_95] : memref<10240x128xf32, #tpu.memory_space<hbm>> -> memref<10240x128xf32, #tpu.memory_space<hbm>>
      tpu.wait_indirect_dma semaphore(%arg13 : memref<!tpu.dma_semaphore, #tpu.memory_space<semaphore_mem>>) src(%dma_wait3A_96 : memref<10240x128xf32, #tpu.memory_space<hbm>>) dst(%arg11 : memref<128x128xf32, #tpu.memory_space<vmem>>)
      %dma_start3A_97 = arith.constant 0 : i32
      %dma_start3A_98 = tpu.memref_slice %arg9[%add3A_68, %dma_start3A_97] : memref<40x128xi32, #tpu.memory_space<vmem>> -> memref<1x128xi32, #tpu.memory_space<vmem>>
      %dma_start3A_99 = tpu.memref_squeeze %dma_start3A_98 : memref<1x128xi32, #tpu.memory_space<vmem>> -> memref<128xi32, #tpu.memory_space<vmem>>
      %dma_start3A_100 = arith.constant 0 : i32
      %dma_start3A_101 = arith.constant 0 : i32
      %dma_start3A_102 = tpu.memref_slice %arg7[%dma_start3A_100, %dma_start3A_101] : memref<10240x128xf32, #tpu.memory_space<vmem_shared>> -> memref<10240x128xf32, #tpu.memory_space<vmem_shared>>
      tpu.enqueue_indirect_dma source(%arg11 : memref<128x128xf32, #tpu.memory_space<vmem>>) target(%dma_start3A_102 : memref<10240x128xf32, #tpu.memory_space<vmem_shared>>) offsets(%dma_start3A_99 : memref<128xi32, #tpu.memory_space<vmem>>) semaphore(%arg15 : memref<!tpu.dma_semaphore, #tpu.memory_space<semaphore_mem>>) {add = true}
      %dma_wait3A_103 = arith.constant 0 : i32
      %dma_wait3A_104 = arith.constant 0 : i32
      %dma_wait3A_105 = tpu.memref_slice %arg9[%dma_wait3A_103, %dma_wait3A_104] : memref<40x128xi32, #tpu.memory_space<vmem>> -> memref<1x128xi32, #tpu.memory_space<vmem>>
      %dma_wait3A_106 = tpu.memref_squeeze %dma_wait3A_105 : memref<1x128xi32, #tpu.memory_space<vmem>> -> memref<128xi32, #tpu.memory_space<vmem>>
      %dma_wait3A_107 = arith.constant 0 : i32
      %dma_wait3A_108 = arith.constant 0 : i32
      %dma_wait3A_109 = tpu.memref_slice %arg7[%dma_wait3A_107, %dma_wait3A_108] : memref<10240x128xf32, #tpu.memory_space<vmem_shared>> -> memref<10240x128xf32, #tpu.memory_space<vmem_shared>>
      tpu.wait_indirect_dma semaphore(%arg14 : memref<!tpu.dma_semaphore, #tpu.memory_space<semaphore_mem>>) src(%arg10 : memref<128x128xf32, #tpu.memory_space<vmem>>) dst(%dma_wait3A_109 : memref<10240x128xf32, #tpu.memory_space<vmem_shared>>)
      %add3A_110 = arith.constant 2 : i32
      %add3A_111 = arith.addi %mul3A_64, %add3A_110 : i32
      %lt3A = arith.constant 40 : i32
      %lt3A_112 = arith.cmpi slt, %add3A_111, %lt3A : i32
      %convert_element_type3A_113 = arith.extui %lt3A_112 : i1 to i32
      %cond3A_114 = arith.constant 0 : i32
      %cond3A_115 = arith.cmpi ne, %convert_element_type3A_113, %cond3A_114 : i32
      scf.if %cond3A_115 {
        %add3A_116 = arith.constant 2 : i32
        %add3A_117 = arith.addi %mul3A_64, %add3A_116 : i32
        %dma_start3A_118 = arith.constant 0 : i32
        %dma_start3A_119 = tpu.memref_slice %arg8[%add3A_117, %dma_start3A_118] : memref<40x128xi32, #tpu.memory_space<vmem>> -> memref<1x128xi32, #tpu.memory_space<vmem>>
        %dma_start3A_120 = tpu.memref_squeeze %dma_start3A_119 : memref<1x128xi32, #tpu.memory_space<vmem>> -> memref<128xi32, #tpu.memory_space<vmem>>
        %dma_start3A_121 = arith.constant 0 : i32
        %dma_start3A_122 = arith.constant 0 : i32
        %dma_start3A_123 = tpu.memref_slice %arg2[%dma_start3A_121, %dma_start3A_122] : memref<10240x128xf32, #tpu.memory_space<hbm>> -> memref<10240x128xf32, #tpu.memory_space<hbm>>
        tpu.enqueue_indirect_dma source(%dma_start3A_123 : memref<10240x128xf32, #tpu.memory_space<hbm>>) target(%arg10 : memref<128x128xf32, #tpu.memory_space<vmem>>) offsets(%dma_start3A_120 : memref<128xi32, #tpu.memory_space<vmem>>) semaphore(%arg12 : memref<!tpu.dma_semaphore, #tpu.memory_space<semaphore_mem>>)
      } else {
      }
    }
    %scan3A_26 = arith.constant 20 : i32
    %dma_wait3A_27 = arith.constant 0 : i32
    %dma_wait3A_28 = arith.constant 0 : i32
    %dma_wait3A_29 = tpu.memref_slice %arg9[%dma_wait3A_27, %dma_wait3A_28] : memref<40x128xi32, #tpu.memory_space<vmem>> -> memref<1x128xi32, #tpu.memory_space<vmem>>
    %dma_wait3A_30 = tpu.memref_squeeze %dma_wait3A_29 : memref<1x128xi32, #tpu.memory_space<vmem>> -> memref<128xi32, #tpu.memory_space<vmem>>
    %dma_wait3A_31 = arith.constant 0 : i32
    %dma_wait3A_32 = arith.constant 0 : i32
    %dma_wait3A_33 = tpu.memref_slice %arg7[%dma_wait3A_31, %dma_wait3A_32] : memref<10240x128xf32, #tpu.memory_space<vmem_shared>> -> memref<10240x128xf32, #tpu.memory_space<vmem_shared>>
    tpu.wait_indirect_dma semaphore(%arg15 : memref<!tpu.dma_semaphore, #tpu.memory_space<semaphore_mem>>) src(%arg11 : memref<128x128xf32, #tpu.memory_space<vmem>>) dst(%dma_wait3A_33 : memref<10240x128xf32, #tpu.memory_space<vmem_shared>>)
    %add3A_34 = arith.constant 40 : i32
    %add3A_35 = arith.addi %mul3A_4, %add3A_34 : i32
    "tpu.region"() ({
      %run_scoped3A = tpu.sem_alloc : memref<!tpu.dma_semaphore, #tpu.memory_space<semaphore_mem>>
      %dma_start3A_62 = arith.constant 0 : i32
      %dma_start3A_63 = tpu.memref_slice %arg3[%add3A_35, %dma_start3A_62] : memref<2560x128xi32, #tpu.memory_space<hbm>> -> memref<40x128xi32, #tpu.memory_space<hbm>>
      %dma_start3A_64 = arith.constant 0 : i32
      %dma_start3A_65 = tpu.memref_slice %arg3[%add3A_35, %dma_start3A_64] : memref<2560x128xi32, #tpu.memory_space<hbm>> -> memref<40x128xi32, #tpu.memory_space<hbm>>
      tpu.enqueue_dma source(%dma_start3A_65 : memref<40x128xi32, #tpu.memory_space<hbm>>) target(%arg8 : memref<40x128xi32, #tpu.memory_space<vmem>>) target_semaphore(%run_scoped3A : memref<!tpu.dma_semaphore, #tpu.memory_space<semaphore_mem>>)
      %dma_wait3A_66 = arith.constant 0 : i32
      %dma_wait3A_67 = tpu.memref_slice %arg3[%add3A_35, %dma_wait3A_66] : memref<2560x128xi32, #tpu.memory_space<hbm>> -> memref<40x128xi32, #tpu.memory_space<hbm>>
      %dma_wait3A_68 = arith.constant 0 : i32
      %dma_wait3A_69 = tpu.memref_slice %arg3[%add3A_35, %dma_wait3A_68] : memref<2560x128xi32, #tpu.memory_space<hbm>> -> memref<40x128xi32, #tpu.memory_space<hbm>>
      tpu.wait_dma2 semaphore(%run_scoped3A : memref<!tpu.dma_semaphore, #tpu.memory_space<semaphore_mem>>) src(%dma_wait3A_69 : memref<40x128xi32, #tpu.memory_space<hbm>>) dst(%arg8 : memref<40x128xi32, #tpu.memory_space<vmem>>)
      tpu.yield
    }) : () -> ()
    %add3A_36 = arith.constant 40 : i32
    %add3A_37 = arith.addi %mul3A_4, %add3A_36 : i32
    "tpu.region"() ({
      %run_scoped3A = tpu.sem_alloc : memref<!tpu.dma_semaphore, #tpu.memory_space<semaphore_mem>>
      %dma_start3A_62 = arith.constant 0 : i32
      %dma_start3A_63 = tpu.memref_slice %arg4[%add3A_37, %dma_start3A_62] : memref<2560x128xi32, #tpu.memory_space<hbm>> -> memref<40x128xi32, #tpu.memory_space<hbm>>
      %dma_start3A_64 = arith.constant 0 : i32
      %dma_start3A_65 = tpu.memref_slice %arg4[%add3A_37, %dma_start3A_64] : memref<2560x128xi32, #tpu.memory_space<hbm>> -> memref<40x128xi32, #tpu.memory_space<hbm>>
      tpu.enqueue_dma source(%dma_start3A_65 : memref<40x128xi32, #tpu.memory_space<hbm>>) target(%arg9 : memref<40x128xi32, #tpu.memory_space<vmem>>) target_semaphore(%run_scoped3A : memref<!tpu.dma_semaphore, #tpu.memory_space<semaphore_mem>>)
      %dma_wait3A_66 = arith.constant 0 : i32
      %dma_wait3A_67 = tpu.memref_slice %arg4[%add3A_37, %dma_wait3A_66] : memref<2560x128xi32, #tpu.memory_space<hbm>> -> memref<40x128xi32, #tpu.memory_space<hbm>>
      %dma_wait3A_68 = arith.constant 0 : i32
      %dma_wait3A_69 = tpu.memref_slice %arg4[%add3A_37, %dma_wait3A_68] : memref<2560x128xi32, #tpu.memory_space<hbm>> -> memref<40x128xi32, #tpu.memory_space<hbm>>
      tpu.wait_dma2 semaphore(%run_scoped3A : memref<!tpu.dma_semaphore, #tpu.memory_space<semaphore_mem>>) src(%dma_wait3A_69 : memref<40x128xi32, #tpu.memory_space<hbm>>) dst(%arg9 : memref<40x128xi32, #tpu.memory_space<vmem>>)
      tpu.yield
    }) : () -> ()
    %dma_start3A_38 = arith.constant 0 : i32
    %dma_start3A_39 = arith.constant 0 : i32
    %dma_start3A_40 = tpu.memref_slice %arg8[%dma_start3A_38, %dma_start3A_39] : memref<40x128xi32, #tpu.memory_space<vmem>> -> memref<1x128xi32, #tpu.memory_space<vmem>>
    %dma_start3A_41 = tpu.memref_squeeze %dma_start3A_40 : memref<1x128xi32, #tpu.memory_space<vmem>> -> memref<128xi32, #tpu.memory_space<vmem>>
    %dma_start3A_42 = arith.constant 0 : i32
    %dma_start3A_43 = arith.constant 0 : i32
    %dma_start3A_44 = tpu.memref_slice %arg2[%dma_start3A_42, %dma_start3A_43] : memref<10240x128xf32, #tpu.memory_space<hbm>> -> memref<10240x128xf32, #tpu.memory_space<hbm>>
    tpu.enqueue_indirect_dma source(%dma_start3A_44 : memref<10240x128xf32, #tpu.memory_space<hbm>>) target(%arg10 : memref<128x128xf32, #tpu.memory_space<vmem>>) offsets(%dma_start3A_41 : memref<128xi32, #tpu.memory_space<vmem>>) semaphore(%arg12 : memref<!tpu.dma_semaphore, #tpu.memory_space<semaphore_mem>>)
    %scan3A_45 = arith.constant 0 : i32
    %scan3A_46 = arith.constant 0 : i32
    %scan3A_47 = arith.constant 20 : i32
    %scan3A_48 = arith.addi %scan3A_46, %scan3A_47 : i32
    %scan3A_49 = arith.constant 1 : i32
    scf.for %scan3A_62 = %scan3A_46 to %scan3A_48 step %scan3A_49  : i32 {
      %mul3A_63 = arith.constant 2 : i32
      %mul3A_64 = arith.muli %mul3A_63, %scan3A_62 : i32
      %mul3A_65 = arith.constant 2 : i32
      %mul3A_66 = arith.muli %mul3A_65, %scan3A_62 : i32
      %add3A_67 = arith.constant 1 : i32
      %add3A_68 = arith.addi %mul3A_66, %add3A_67 : i32
      %dma_wait3A_69 = arith.constant 0 : i32
      %dma_wait3A_70 = arith.constant 0 : i32
      %dma_wait3A_71 = tpu.memref_slice %arg8[%dma_wait3A_69, %dma_wait3A_70] : memref<40x128xi32, #tpu.memory_space<vmem>> -> memref<1x128xi32, #tpu.memory_space<vmem>>
      %dma_wait3A_72 = tpu.memref_squeeze %dma_wait3A_71 : memref<1x128xi32, #tpu.memory_space<vmem>> -> memref<128xi32, #tpu.memory_space<vmem>>
      %dma_wait3A_73 = arith.constant 0 : i32
      %dma_wait3A_74 = arith.constant 0 : i32
      %dma_wait3A_75 = tpu.memref_slice %arg2[%dma_wait3A_73, %dma_wait3A_74] : memref<10240x128xf32, #tpu.memory_space<hbm>> -> memref<10240x128xf32, #tpu.memory_space<hbm>>
      tpu.wait_indirect_dma semaphore(%arg12 : memref<!tpu.dma_semaphore, #tpu.memory_space<semaphore_mem>>) src(%dma_wait3A_75 : memref<10240x128xf32, #tpu.memory_space<hbm>>) dst(%arg10 : memref<128x128xf32, #tpu.memory_space<vmem>>)
      %dma_start3A_76 = arith.constant 0 : i32
      %dma_start3A_77 = tpu.memref_slice %arg9[%mul3A_64, %dma_start3A_76] : memref<40x128xi32, #tpu.memory_space<vmem>> -> memref<1x128xi32, #tpu.memory_space<vmem>>
      %dma_start3A_78 = tpu.memref_squeeze %dma_start3A_77 : memref<1x128xi32, #tpu.memory_space<vmem>> -> memref<128xi32, #tpu.memory_space<vmem>>
      %dma_start3A_79 = arith.constant 0 : i32
      %dma_start3A_80 = arith.constant 0 : i32
      %dma_start3A_81 = tpu.memref_slice %arg7[%dma_start3A_79, %dma_start3A_80] : memref<10240x128xf32, #tpu.memory_space<vmem_shared>> -> memref<10240x128xf32, #tpu.memory_space<vmem_shared>>
      tpu.enqueue_indirect_dma source(%arg10 : memref<128x128xf32, #tpu.memory_space<vmem>>) target(%dma_start3A_81 : memref<10240x128xf32, #tpu.memory_space<vmem_shared>>) offsets(%dma_start3A_78 : memref<128xi32, #tpu.memory_space<vmem>>) semaphore(%arg14 : memref<!tpu.dma_semaphore, #tpu.memory_space<semaphore_mem>>) {add = true}
      %gt3A = arith.constant 0 : i32
      %gt3A_82 = arith.cmpi sgt, %scan3A_62, %gt3A : i32
      %convert_element_type3A = arith.extui %gt3A_82 : i1 to i32
      %cond3A = arith.constant 0 : i32
      %cond3A_83 = arith.cmpi ne, %convert_element_type3A, %cond3A : i32
      scf.if %cond3A_83 {
        %dma_wait3A_116 = arith.constant 0 : i32
        %dma_wait3A_117 = arith.constant 0 : i32
        %dma_wait3A_118 = tpu.memref_slice %arg9[%dma_wait3A_116, %dma_wait3A_117] : memref<40x128xi32, #tpu.memory_space<vmem>> -> memref<1x128xi32, #tpu.memory_space<vmem>>
        %dma_wait3A_119 = tpu.memref_squeeze %dma_wait3A_118 : memref<1x128xi32, #tpu.memory_space<vmem>> -> memref<128xi32, #tpu.memory_space<vmem>>
        %dma_wait3A_120 = arith.constant 0 : i32
        %dma_wait3A_121 = arith.constant 0 : i32
        %dma_wait3A_122 = tpu.memref_slice %arg7[%dma_wait3A_120, %dma_wait3A_121] : memref<10240x128xf32, #tpu.memory_space<vmem_shared>> -> memref<10240x128xf32, #tpu.memory_space<vmem_shared>>
        tpu.wait_indirect_dma semaphore(%arg15 : memref<!tpu.dma_semaphore, #tpu.memory_space<semaphore_mem>>) src(%arg11 : memref<128x128xf32, #tpu.memory_space<vmem>>) dst(%dma_wait3A_122 : memref<10240x128xf32, #tpu.memory_space<vmem_shared>>)
      } else {
      }
      %dma_start3A_84 = arith.constant 0 : i32
      %dma_start3A_85 = tpu.memref_slice %arg8[%add3A_68, %dma_start3A_84] : memref<40x128xi32, #tpu.memory_space<vmem>> -> memref<1x128xi32, #tpu.memory_space<vmem>>
      %dma_start3A_86 = tpu.memref_squeeze %dma_start3A_85 : memref<1x128xi32, #tpu.memory_space<vmem>> -> memref<128xi32, #tpu.memory_space<vmem>>
      %dma_start3A_87 = arith.constant 0 : i32
      %dma_start3A_88 = arith.constant 0 : i32
      %dma_start3A_89 = tpu.memref_slice %arg2[%dma_start3A_87, %dma_start3A_88] : memref<10240x128xf32, #tpu.memory_space<hbm>> -> memref<10240x128xf32, #tpu.memory_space<hbm>>
      tpu.enqueue_indirect_dma source(%dma_start3A_89 : memref<10240x128xf32, #tpu.memory_space<hbm>>) target(%arg11 : memref<128x128xf32, #tpu.memory_space<vmem>>) offsets(%dma_start3A_86 : memref<128xi32, #tpu.memory_space<vmem>>) semaphore(%arg13 : memref<!tpu.dma_semaphore, #tpu.memory_space<semaphore_mem>>)
      %dma_wait3A_90 = arith.constant 0 : i32
      %dma_wait3A_91 = arith.constant 0 : i32
      %dma_wait3A_92 = tpu.memref_slice %arg8[%dma_wait3A_90, %dma_wait3A_91] : memref<40x128xi32, #tpu.memory_space<vmem>> -> memref<1x128xi32, #tpu.memory_space<vmem>>
      %dma_wait3A_93 = tpu.memref_squeeze %dma_wait3A_92 : memref<1x128xi32, #tpu.memory_space<vmem>> -> memref<128xi32, #tpu.memory_space<vmem>>
      %dma_wait3A_94 = arith.constant 0 : i32
      %dma_wait3A_95 = arith.constant 0 : i32
      %dma_wait3A_96 = tpu.memref_slice %arg2[%dma_wait3A_94, %dma_wait3A_95] : memref<10240x128xf32, #tpu.memory_space<hbm>> -> memref<10240x128xf32, #tpu.memory_space<hbm>>
      tpu.wait_indirect_dma semaphore(%arg13 : memref<!tpu.dma_semaphore, #tpu.memory_space<semaphore_mem>>) src(%dma_wait3A_96 : memref<10240x128xf32, #tpu.memory_space<hbm>>) dst(%arg11 : memref<128x128xf32, #tpu.memory_space<vmem>>)
      %dma_start3A_97 = arith.constant 0 : i32
      %dma_start3A_98 = tpu.memref_slice %arg9[%add3A_68, %dma_start3A_97] : memref<40x128xi32, #tpu.memory_space<vmem>> -> memref<1x128xi32, #tpu.memory_space<vmem>>
      %dma_start3A_99 = tpu.memref_squeeze %dma_start3A_98 : memref<1x128xi32, #tpu.memory_space<vmem>> -> memref<128xi32, #tpu.memory_space<vmem>>
      %dma_start3A_100 = arith.constant 0 : i32
      %dma_start3A_101 = arith.constant 0 : i32
      %dma_start3A_102 = tpu.memref_slice %arg7[%dma_start3A_100, %dma_start3A_101] : memref<10240x128xf32, #tpu.memory_space<vmem_shared>> -> memref<10240x128xf32, #tpu.memory_space<vmem_shared>>
      tpu.enqueue_indirect_dma source(%arg11 : memref<128x128xf32, #tpu.memory_space<vmem>>) target(%dma_start3A_102 : memref<10240x128xf32, #tpu.memory_space<vmem_shared>>) offsets(%dma_start3A_99 : memref<128xi32, #tpu.memory_space<vmem>>) semaphore(%arg15 : memref<!tpu.dma_semaphore, #tpu.memory_space<semaphore_mem>>) {add = true}
      %dma_wait3A_103 = arith.constant 0 : i32
      %dma_wait3A_104 = arith.constant 0 : i32
      %dma_wait3A_105 = tpu.memref_slice %arg9[%dma_wait3A_103, %dma_wait3A_104] : memref<40x128xi32, #tpu.memory_space<vmem>> -> memref<1x128xi32, #tpu.memory_space<vmem>>
      %dma_wait3A_106 = tpu.memref_squeeze %dma_wait3A_105 : memref<1x128xi32, #tpu.memory_space<vmem>> -> memref<128xi32, #tpu.memory_space<vmem>>
      %dma_wait3A_107 = arith.constant 0 : i32
      %dma_wait3A_108 = arith.constant 0 : i32
      %dma_wait3A_109 = tpu.memref_slice %arg7[%dma_wait3A_107, %dma_wait3A_108] : memref<10240x128xf32, #tpu.memory_space<vmem_shared>> -> memref<10240x128xf32, #tpu.memory_space<vmem_shared>>
      tpu.wait_indirect_dma semaphore(%arg14 : memref<!tpu.dma_semaphore, #tpu.memory_space<semaphore_mem>>) src(%arg10 : memref<128x128xf32, #tpu.memory_space<vmem>>) dst(%dma_wait3A_109 : memref<10240x128xf32, #tpu.memory_space<vmem_shared>>)
      %add3A_110 = arith.constant 2 : i32
      %add3A_111 = arith.addi %mul3A_64, %add3A_110 : i32
      %lt3A = arith.constant 40 : i32
      %lt3A_112 = arith.cmpi slt, %add3A_111, %lt3A : i32
      %convert_element_type3A_113 = arith.extui %lt3A_112 : i1 to i32
      %cond3A_114 = arith.constant 0 : i32
      %cond3A_115 = arith.cmpi ne, %convert_element_type3A_113, %cond3A_114 : i32
      scf.if %cond3A_115 {
        %add3A_116 = arith.constant 2 : i32
        %add3A_117 = arith.addi %mul3A_64, %add3A_116 : i32
        %dma_start3A_118 = arith.constant 0 : i32
        %dma_start3A_119 = tpu.memref_slice %arg8[%add3A_117, %dma_start3A_118] : memref<40x128xi32, #tpu.memory_space<vmem>> -> memref<1x128xi32, #tpu.memory_space<vmem>>
        %dma_start3A_120 = tpu.memref_squeeze %dma_start3A_119 : memref<1x128xi32, #tpu.memory_space<vmem>> -> memref<128xi32, #tpu.memory_space<vmem>>
        %dma_start3A_121 = arith.constant 0 : i32
        %dma_start3A_122 = arith.constant 0 : i32
        %dma_start3A_123 = tpu.memref_slice %arg2[%dma_start3A_121, %dma_start3A_122] : memref<10240x128xf32, #tpu.memory_space<hbm>> -> memref<10240x128xf32, #tpu.memory_space<hbm>>
        tpu.enqueue_indirect_dma source(%dma_start3A_123 : memref<10240x128xf32, #tpu.memory_space<hbm>>) target(%arg10 : memref<128x128xf32, #tpu.memory_space<vmem>>) offsets(%dma_start3A_120 : memref<128xi32, #tpu.memory_space<vmem>>) semaphore(%arg12 : memref<!tpu.dma_semaphore, #tpu.memory_space<semaphore_mem>>)
      } else {
      }
    }
    %scan3A_50 = arith.constant 20 : i32
    %dma_wait3A_51 = arith.constant 0 : i32
    %dma_wait3A_52 = arith.constant 0 : i32
    %dma_wait3A_53 = tpu.memref_slice %arg9[%dma_wait3A_51, %dma_wait3A_52] : memref<40x128xi32, #tpu.memory_space<vmem>> -> memref<1x128xi32, #tpu.memory_space<vmem>>
    %dma_wait3A_54 = tpu.memref_squeeze %dma_wait3A_53 : memref<1x128xi32, #tpu.memory_space<vmem>> -> memref<128xi32, #tpu.memory_space<vmem>>
    %dma_wait3A_55 = arith.constant 0 : i32
    %dma_wait3A_56 = arith.constant 0 : i32
    %dma_wait3A_57 = tpu.memref_slice %arg7[%dma_wait3A_55, %dma_wait3A_56] : memref<10240x128xf32, #tpu.memory_space<vmem_shared>> -> memref<10240x128xf32, #tpu.memory_space<vmem_shared>>
    tpu.wait_indirect_dma semaphore(%arg15 : memref<!tpu.dma_semaphore, #tpu.memory_space<semaphore_mem>>) src(%arg11 : memref<128x128xf32, #tpu.memory_space<vmem>>) dst(%dma_wait3A_57 : memref<10240x128xf32, #tpu.memory_space<vmem_shared>>)
    %barrier3A_58 = arith.constant 0 : index
    tpu.barrier barrier_id(%barrier3A_58)
    %mul3A_59 = arith.constant 10240 : i32
    %mul3A_60 = arith.muli %arg0, %mul3A_59 : i32
    %add3A_61 = arith.addi %mul3A_60, %mul3A_2 : i32
    "tpu.region"() ({
      %run_scoped3A = tpu.sem_alloc : memref<!tpu.dma_semaphore, #tpu.memory_space<semaphore_mem>>
      %dma_start3A_62 = arith.constant 0 : i32
      %dma_start3A_63 = tpu.memref_slice %arg6[%add3A_61, %dma_start3A_62] : memref<20480x128xf32, #tpu.memory_space<hbm>> -> memref<640x128xf32, #tpu.memory_space<hbm>>
      %dma_start3A_64 = arith.constant 0 : i32
      %dma_start3A_65 = tpu.memref_slice %arg7[%mul3A_2, %dma_start3A_64] : memref<10240x128xf32, #tpu.memory_space<vmem_shared>> -> memref<640x128xf32, #tpu.memory_space<vmem_shared>>
      tpu.enqueue_dma source(%dma_start3A_65 : memref<640x128xf32, #tpu.memory_space<vmem_shared>>) target(%dma_start3A_63 : memref<640x128xf32, #tpu.memory_space<hbm>>) target_semaphore(%run_scoped3A : memref<!tpu.dma_semaphore, #tpu.memory_space<semaphore_mem>>)
      %dma_wait3A_66 = arith.constant 0 : i32
      %dma_wait3A_67 = tpu.memref_slice %arg6[%add3A_61, %dma_wait3A_66] : memref<20480x128xf32, #tpu.memory_space<hbm>> -> memref<640x128xf32, #tpu.memory_space<hbm>>
      %dma_wait3A_68 = arith.constant 0 : i32
      %dma_wait3A_69 = tpu.memref_slice %arg7[%mul3A_2, %dma_wait3A_68] : memref<10240x128xf32, #tpu.memory_space<vmem_shared>> -> memref<640x128xf32, #tpu.memory_space<vmem_shared>>
      tpu.wait_dma2 semaphore(%run_scoped3A : memref<!tpu.dma_semaphore, #tpu.memory_space<semaphore_mem>>) src(%dma_wait3A_69 : memref<640x128xf32, #tpu.memory_space<vmem_shared>>) dst(%dma_wait3A_67 : memref<640x128xf32, #tpu.memory_space<hbm>>)
      tpu.yield
    }) : () -> ()
    return
  }
}

module attributes {stable_mosaic.version = 14 : i64} {
  func.func @_k1_body(%arg0: i32, %arg1: memref<1024x128xf32, #tpu.memory_space<vmem>>, %arg2: memref<1024x128xf32, #tpu.memory_space<vmem>>, %arg3: memref<1024x128xf32, #tpu.memory_space<vmem>>, %arg4: memref<128x128xf32, #tpu.memory_space<vmem>>, %arg5: memref<1024x128xf32, #tpu.memory_space<vmem>>, %arg6: memref<1024x8xf32, #tpu.memory_space<vmem>>) attributes {dimension_semantics = [#tpu.dimension_semantics<arbitrary>], iteration_bounds = array<i64: 10>, scalar_prefetch = 0 : i64, scratch_operands = 0 : i64, tpu.core_type = #tpu.core_type<tc>, window_params = [{transform_indices = @transform_0, window_bounds = array<i64: 1024, 128>}, {transform_indices = @transform_1, window_bounds = array<i64: 1024, 128>}, {transform_indices = @transform_2, window_bounds = array<i64: 1024, 128>}, {pipeline_mode = #tpu.pipeline_mode<synchronous>, transform_indices = @transform_3, window_bounds = array<i64: 128, 128>}, {transform_indices = @transform_4, window_bounds = array<i64: 1024, 128>}, {transform_indices = @transform_5, window_bounds = array<i64: 1024, 8>}]} {
    %get3A = arith.constant 0 : index
    %get3A_0 = arith.constant 0 : index
    %get3A_1 = vector.load %arg1[%get3A, %get3A_0] : memref<1024x128xf32, #tpu.memory_space<vmem>>, vector<1024x1xf32>
    %get3A_2 = arith.constant 0 : index
    %get3A_3 = arith.constant 0 : index
    %get3A_4 = vector.load %arg2[%get3A_2, %get3A_3] : memref<1024x128xf32, #tpu.memory_space<vmem>>, vector<1024x1xf32>
    %add3A = arith.addf %get3A_1, %get3A_4 : vector<1024x1xf32>
    %add3A_5 = arith.constant 1.000000e+00 : f32
    %add3A_6 = vector.broadcast %add3A_5 : f32 to vector<1024x1xf32>
    %add3A_7 = arith.addf %add3A, %add3A_6 : vector<1024x1xf32>
    %rsqrt3A = math.rsqrt %add3A_7 : vector<1024x1xf32>
    %get3A_8 = arith.constant 0 : index
    %get3A_9 = arith.constant 0 : index
    %get3A_10 = vector.load %arg3[%get3A_8, %get3A_9] : memref<1024x128xf32, #tpu.memory_space<vmem>>, vector<1024x128xf32>
    %get3A_11 = arith.constant 0 : index
    %get3A_12 = arith.constant 0 : index
    %get3A_13 = vector.load %arg4[%get3A_11, %get3A_12] : memref<128x128xf32, #tpu.memory_space<vmem>>, vector<128x128xf32>
    %dot_general3A = arith.constant dense<0.000000e+00> : vector<1024x128xf32>
    %dot_general3A_14 = tpu.matmul %get3A_10, %get3A_13, %dot_general3A {dimension_numbers = #tpu.dot_dimension_numbers<[1], [0], [0], [1], [0, 0, 1, 1], [], []>, transpose_lhs_hint = false} : vector<1024x128xf32>, vector<128x128xf32>, vector<1024x128xf32> -> vector<1024x128xf32>
    %mul3A = vector.broadcast %rsqrt3A : vector<1024x1xf32> to vector<1024x128xf32>
    %mul3A_15 = arith.mulf %dot_general3A_14, %mul3A : vector<1024x128xf32>
    %swap3A = arith.constant 0 : index
    %swap3A_16 = arith.constant 0 : index
    %swap3A_17 = vector.load %arg5[%swap3A, %swap3A_16] : memref<1024x128xf32, #tpu.memory_space<vmem>>, vector<1024x128xf32>
    tpu.vector_store %arg5[%swap3A, %swap3A_16], %mul3A_15 {strides = array<i32>} : memref<1024x128xf32, #tpu.memory_space<vmem>>, vector<1024x128xf32>,
    %broadcast_in_dim3A = vector.shape_cast %rsqrt3A : vector<1024x1xf32> to vector<1024x1xf32>
    %broadcast_in_dim3A_18 = vector.broadcast %broadcast_in_dim3A : vector<1024x1xf32> to vector<1024x8xf32>
    %swap3A_19 = arith.constant 0 : index
    %swap3A_20 = arith.constant 0 : index
    %swap3A_21 = vector.load %arg6[%swap3A_19, %swap3A_20] : memref<1024x8xf32, #tpu.memory_space<vmem>>, vector<1024x8xf32>
    tpu.vector_store %arg6[%swap3A_19, %swap3A_20], %broadcast_in_dim3A_18 {strides = array<i32>} : memref<1024x8xf32, #tpu.memory_space<vmem>>, vector<1024x8xf32>,
    return
  }
  func.func @transform_0(%arg0: i32) -> (i32, i32) {
    %c0_i32 = arith.constant 0 : i32
    %c0_i32_0 = arith.constant 0 : i32
    return %arg0, %c0_i32 : i32, i32
  }
  func.func @transform_1(%arg0: i32) -> (i32, i32) {
    %add3A = arith.constant 10 : i32
    %add3A_0 = arith.addi %arg0, %add3A : i32
    %c0_i32 = arith.constant 0 : i32
    %c0_i32_1 = arith.constant 0 : i32
    return %add3A_0, %c0_i32 : i32, i32
  }
  func.func @transform_2(%arg0: i32) -> (i32, i32) {
    %c0_i32 = arith.constant 0 : i32
    %c0_i32_0 = arith.constant 0 : i32
    return %arg0, %c0_i32 : i32, i32
  }
  func.func @transform_3(%arg0: i32) -> (i32, i32) {
    %c0_i32 = arith.constant 0 : i32
    %c0_i32_0 = arith.constant 0 : i32
    %c0_i32_1 = arith.constant 0 : i32
    return %c0_i32, %c0_i32_0 : i32, i32
  }
  func.func @transform_4(%arg0: i32) -> (i32, i32) {
    %c0_i32 = arith.constant 0 : i32
    %c0_i32_0 = arith.constant 0 : i32
    return %arg0, %c0_i32 : i32, i32
  }
  func.func @transform_5(%arg0: i32) -> (i32, i32) {
    %c0_i32 = arith.constant 0 : i32
    %c0_i32_0 = arith.constant 0 : i32
    return %arg0, %c0_i32 : i32, i32
  }
}

module attributes {stable_mosaic.version = 14 : i64} {
  func.func @_k_mid_body(%arg0: i32, %arg1: memref<1024x8xf32, #tpu.memory_space<vmem>>, %arg2: memref<1024x128xf32, #tpu.memory_space<vmem>>, %arg3: memref<1024x128xf32, #tpu.memory_space<vmem>>, %arg4: memref<1024x128xf32, #tpu.memory_space<vmem>>, %arg5: memref<1x128xf32, #tpu.memory_space<vmem>>, %arg6: memref<128x128xf32, #tpu.memory_space<vmem>>, %arg7: memref<1024x128xf32, #tpu.memory_space<vmem>>) attributes {dimension_semantics = [#tpu.dimension_semantics<arbitrary>], iteration_bounds = array<i64: 10>, scalar_prefetch = 0 : i64, scratch_operands = 0 : i64, tpu.core_type = #tpu.core_type<tc>, window_params = [{transform_indices = @transform_0, window_bounds = array<i64: 1024, 8>}, {transform_indices = @transform_1, window_bounds = array<i64: 1024, 128>}, {transform_indices = @transform_2, window_bounds = array<i64: 1024, 128>}, {transform_indices = @transform_3, window_bounds = array<i64: 1024, 128>}, {pipeline_mode = #tpu.pipeline_mode<synchronous>, transform_indices = @transform_4, window_bounds = array<i64: 1, 128>}, {pipeline_mode = #tpu.pipeline_mode<synchronous>, transform_indices = @transform_5, window_bounds = array<i64: 128, 128>}, {transform_indices = @transform_6, window_bounds = array<i64: 1024, 128>}]} {
    %get3A = arith.constant 0 : index
    %get3A_0 = arith.constant 0 : index
    %get3A_1 = vector.load %arg1[%get3A, %get3A_0] : memref<1024x8xf32, #tpu.memory_space<vmem>>, vector<1024x1xf32>
    %get3A_2 = arith.constant 0 : index
    %get3A_3 = arith.constant 0 : index
    %get3A_4 = vector.load %arg2[%get3A_2, %get3A_3] : memref<1024x128xf32, #tpu.memory_space<vmem>>, vector<1024x128xf32>
    %get3A_5 = arith.constant 0 : index
    %get3A_6 = arith.constant 0 : index
    %get3A_7 = vector.load %arg3[%get3A_5, %get3A_6] : memref<1024x128xf32, #tpu.memory_space<vmem>>, vector<1024x128xf32>
    %add3A = arith.addf %get3A_4, %get3A_7 : vector<1024x128xf32>
    %get3A_8 = arith.constant 0 : index
    %get3A_9 = arith.constant 0 : index
    %get3A_10 = vector.load %arg4[%get3A_8, %get3A_9] : memref<1024x128xf32, #tpu.memory_space<vmem>>, vector<1024x128xf32>
    %add3A_11 = arith.addf %add3A, %get3A_10 : vector<1024x128xf32>
    %mul3A = vector.broadcast %get3A_1 : vector<1024x1xf32> to vector<1024x128xf32>
    %mul3A_12 = arith.mulf %mul3A, %add3A_11 : vector<1024x128xf32>
    %get3A_13 = arith.constant 0 : index
    %get3A_14 = arith.constant 0 : index
    %get3A_15 = vector.load %arg5[%get3A_13, %get3A_14] : memref<1x128xf32, #tpu.memory_space<vmem>>, vector<1x128xf32>
    %add3A_16 = vector.broadcast %get3A_15 : vector<1x128xf32> to vector<1024x128xf32>
    %add3A_17 = arith.addf %mul3A_12, %add3A_16 : vector<1024x128xf32>
    %max3A = arith.constant 0.000000e+00 : f32
    %max3A_18 = vector.broadcast %max3A : f32 to vector<1024x128xf32>
    %max3A_19 = arith.maximumf %add3A_17, %max3A_18 : vector<1024x128xf32>
    %get3A_20 = arith.constant 0 : index
    %get3A_21 = arith.constant 0 : index
    %get3A_22 = vector.load %arg6[%get3A_20, %get3A_21] : memref<128x128xf32, #tpu.memory_space<vmem>>, vector<128x128xf32>
    %dot_general3A = arith.constant dense<0.000000e+00> : vector<1024x128xf32>
    %dot_general3A_23 = tpu.matmul %max3A_19, %get3A_22, %dot_general3A {dimension_numbers = #tpu.dot_dimension_numbers<[1], [0], [0], [1], [0, 0, 1, 1], [], []>, transpose_lhs_hint = false} : vector<1024x128xf32>, vector<128x128xf32>, vector<1024x128xf32> -> vector<1024x128xf32>
    %mul3A_24 = vector.broadcast %get3A_1 : vector<1024x1xf32> to vector<1024x128xf32>
    %mul3A_25 = arith.mulf %dot_general3A_23, %mul3A_24 : vector<1024x128xf32>
    %swap3A = arith.constant 0 : index
    %swap3A_26 = arith.constant 0 : index
    %swap3A_27 = vector.load %arg7[%swap3A, %swap3A_26] : memref<1024x128xf32, #tpu.memory_space<vmem>>, vector<1024x128xf32>
    tpu.vector_store %arg7[%swap3A, %swap3A_26], %mul3A_25 {strides = array<i32>} : memref<1024x128xf32, #tpu.memory_space<vmem>>, vector<1024x128xf32>,
    return
  }
  func.func @transform_0(%arg0: i32) -> (i32, i32) {
    %c0_i32 = arith.constant 0 : i32
    %c0_i32_0 = arith.constant 0 : i32
    return %arg0, %c0_i32 : i32, i32
  }
  func.func @transform_1(%arg0: i32) -> (i32, i32) {
    %c0_i32 = arith.constant 0 : i32
    %c0_i32_0 = arith.constant 0 : i32
    return %arg0, %c0_i32 : i32, i32
  }
  func.func @transform_2(%arg0: i32) -> (i32, i32) {
    %add3A = arith.constant 10 : i32
    %add3A_0 = arith.addi %arg0, %add3A : i32
    %c0_i32 = arith.constant 0 : i32
    %c0_i32_1 = arith.constant 0 : i32
    return %add3A_0, %c0_i32 : i32, i32
  }
  func.func @transform_3(%arg0: i32) -> (i32, i32) {
    %c0_i32 = arith.constant 0 : i32
    %c0_i32_0 = arith.constant 0 : i32
    return %arg0, %c0_i32 : i32, i32
  }
  func.func @transform_4(%arg0: i32) -> (i32, i32) {
    %c0_i32 = arith.constant 0 : i32
    %c0_i32_0 = arith.constant 0 : i32
    %c0_i32_1 = arith.constant 0 : i32
    return %c0_i32, %c0_i32_0 : i32, i32
  }
  func.func @transform_5(%arg0: i32) -> (i32, i32) {
    %c0_i32 = arith.constant 0 : i32
    %c0_i32_0 = arith.constant 0 : i32
    %c0_i32_1 = arith.constant 0 : i32
    return %c0_i32, %c0_i32_0 : i32, i32
  }
  func.func @transform_6(%arg0: i32) -> (i32, i32) {
    %c0_i32 = arith.constant 0 : i32
    %c0_i32_0 = arith.constant 0 : i32
    return %arg0, %c0_i32 : i32, i32
  }
}

module attributes {stable_mosaic.version = 14 : i64} {
  func.func @_k_pre_body(%arg0: i32, %arg1: memref<1024x8xf32, #tpu.memory_space<vmem>>, %arg2: memref<1024x128xf32, #tpu.memory_space<vmem>>, %arg3: memref<1024x128xf32, #tpu.memory_space<vmem>>, %arg4: memref<1024x128xf32, #tpu.memory_space<vmem>>, %arg5: memref<1x128xf32, #tpu.memory_space<vmem>>, %arg6: memref<1024x128xf32, #tpu.memory_space<vmem>>) attributes {dimension_semantics = [#tpu.dimension_semantics<arbitrary>], iteration_bounds = array<i64: 10>, scalar_prefetch = 0 : i64, scratch_operands = 0 : i64, tpu.core_type = #tpu.core_type<tc>, window_params = [{transform_indices = @transform_0, window_bounds = array<i64: 1024, 8>}, {transform_indices = @transform_1, window_bounds = array<i64: 1024, 128>}, {transform_indices = @transform_2, window_bounds = array<i64: 1024, 128>}, {transform_indices = @transform_3, window_bounds = array<i64: 1024, 128>}, {pipeline_mode = #tpu.pipeline_mode<synchronous>, transform_indices = @transform_4, window_bounds = array<i64: 1, 128>}, {transform_indices = @transform_5, window_bounds = array<i64: 1024, 128>}]} {
    %get3A = arith.constant 0 : index
    %get3A_0 = arith.constant 0 : index
    %get3A_1 = vector.load %arg1[%get3A, %get3A_0] : memref<1024x8xf32, #tpu.memory_space<vmem>>, vector<1024x1xf32>
    %get3A_2 = arith.constant 0 : index
    %get3A_3 = arith.constant 0 : index
    %get3A_4 = vector.load %arg2[%get3A_2, %get3A_3] : memref<1024x128xf32, #tpu.memory_space<vmem>>, vector<1024x128xf32>
    %get3A_5 = arith.constant 0 : index
    %get3A_6 = arith.constant 0 : index
    %get3A_7 = vector.load %arg3[%get3A_5, %get3A_6] : memref<1024x128xf32, #tpu.memory_space<vmem>>, vector<1024x128xf32>
    %add3A = arith.addf %get3A_4, %get3A_7 : vector<1024x128xf32>
    %get3A_8 = arith.constant 0 : index
    %get3A_9 = arith.constant 0 : index
    %get3A_10 = vector.load %arg4[%get3A_8, %get3A_9] : memref<1024x128xf32, #tpu.memory_space<vmem>>, vector<1024x128xf32>
    %add3A_11 = arith.addf %add3A, %get3A_10 : vector<1024x128xf32>
    %mul3A = vector.broadcast %get3A_1 : vector<1024x1xf32> to vector<1024x128xf32>
    %mul3A_12 = arith.mulf %mul3A, %add3A_11 : vector<1024x128xf32>
    %get3A_13 = arith.constant 0 : index
    %get3A_14 = arith.constant 0 : index
    %get3A_15 = vector.load %arg5[%get3A_13, %get3A_14] : memref<1x128xf32, #tpu.memory_space<vmem>>, vector<1x128xf32>
    %add3A_16 = vector.broadcast %get3A_15 : vector<1x128xf32> to vector<1024x128xf32>
    %add3A_17 = arith.addf %mul3A_12, %add3A_16 : vector<1024x128xf32>
    %max3A = arith.constant 0.000000e+00 : f32
    %max3A_18 = vector.broadcast %max3A : f32 to vector<1024x128xf32>
    %max3A_19 = arith.maximumf %add3A_17, %max3A_18 : vector<1024x128xf32>
    %mul3A_20 = vector.broadcast %get3A_1 : vector<1024x1xf32> to vector<1024x128xf32>
    %mul3A_21 = arith.mulf %max3A_19, %mul3A_20 : vector<1024x128xf32>
    %swap3A = arith.constant 0 : index
    %swap3A_22 = arith.constant 0 : index
    %swap3A_23 = vector.load %arg6[%swap3A, %swap3A_22] : memref<1024x128xf32, #tpu.memory_space<vmem>>, vector<1024x128xf32>
    tpu.vector_store %arg6[%swap3A, %swap3A_22], %mul3A_21 {strides = array<i32>} : memref<1024x128xf32, #tpu.memory_space<vmem>>, vector<1024x128xf32>,
    return
  }
  func.func @transform_0(%arg0: i32) -> (i32, i32) {
    %c0_i32 = arith.constant 0 : i32
    %c0_i32_0 = arith.constant 0 : i32
    return %arg0, %c0_i32 : i32, i32
  }
  func.func @transform_1(%arg0: i32) -> (i32, i32) {
    %c0_i32 = arith.constant 0 : i32
    %c0_i32_0 = arith.constant 0 : i32
    return %arg0, %c0_i32 : i32, i32
  }
  func.func @transform_2(%arg0: i32) -> (i32, i32) {
    %add3A = arith.constant 10 : i32
    %add3A_0 = arith.addi %arg0, %add3A : i32
    %c0_i32 = arith.constant 0 : i32
    %c0_i32_1 = arith.constant 0 : i32
    return %add3A_0, %c0_i32 : i32, i32
  }
  func.func @transform_3(%arg0: i32) -> (i32, i32) {
    %c0_i32 = arith.constant 0 : i32
    %c0_i32_0 = arith.constant 0 : i32
    return %arg0, %c0_i32 : i32, i32
  }
  func.func @transform_4(%arg0: i32) -> (i32, i32) {
    %c0_i32 = arith.constant 0 : i32
    %c0_i32_0 = arith.constant 0 : i32
    %c0_i32_1 = arith.constant 0 : i32
    return %c0_i32, %c0_i32_0 : i32, i32
  }
  func.func @transform_5(%arg0: i32) -> (i32, i32) {
    %c0_i32 = arith.constant 0 : i32
    %c0_i32_0 = arith.constant 0 : i32
    return %arg0, %c0_i32 : i32, i32
  }
}

module attributes {stable_mosaic.version = 14 : i64} {
  func.func @_k_final_body(%arg0: i32, %arg1: memref<1024x8xf32, #tpu.memory_space<vmem>>, %arg2: memref<1024x128xf32, #tpu.memory_space<vmem>>, %arg3: memref<1024x128xf32, #tpu.memory_space<vmem>>, %arg4: memref<1024x128xf32, #tpu.memory_space<vmem>>, %arg5: memref<128x16xf32, #tpu.memory_space<vmem>>, %arg6: memref<1x16xf32, #tpu.memory_space<vmem>>, %arg7: memref<1024x16xf32, #tpu.memory_space<vmem>>) attributes {dimension_semantics = [#tpu.dimension_semantics<arbitrary>], iteration_bounds = array<i64: 10>, scalar_prefetch = 0 : i64, scratch_operands = 0 : i64, tpu.core_type = #tpu.core_type<tc>, window_params = [{transform_indices = @transform_0, window_bounds = array<i64: 1024, 8>}, {transform_indices = @transform_1, window_bounds = array<i64: 1024, 128>}, {transform_indices = @transform_2, window_bounds = array<i64: 1024, 128>}, {transform_indices = @transform_3, window_bounds = array<i64: 1024, 128>}, {pipeline_mode = #tpu.pipeline_mode<synchronous>, transform_indices = @transform_4, window_bounds = array<i64: 128, 16>}, {pipeline_mode = #tpu.pipeline_mode<synchronous>, transform_indices = @transform_5, window_bounds = array<i64: 1, 16>}, {transform_indices = @transform_6, window_bounds = array<i64: 1024, 16>}]} {
    %get3A = arith.constant 0 : index
    %get3A_0 = arith.constant 0 : index
    %get3A_1 = vector.load %arg1[%get3A, %get3A_0] : memref<1024x8xf32, #tpu.memory_space<vmem>>, vector<1024x1xf32>
    %get3A_2 = arith.constant 0 : index
    %get3A_3 = arith.constant 0 : index
    %get3A_4 = vector.load %arg2[%get3A_2, %get3A_3] : memref<1024x128xf32, #tpu.memory_space<vmem>>, vector<1024x128xf32>
    %get3A_5 = arith.constant 0 : index
    %get3A_6 = arith.constant 0 : index
    %get3A_7 = vector.load %arg3[%get3A_5, %get3A_6] : memref<1024x128xf32, #tpu.memory_space<vmem>>, vector<1024x128xf32>
    %add3A = arith.addf %get3A_4, %get3A_7 : vector<1024x128xf32>
    %get3A_8 = arith.constant 0 : index
    %get3A_9 = arith.constant 0 : index
    %get3A_10 = vector.load %arg4[%get3A_8, %get3A_9] : memref<1024x128xf32, #tpu.memory_space<vmem>>, vector<1024x128xf32>
    %add3A_11 = arith.addf %add3A, %get3A_10 : vector<1024x128xf32>
    %get3A_12 = arith.constant 0 : index
    %get3A_13 = arith.constant 0 : index
    %get3A_14 = vector.load %arg5[%get3A_12, %get3A_13] : memref<128x16xf32, #tpu.memory_space<vmem>>, vector<128x16xf32>
    %dot_general3A = arith.constant dense<0.000000e+00> : vector<1024x16xf32>
    %dot_general3A_15 = tpu.matmul %add3A_11, %get3A_14, %dot_general3A {dimension_numbers = #tpu.dot_dimension_numbers<[1], [0], [0], [1], [0, 0, 1, 1], [], []>, transpose_lhs_hint = false} : vector<1024x128xf32>, vector<128x16xf32>, vector<1024x16xf32> -> vector<1024x16xf32>
    %mul3A = vector.broadcast %get3A_1 : vector<1024x1xf32> to vector<1024x16xf32>
    %mul3A_16 = arith.mulf %mul3A, %dot_general3A_15 : vector<1024x16xf32>
    %get3A_17 = arith.constant 0 : index
    %get3A_18 = arith.constant 0 : index
    %get3A_19 = vector.load %arg6[%get3A_17, %get3A_18] : memref<1x16xf32, #tpu.memory_space<vmem>>, vector<1x16xf32>
    %add3A_20 = vector.broadcast %get3A_19 : vector<1x16xf32> to vector<1024x16xf32>
    %add3A_21 = arith.addf %mul3A_16, %add3A_20 : vector<1024x16xf32>
    %swap3A = arith.constant 0 : index
    %swap3A_22 = arith.constant 0 : index
    %swap3A_23 = vector.load %arg7[%swap3A, %swap3A_22] : memref<1024x16xf32, #tpu.memory_space<vmem>>, vector<1024x16xf32>
    tpu.vector_store %arg7[%swap3A, %swap3A_22], %add3A_21 {strides = array<i32>} : memref<1024x16xf32, #tpu.memory_space<vmem>>, vector<1024x16xf32>,
    return
  }
  func.func @transform_0(%arg0: i32) -> (i32, i32) {
    %c0_i32 = arith.constant 0 : i32
    %c0_i32_0 = arith.constant 0 : i32
    return %arg0, %c0_i32 : i32, i32
  }
  func.func @transform_1(%arg0: i32) -> (i32, i32) {
    %c0_i32 = arith.constant 0 : i32
    %c0_i32_0 = arith.constant 0 : i32
    return %arg0, %c0_i32 : i32, i32
  }
  func.func @transform_2(%arg0: i32) -> (i32, i32) {
    %add3A = arith.constant 10 : i32
    %add3A_0 = arith.addi %arg0, %add3A : i32
    %c0_i32 = arith.constant 0 : i32
    %c0_i32_1 = arith.constant 0 : i32
    return %add3A_0, %c0_i32 : i32, i32
  }
  func.func @transform_3(%arg0: i32) -> (i32, i32) {
    %c0_i32 = arith.constant 0 : i32
    %c0_i32_0 = arith.constant 0 : i32
    return %arg0, %c0_i32 : i32, i32
  }
  func.func @transform_4(%arg0: i32) -> (i32, i32) {
    %c0_i32 = arith.constant 0 : i32
    %c0_i32_0 = arith.constant 0 : i32
    %c0_i32_1 = arith.constant 0 : i32
    return %c0_i32, %c0_i32_0 : i32, i32
  }
  func.func @transform_5(%arg0: i32) -> (i32, i32) {
    %c0_i32 = arith.constant 0 : i32
    %c0_i32_0 = arith.constant 0 : i32
    %c0_i32_1 = arith.constant 0 : i32
    return %c0_i32, %c0_i32_0 : i32, i32
  }
  func.func @transform_6(%arg0: i32) -> (i32, i32) {
    %c0_i32 = arith.constant 0 : i32
    %c0_i32_0 = arith.constant 0 : i32
    return %arg0, %c0_i32 : i32, i32
  }
}

</mosaic_0001>

<sc_bundles>
// kernel: kernel.10.cloned.1.call-start
scs
__scs_entry_jumppad:
0x0: {  	(pc) =	sbr.rel $0x88, $3  }
0x1: {  	(tag) =	ssettag $0x0;
	lr =	simm.s32 $0x1  }
0x2: {  	[smem:$0x3F99] =	sst lr;
	_ =	strace $0xD0000000  }
0x3: {  	_ = 	snop  }
0x4: {  	_ = 	snop  }
0x5: {  	_ = 	snop  }
0x6: {  	_ = 	snop  }
0x7: {  	_ = 	snop  }
__scs_overlays_trampoline_lowered:
0x8: {  	[smem:$0x3FA8] =	sst s0  }
0x9: {  	[smem:$0x3FA9] =	sst s1  }
0xa: {  	[smem:$0x3FAA] =	sst s2  }
0xb: {  	[smem:$0x3FAB] =	sst s3  }
0xc: {  	[smem:$0x3FAC] =	sst s4  }
0xd: {  	[smem:$0x3FAD] =	sst s5  }
0xe: {  	[smem:$0x3FAE] =	sst s6  }
0xf: {  	[smem:$0x3FAF] =	sst s7  }
0x10: {  	[smem:$0x3FB0] =	sst s8  }
0x11: {  	[smem:$0x3FB1] =	sst s9;
	s0 =	simm.s32 @!p0 $0x0  }
0x12: {  	s1 =	sld [smem:$0x3F97];
	s0 =	simm.s32 @p0 $0x1  }
0x13: {  	[smem:$0x3FB2] =	sst s0;
	s0 =	simm.s32 @!p1 $0x0  }
0x14: {  	s2 =	sld [smem:$0x3F96];
	s0 =	simm.s32 @p1 $0x1  }
0x15: {  	[smem:$0x3FB3] =	sst s0;
	s0 =	simm.s32 @!p2 $0x0  }
0x16: {  	s3 =	sld [smem:$0x3FDB];
	s0 =	simm.s32 @p2 $0x1  }
0x17: {  	s4 =	simm.s32 $0x1BF5;
	[smem:$0x3FB5] =	sst s0  }
0x18: {  	s0 =	sld [smem:$0x3F98];
	_ =	swait.ge [sflag:s4], $0x0  }
0x19: {  	s7 =	sld [smem:$0x3F99]  }
0x1a: {  	s8 =	sadd.s32 $0xFFFFE003, lr  }
0x1b: {  	s9 =	sadd.s32 $0xFFFFFEF7, lr;
	s5 =	simm.s32 $0xFFFFFFFF;
	p2 =	slt.u32 s8, $0xFFFFF086  }
0x1c: {  	p1 =	slt.u32 s9, $0xF7A;
	s5 =	simm.s32 @!p2 $0x0  }
0x1d: {  	s5 =	simm.s32 @p1 $0x1;
	p0 =	seq.s32 s7, s2  }
0x1e: {  	s7 =	smul.u32 @!p0 $0xF7A, s2;
	p2 =	seq.s32 @!p0 s5, $0x0  }
0x1f: {  	s9 =	smul.u32 $0xF7A, s1;
	s8 =	simm.s32 @!p0 $0x1BF5;
	p2 =	por !p2, p0  }
0x20: {  	[sflag:s8] =	ssyncset.s32 @!p0 $0xFFFFF086;
	s6 =	sadd.s32 @!p0 s3, s7;
	s7 =	simm.s32 @!p0 $0x108  }
0x21: {  	s3 =	sadd.s32 s3, s9;
	s6 =	sadd.s32 @!p0 $0x88, s6;
	s7 =	simm.s32 @p2 $0x1082  }
0x22: {  	[simem:s7], [sflag:s8] =	dma.local @!p0 [hbm:s6], $0xF7A  }
0x23: {  	s9 =	sor.u32 $0xD0000000, s2;
	s6 =	simm.s32 $0x108;
	_ =	swait.ge @!p0 [sflag:s8], $0x0  }
0x24: {  	s3 =	sadd.s32 $0x88, s3;
	s6 =	simm.s32 @!p1 $0x1082;
	[sflag:s4] =	ssyncset.s32 $0xFFFFF086  }
0x25: {  	[simem:s6], [sflag:s4] =	dma.local [hbm:s3], $0xF7A  }
0x26: {  	[smem:$0x3F99] =	sst s1;
	(tag) =	ssettag s2;
	_ =	strace s9  }
0x27: {  	s1 =	sld [smem:$0x3FA9]  }
0x28: {  	s2 =	sld [smem:$0x3FAA]  }
0x29: {  	s4 =	sld [smem:$0x3FAC]  }
0x2a: {  	p0 =	seq.s32 s5, $0x0;
	s5 =	sld [smem:$0x3FAD]  }
0x2b: {  	s6 =	sld [smem:$0x3FAE]  }
0x2c: {  	s7 =	sld [smem:$0x3FAF]  }
0x2d: {  	s3 =	simm.s32 $0x108;
	s8 =	sld [smem:$0x3FB0]  }
0x2e: {  	s3 =	simm.s32 @!p0 $0x1082;
	s9 =	sld [smem:$0x3FB1]  }
0x2f: {  	lr =	sadd.s32 s0, s3;
	s0 =	sld [smem:$0x3FA8]  }
0x30: {  	s3 =	sld [smem:$0x3FAB]  }
0x31: {  	[smem:$0x3FB4] =	sst s10  }
0x32: {  	s10 =	sld [smem:$0x3FB2];
	_ =	sdelay $0x3  }
0x33: {  	p0 =	seq.s32 s10, $0x1;
	s10 =	sld [smem:$0x3FB4];
	_ =	sdelay $0x3  }
0x34: {  	[smem:$0x3FB4] =	sst s10  }
0x35: {  	s10 =	sld [smem:$0x3FB3];
	_ =	sdelay $0x3  }
0x36: {  	p1 =	seq.s32 s10, $0x1;
	s10 =	sld [smem:$0x3FB4];
	_ =	sdelay $0x3  }
0x37: {  	[smem:$0x3FB4] =	sst s10  }
0x38: {  	s10 =	sld [smem:$0x3FB5]  }
0x39: {  	_ = 	snop;
	(pc) =	sbr.ind lr, $3  }
0x3a: {  	_ = 	snop  }
0x3b: {  	_ = 	snop  }
0x3c: {  	p2 =	seq.s32 s10, $0x1;
	s10 =	sld [smem:$0x3FB4]  }
0x3d: {  	_ =	shalt  }
0x3e: {  	_ =	shalt  }
0x3f: {  	_ =	shalt  }
0x40: {  	_ =	shalt  }
0x41: {  	_ =	shalt  }
0x42: {  	_ =	shalt  }
0x43: {  	_ =	shalt  }
0x44: {  	_ =	shalt  }
0x45: {  	_ =	shalt  }
0x46: {  	_ =	shalt  }
0x47: {  	_ =	shalt  }
0x48: {  	_ =	shalt  }
0x49: {  	_ =	shalt  }
0x4a: {  	_ =	shalt  }
0x4b: {  	_ =	shalt  }
0x4c: {  	_ =	shalt  }
0x4d: {  	_ =	shalt  }
0x4e: {  	_ =	shalt  }
0x4f: {  	_ =	shalt  }
0x50: {  	_ =	shalt  }
0x51: {  	_ =	shalt  }
0x52: {  	_ =	shalt  }
0x53: {  	_ =	shalt  }
0x54: {  	_ =	shalt  }
0x55: {  	_ =	shalt  }
0x56: {  	_ =	shalt  }
0x57: {  	_ =	shalt  }
0x58: {  	_ =	shalt  }
0x59: {  	_ =	shalt  }
0x5a: {  	_ =	shalt  }
0x5b: {  	_ =	shalt  }
0x5c: {  	_ =	shalt  }
0x5d: {  	_ =	shalt  }
0x5e: {  	_ =	shalt  }
0x5f: {  	_ =	shalt  }
0x60: {  	_ =	shalt  }
0x61: {  	_ =	shalt  }
0x62: {  	_ =	shalt  }
0x63: {  	_ =	shalt  }
0x64: {  	_ =	shalt  }
0x65: {  	_ =	shalt  }
0x66: {  	_ =	shalt  }
0x67: {  	_ =	shalt  }
0x68: {  	_ =	shalt  }
0x69: {  	_ =	shalt  }
0x6a: {  	_ =	shalt  }
0x6b: {  	_ =	shalt  }
0x6c: {  	_ =	shalt  }
0x6d: {  	_ =	shalt  }
0x6e: {  	_ =	shalt  }
0x6f: {  	_ =	shalt  }
0x70: {  	_ =	shalt  }
0x71: {  	_ =	shalt  }
0x72: {  	_ =	shalt  }
0x73: {  	_ =	shalt  }
0x74: {  	_ =	shalt  }
0x75: {  	_ =	shalt  }
0x76: {  	_ =	shalt  }
0x77: {  	_ =	shalt  }
0x78: {  	_ =	shalt  }
0x79: {  	_ =	shalt  }
0x7a: {  	_ =	shalt  }
0x7b: {  	_ =	shalt  }
0x7c: {  	_ =	shalt  }
0x7d: {  	_ =	shalt  }
0x7e: {  	_ =	shalt  }
0x7f: {  	_ =	shalt  }
0x80: {  	_ =	shalt  }
0x81: {  	_ =	shalt  }
0x82: {  	_ =	shalt  }
0x83: {  	_ =	shalt  }
0x84: {  	_ =	shalt  }
0x85: {  	_ =	shalt  }
0x86: {  	_ =	shalt  }
0x87: {  	_ =	shalt  }
.Lfunc_end0:
.L_simem_size_0:
called_computation_lowered:
.L_overlay_start_0:
0x88: {  	s2 =	sld [smem:$0x3FD9]  }
0x89: {  	s3 =	sld [smem:$0x3FFE];
	_ =	sdelay $0x1  }
0x8a: {  	s1 =	srdreg.scid  }
0x8b: {  	s0 =	sand.u32 $0x1, s1  }
0x8c: {  	s17 =	sshll.u32 s0, $0xA;
	s2 =	sadd.s32 s3, s2  }
0x8d: {  	s2 =	sadd.s32 s2, s17  }
0x8e: {  	[smem:$0x3FC0] =	sst s2  }
0x8f: {  	_ = 	snop  }
0x90: {  	s2 =	sld [smem:$0x3FD0];
	(tm) =	ssettm $0x1  }
0x91: {  	s18 =	sld [smem:$0x3FFB];
	_ =	sdelay $0x3  }
0x92: {  	_ =	strace s18  }
0x93: {  	s3 =	sld [smem:$0x3FFC];
	_ =	sdelay $0x3  }
0x94: {  	_ =	strace s3  }
0x95: {  	s3 =	sld [smem:$0x3FFD];
	_ =	sdelay $0x3  }
0x96: {  	_ =	strace s3  }
0x97: {  	_ =	strace $0x8FFFFFFF  }
0x98: {  	s19 =	sld [smem:$0x3FDB];
	_ =	sdelay $0x1  }
0x99: {  	s4 =	simm.s32 $_scs_section_size  }
0x9a: {  	s5 =	simm.s32 $_size__tile_overlayer_lowered;
	s6 =	simm.s32 $_tile_overlayer_lowered  }
0x9b: {  	s22 =	simm.s32 $0x1BFF;
	s21 =	sshll.u32 s6, $0x1;
	s3 =	sadd.s32 s4, s19  }
0x9c: {  	s7 =	simm.s32 $0x0;
	s20 =	sshll.u32 s5, $0x1;
	s5 =	sadd.s32 s21, s3  }
0x9d: {  	[timem:s7], [sflag:s22] =	dma.local [hbm:s5], s20  }
0x9e: {  	_ =	swait.ge [sflag:s22], s20  }
0x9f: {  	s4 =	ssub.s32 $0x0, s20;
	[sflag:s22] =	ssyncset.done $0x0  }
0xa0: {  	[sflag:s22] =	ssyncadd.s32 s4;
	_ =	sdelay $0x1  }
0xa1: {  	s23 =	simm.s32 $0x1B8B  }
0xa2: {  	_ =	swait.ge [sflag:s23], $0x1  }
0xa3: {  	[sflag:s23] =	ssyncset.done $0x0  }
0xa4: {  	s25 =	simm.s32 $0x1B8E;
	s24 =	sld [smem:$0x3FFE];
	[sflag:s23] =	ssyncadd.s32 $0xFFFFFFFF  }
0xa5: {  	s26 =	simm.s32 $execute0_lowered;
	[smem:$0x3FD2] =	sst s25  }
0xa6: {  	s5 =	sshll.u32 s26, $0x1;
	_ =	strace $0x80000046;
	[dreg:$0x1] =	wrdreg $0xFFFFFFFF  }
0xa7: {  	s28 =	simm.s32 $_size_execute0_lowered;
	s3 =	sadd.s32 s3, s5;
	[dreg:$0x0] =	wrdreg $0x0  }
0xa8: {  	s5 =	sshll.u32 s28, $0x1;
	[dreg:$0x2] =	wrdreg s3  }
0xa9: {  	[dreg:$0x3] =	wrdreg s5  }
0xaa: {  	[dreg:$0x4] =	wrdreg $0xC0  }
0xab: {  	_ =	task [dreg:s7], $0x5FFFF  }
0xac: {  	[dreg:$0x1] =	wrdreg $0xFFFFFFFF  }
0xad: {  	[dreg:$0x0] =	wrdreg $0x60  }
0xae: {  	[dreg:$0x2] =	wrdreg s24  }
0xaf: {  	[dreg:$0x3] =	wrdreg s2  }
0xb0: {  	[dreg:$0x4] =	wrdreg $0x0  }
0xb1: {  	[dreg:$0x5] =	wrdreg $0x9  }
0xb2: {  	_ =	task.clear_ibuf [dreg:s7], $0x6FFFF;
	_ =	strace $0x90000046  }
0xb3: {  	s29 =	simm.s32 $0x9;
	_ =	strace $0x80000048  }
0xb4: {  	_ =	swait.ge [sflag:s29], $0x1  }
0xb5: {  	[sflag:s29] =	ssyncadd.s32 $0xFFFFFFFF  }
0xb6: {  	_ =	strace $0x90000048  }
0xb7: {  	_ =	sfence  }
0xb8: {  	s30 =	sld [smem:$0x0];
	_ =	sdelay $0x2  }
0xb9: {  	s31 =	sshll.u32 s1, $0xD;
	s1 =	sshrl.u32 s1, $0x2  }
0xba: {  	s3 =	sand.u32 $0x4000, s31;
	s1 =	sadd.s32 s1, s30  }
0xbb: {  	s0 =	sor.u32 s3, s0;
	s1 =	sshll.u32 s1, $0x11  }
0xbc: {  	s0 =	sor.u32 s1, s0  }
0xbd: {  	s0 =	sadd.s32 $0x8F2B, s0  }
0xbe: {  	[sflag:s0] =	ssyncadd.remote.s32 $0x1  }
0xbf: {  	_ =	sfence.sel $0xFFFF  }
0xc0: {  	[dreg:$0x0] =	wrdreg $0xFFFFFFFF;
	(pc) =	sbr.abs _section_cstart, $3  }
0xc1: {  	[dreg:$0x1] =	wrdreg $0xFFFFFFFF  }
0xc2: {  	_ =	task.clear_ibuf [dreg:s7], $0x2FFFF;
	_ =	strace $0x9FFFFFFF  }
0xc3: {  	(tm) =	ssettm $0x7FFFFFFF  }
tec
execute0_lowered:
.L_overlay_start_1:
0x0: {  	(tag) =	ssettag $0x1  }
0x1: {  	s1 =	srdreg.scid;
	s5 =	rddreg [dreg:$0x0]  }
0x2: {  	s0 =	stileid.u32;
	s2 =	rddreg [dreg:$0x1]  }
0x3: {  	s3 =	rddreg [dreg:$0x2];
	s4 =	simm.s32 $0x0;
	s13 =	simm.s32 $0x16800  }
0x4: {  	s14 =	simm.s32 $0x80;
	s15 =	simm.s32 $0x14080;
	s16 =	simm.s32 $0x1  }
0x5: {  	s17 =	simm.s32 $0x2;
	s18 =	simm.s32 $0x0;
	s8 =	smul.u32 $0x2800, s0  }
0x6: {  	s6 =	sand.u32 $0x1, s1;
	s28 =	sshll.u32 s0, $0x1;
	s10 =	smul.u32 $0x50000, s0  }
0x7: {  	[smem:$0x7FF] =	sst s4;
	s1 =	sor.u32 s6, s28;
	s9 =	smul.u32 $0x28000, s6  }
0x8: {  	s31 =	sshll.u32 s0, $0x6;
	s6 =	ssub.s32 $0x2, s6;
	s7 =	smul.u32 $0x500, s1  }
0x9: {  	s1 =	rddreg [dreg:$0x3];
	_ =	strace $0x80000047;
	s29 =	sshrl.u32 s6, $0x1  }
0xa: {  	s30 =	sshrl.u32 s10, $0x2;
	s10 =	simm.s32 $0x3;
	s9 =	sadd.s32 s8, s9  }
0xb: {  	s8 =	sadd.s32 s8, s5;
	s11 =	ssub.s32 s6, s29;
	s12 =	sadd.s32 s30, s3  }
0xc: {  	s7 =	sadd.s32 s7, s5;
	s9 =	sadd.s32 s9, s5;
	s6 =	sadd.s32 $0x17200, s8  }
0xd: {  	s8 =	smax.u32 s11, $0x1;
	s11 =	sor.u32 $0x1C03, s31;
	s12 =	sshrl.u32 s12, $0x3  }
0xe: {  	s5 =	sadd.s32 $0xD200, s7;
	s7 =	sadd.s32 $0x3F200, s9;
	s9 =	simm.s32 $0x14000  }
.LBB2_1:
0xf: {  	[tilespmem:s9], [sflag:$0x3] =	stream.linear.gather [hbm4b:s5+s4], $0x2800, $0x38;
	[tilespmem:$0x1A800] =	vst v63  }
0x10: {  	_ =	swait.ge [sflag:s10], $0x2800  }
0x11: {  	[sflag:s10] =	ssyncset.done $0x0  }
0x12: {  	[sflag:s10] =	ssyncadd.s32 $0xFFFFD800  }
0x13: {  	[spmem:s12], [sflag:s11] =	dma.local [hbm:s6], $0x2800  }
0x14: {  	_ =	swait.ge [sflag:s10], $0x2800  }
0x15: {  	[sflag:s10] =	ssyncset.done $0x0  }
0x16: {  	[sflag:s10] =	ssyncadd.s32 $0xFFFFD800  }
0x17: {  	[tilespmem:s13], [sflag:$0x3] =	stream.linear.gather [hbm4b:s2+s4], $0x4000, $0x38;
	[tilespmem:$0x1A800] =	vst v63  }
0x18: {  	_ =	swait.ge [sflag:s10], $0x4000  }
0x19: {  	[sflag:s10] =	ssyncset.done $0x0  }
0x1a: {  	[sflag:s10] =	ssyncadd.s32 $0xFFFFC000  }
0x1b: {  	[bflag:$0x0] =	sbarrier.arrive $0xFFFF  }
0x1c: {  	[spmem:s3] =	stream.indirect.scatter.add.f32 [tilespmem:s13], [sflag:$0x1], $0x80, s9, s14, $0xb8;
	[tilespmem:$0x1A800] =	vst v63  }
0x1d: {  	_ = 	snop  }
0x1e: {  	[spmem:s3] =	stream.indirect.scatter.add.f32 [tilespmem:s13], [sflag:$0x2], $0x80, s15, s14, $0xb8;
	[tilespmem:$0x1A800] =	vst v63  }
0x1f: {  	_ =	swait.ge [sflag:s16], $0x4000  }
0x20: {  	[sflag:s16] =	ssyncset.done $0x0  }
0x21: {  	s19 =	simm.s32 $0x14100;
	[sflag:s16] =	ssyncadd.s32 $0xFFFFC000  }
0x22: {  	[spmem:s3] =	stream.indirect.scatter.add.f32 [tilespmem:s13], [sflag:$0x1], $0x80, s19, s14, $0xb8;
	[tilespmem:$0x1A800] =	vst v63  }
0x23: {  	_ =	swait.ge [sflag:s17], $0x4000  }
0x24: {  	[sflag:s17] =	ssyncset.done $0x0  }
0x25: {  	s20 =	simm.s32 $0x14180;
	s19 =	simm.s32 $0xFFFF6800;
	[sflag:s17] =	ssyncadd.s32 $0xFFFFC000  }
.LBB2_2:
0x26: {  	[spmem:s3] =	stream.indirect.scatter.add.f32 [tilespmem:s13], [sflag:$0x2], $0x80, s20, s14, $0xb8;
	[tilespmem:$0x1A800] =	vst v63  }
0x27: {  	s20 =	smov.u32 s19  }
0x28: {  	p0 =	sne.s32 s19, $0xFFFFFC00;
	s19 =	sadd.s32 $0x400, s19;
	_ =	swait.ge [sflag:s16], $0x4000  }
0x29: {  	s20 =	sshra.s32 s20, $0x2;
	[sflag:s16] =	ssyncset.done $0x0  }
.Ltmp0:
0x2a: {  	s21 =	sadd.s32 $0x16800, s20;
	[sflag:s16] =	ssyncadd.s32 $0xFFFFC000;
	(pc) =	sbr.rel @p0 .LBB2_2-.Ltmp0, $4  }
0x2b: {  	[spmem:s3] =	stream.indirect.scatter.add.f32 [tilespmem:s13], [sflag:$0x1], $0x80, s21, s14, $0xb8;
	[tilespmem:$0x1A800] =	vst v63  }
0x2c: {  	_ =	swait.ge [sflag:s17], $0x4000  }
0x2d: {  	[sflag:s17] =	ssyncset.done $0x0  }
0x2e: {  	s20 =	sadd.s32 $0x16880, s20;
	[sflag:s17] =	ssyncadd.s32 $0xFFFFC000  }
0x2f: {  	[spmem:s3] =	stream.indirect.scatter.add.f32 [tilespmem:s13], [sflag:$0x2], $0x80, s20, s14, $0xb8;
	[tilespmem:$0x1A800] =	vst v63  }
0x30: {  	_ =	swait.ge [sflag:s16], $0x4000  }
0x31: {  	[sflag:s16] =	ssyncset.done $0x0  }
0x32: {  	[sflag:s16] =	ssyncadd.s32 $0xFFFFC000  }
0x33: {  	_ =	swait.ge [sflag:s17], $0x4000  }
0x34: {  	s18 =	sadd.s32 $0x1, s18;
	[sflag:s17] =	ssyncset.done $0x0  }
0x35: {  	p0 =	sne.s32 s18, s8;
	[sflag:s17] =	ssyncadd.s32 $0xFFFFC000  }
.Ltmp1:
0x36: {  	[bflag:$0x0] =	sbarrier.arrive $0xFFFF;
	(pc) =	sbr.rel @p0 .LBB2_1-.Ltmp1, $4  }
0x37: {  	[hbm:s7], [sflag:s11] =	dma.local [spmem:s12], $0x2800  }
0x38: {  	_ =	swait.ge [sflag:s10], $0x2800  }
0x39: {  	[sflag:s10] =	ssyncset.done $0x0  }
0x3a: {  	[sflag:s10] =	ssyncadd.s32 $0xFFFFD800  }
0x3b: {  	_ =	sfence.sel $0x180000  }
0x3c: {  	[bflag:$0x0] =	sbarrier.arrive $0xFFFF  }
0x3d: {  	p0 =	sne.s32 s0, $0x0;
	_ =	strace $0x90000047  }
0x3e: {  	s0 =	sadd.s32 @!p0 $0x100000, s1;
	[bflag:$0x2] =	sbarrier.arrive $0xFFFF  }
0x3f: {  	[sflag:s0] =	ssyncadd.tile.s32 @!p0 $0x1;
	_ =	shalt  }
.Lfunc_end2:
_tile_overlayer_lowered:
.L_overlay_start_2:
0x40: {  	(tag) =	ssettag $0x2  }
0x41: {  	s0 =	rddreg [dreg:$0x0];
	s2 =	stileid.u32  }
0x42: {  	s1 =	rddreg [dreg:$0x1];
	p0 =	sne.s32 s2, $0x0  }
0x43: {  	s3 =	rddreg [dreg:$0x2];
	[bflag:$0x3] =	sbarrier.arrive $0xFFFF;
	s2 =	simm.s32 @!p0 $0x1C03  }
0x44: {  	[timem:s3], [sflag:s2] =	dma.local @!p0 [hbm:s0], s1  }
0x45: {  	s0 =	simm.s32 @!p0 $0x3  }
0x46: {  	_ =	swait.ge @!p0 [sflag:s0], s1  }
0x47: {  	s1 =	ssub.s32 @!p0 $0x0, s1;
	[sflag:s0] =	ssyncset.done @!p0 $0x0  }
0x48: {  	[sflag:s0] =	ssyncadd.s32 @!p0 s1  }
0x49: {  	[bflag:$0x3] =	sbarrier.arrive $0xFFFF  }
0x4a: {  	_ =	shalt  }

// kernel: kernel.13.cloned.1.call-start
scs
__scs_entry_jumppad:
0x0: {  	(pc) =	sbr.rel $0x88, $3  }
0x1: {  	(tag) =	ssettag $0x0;
	lr =	simm.s32 $0x1  }
0x2: {  	[smem:$0x3F99] =	sst lr;
	_ =	strace $0xD0000000  }
0x3: {  	_ = 	snop  }
0x4: {  	_ = 	snop  }
0x5: {  	_ = 	snop  }
0x6: {  	_ = 	snop  }
0x7: {  	_ = 	snop  }
__scs_overlays_trampoline_lowered:
0x8: {  	[smem:$0x3FA8] =	sst s0  }
0x9: {  	[smem:$0x3FA9] =	sst s1  }
0xa: {  	[smem:$0x3FAA] =	sst s2  }
0xb: {  	[smem:$0x3FAB] =	sst s3  }
0xc: {  	[smem:$0x3FAC] =	sst s4  }
0xd: {  	[smem:$0x3FAD] =	sst s5  }
0xe: {  	[smem:$0x3FAE] =	sst s6  }
0xf: {  	[smem:$0x3FAF] =	sst s7  }
0x10: {  	[smem:$0x3FB0] =	sst s8  }
0x11: {  	[smem:$0x3FB1] =	sst s9;
	s0 =	simm.s32 @!p0 $0x0  }
0x12: {  	s1 =	sld [smem:$0x3F97];
	s0 =	simm.s32 @p0 $0x1  }
0x13: {  	[smem:$0x3FB2] =	sst s0;
	s0 =	simm.s32 @!p1 $0x0  }
0x14: {  	s2 =	sld [smem:$0x3F96];
	s0 =	simm.s32 @p1 $0x1  }
0x15: {  	[smem:$0x3FB3] =	sst s0;
	s0 =	simm.s32 @!p2 $0x0  }
0x16: {  	s3 =	sld [smem:$0x3FDB];
	s0 =	simm.s32 @p2 $0x1  }
0x17: {  	s4 =	simm.s32 $0x1BF5;
	[smem:$0x3FB5] =	sst s0  }
0x18: {  	s0 =	sld [smem:$0x3F98];
	_ =	swait.ge [sflag:s4], $0x0  }
0x19: {  	s7 =	sld [smem:$0x3F99]  }
0x1a: {  	s8 =	sadd.s32 $0xFFFFE003, lr  }
0x1b: {  	s9 =	sadd.s32 $0xFFFFFEF7, lr;
	s5 =	simm.s32 $0xFFFFFFFF;
	p2 =	slt.u32 s8, $0xFFFFF086  }
0x1c: {  	p1 =	slt.u32 s9, $0xF7A;
	s5 =	simm.s32 @!p2 $0x0  }
0x1d: {  	s5 =	simm.s32 @p1 $0x1;
	p0 =	seq.s32 s7, s2  }
0x1e: {  	s7 =	smul.u32 @!p0 $0xF7A, s2;
	p2 =	seq.s32 @!p0 s5, $0x0  }
0x1f: {  	s9 =	smul.u32 $0xF7A, s1;
	s8 =	simm.s32 @!p0 $0x1BF5;
	p2 =	por !p2, p0  }
0x20: {  	[sflag:s8] =	ssyncset.s32 @!p0 $0xFFFFF086;
	s6 =	sadd.s32 @!p0 s3, s7;
	s7 =	simm.s32 @!p0 $0x108  }
0x21: {  	s3 =	sadd.s32 s3, s9;
	s6 =	sadd.s32 @!p0 $0x88, s6;
	s7 =	simm.s32 @p2 $0x1082  }
0x22: {  	[simem:s7], [sflag:s8] =	dma.local @!p0 [hbm:s6], $0xF7A  }
0x23: {  	s9 =	sor.u32 $0xD0000000, s2;
	s6 =	simm.s32 $0x108;
	_ =	swait.ge @!p0 [sflag:s8], $0x0  }
0x24: {  	s3 =	sadd.s32 $0x88, s3;
	s6 =	simm.s32 @!p1 $0x1082;
	[sflag:s4] =	ssyncset.s32 $0xFFFFF086  }
0x25: {  	[simem:s6], [sflag:s4] =	dma.local [hbm:s3], $0xF7A  }
0x26: {  	[smem:$0x3F99] =	sst s1;
	(tag) =	ssettag s2;
	_ =	strace s9  }
0x27: {  	s1 =	sld [smem:$0x3FA9]  }
0x28: {  	s2 =	sld [smem:$0x3FAA]  }
0x29: {  	s4 =	sld [smem:$0x3FAC]  }
0x2a: {  	p0 =	seq.s32 s5, $0x0;
	s5 =	sld [smem:$0x3FAD]  }
0x2b: {  	s6 =	sld [smem:$0x3FAE]  }
0x2c: {  	s7 =	sld [smem:$0x3FAF]  }
0x2d: {  	s3 =	simm.s32 $0x108;
	s8 =	sld [smem:$0x3FB0]  }
0x2e: {  	s3 =	simm.s32 @!p0 $0x1082;
	s9 =	sld [smem:$0x3FB1]  }
0x2f: {  	lr =	sadd.s32 s0, s3;
	s0 =	sld [smem:$0x3FA8]  }
0x30: {  	s3 =	sld [smem:$0x3FAB]  }
0x31: {  	[smem:$0x3FB4] =	sst s10  }
0x32: {  	s10 =	sld [smem:$0x3FB2];
	_ =	sdelay $0x3  }
0x33: {  	p0 =	seq.s32 s10, $0x1;
	s10 =	sld [smem:$0x3FB4];
	_ =	sdelay $0x3  }
0x34: {  	[smem:$0x3FB4] =	sst s10  }
0x35: {  	s10 =	sld [smem:$0x3FB3];
	_ =	sdelay $0x3  }
0x36: {  	p1 =	seq.s32 s10, $0x1;
	s10 =	sld [smem:$0x3FB4];
	_ =	sdelay $0x3  }
0x37: {  	[smem:$0x3FB4] =	sst s10  }
0x38: {  	s10 =	sld [smem:$0x3FB5]  }
0x39: {  	_ = 	snop;
	(pc) =	sbr.ind lr, $3  }
0x3a: {  	_ = 	snop  }
0x3b: {  	_ = 	snop  }
0x3c: {  	p2 =	seq.s32 s10, $0x1;
	s10 =	sld [smem:$0x3FB4]  }
0x3d: {  	_ =	shalt  }
0x3e: {  	_ =	shalt  }
0x3f: {  	_ =	shalt  }
0x40: {  	_ =	shalt  }
0x41: {  	_ =	shalt  }
0x42: {  	_ =	shalt  }
0x43: {  	_ =	shalt  }
0x44: {  	_ =	shalt  }
0x45: {  	_ =	shalt  }
0x46: {  	_ =	shalt  }
0x47: {  	_ =	shalt  }
0x48: {  	_ =	shalt  }
0x49: {  	_ =	shalt  }
0x4a: {  	_ =	shalt  }
0x4b: {  	_ =	shalt  }
0x4c: {  	_ =	shalt  }
0x4d: {  	_ =	shalt  }
0x4e: {  	_ =	shalt  }
0x4f: {  	_ =	shalt  }
0x50: {  	_ =	shalt  }
0x51: {  	_ =	shalt  }
0x52: {  	_ =	shalt  }
0x53: {  	_ =	shalt  }
0x54: {  	_ =	shalt  }
0x55: {  	_ =	shalt  }
0x56: {  	_ =	shalt  }
0x57: {  	_ =	shalt  }
0x58: {  	_ =	shalt  }
0x59: {  	_ =	shalt  }
0x5a: {  	_ =	shalt  }
0x5b: {  	_ =	shalt  }
0x5c: {  	_ =	shalt  }
0x5d: {  	_ =	shalt  }
0x5e: {  	_ =	shalt  }
0x5f: {  	_ =	shalt  }
0x60: {  	_ =	shalt  }
0x61: {  	_ =	shalt  }
0x62: {  	_ =	shalt  }
0x63: {  	_ =	shalt  }
0x64: {  	_ =	shalt  }
0x65: {  	_ =	shalt  }
0x66: {  	_ =	shalt  }
0x67: {  	_ =	shalt  }
0x68: {  	_ =	shalt  }
0x69: {  	_ =	shalt  }
0x6a: {  	_ =	shalt  }
0x6b: {  	_ =	shalt  }
0x6c: {  	_ =	shalt  }
0x6d: {  	_ =	shalt  }
0x6e: {  	_ =	shalt  }
0x6f: {  	_ =	shalt  }
0x70: {  	_ =	shalt  }
0x71: {  	_ =	shalt  }
0x72: {  	_ =	shalt  }
0x73: {  	_ =	shalt  }
0x74: {  	_ =	shalt  }
0x75: {  	_ =	shalt  }
0x76: {  	_ =	shalt  }
0x77: {  	_ =	shalt  }
0x78: {  	_ =	shalt  }
0x79: {  	_ =	shalt  }
0x7a: {  	_ =	shalt  }
0x7b: {  	_ =	shalt  }
0x7c: {  	_ =	shalt  }
0x7d: {  	_ =	shalt  }
0x7e: {  	_ =	shalt  }
0x7f: {  	_ =	shalt  }
0x80: {  	_ =	shalt  }
0x81: {  	_ =	shalt  }
0x82: {  	_ =	shalt  }
0x83: {  	_ =	shalt  }
0x84: {  	_ =	shalt  }
0x85: {  	_ =	shalt  }
0x86: {  	_ =	shalt  }
0x87: {  	_ =	shalt  }
.Lfunc_end0:
.L_simem_size_0:
called_computation.1_lowered:
.L_overlay_start_0:
0x88: {  	s2 =	sld [smem:$0x3FD9]  }
0x89: {  	s3 =	sld [smem:$0x3FFE];
	_ =	sdelay $0x1  }
0x8a: {  	s1 =	srdreg.scid  }
0x8b: {  	s0 =	sand.u32 $0x1, s1  }
0x8c: {  	s16 =	sshll.u32 s0, $0xA;
	s2 =	sadd.s32 s3, s2  }
0x8d: {  	s2 =	sadd.s32 s2, s16  }
0x8e: {  	[smem:$0x3FC0] =	sst s2  }
0x8f: {  	_ = 	snop  }
0x90: {  	(tm) =	ssettm $0x1  }
0x91: {  	s17 =	sld [smem:$0x3FFB];
	_ =	sdelay $0x3  }
0x92: {  	_ =	strace s17  }
0x93: {  	s2 =	sld [smem:$0x3FFC];
	_ =	sdelay $0x3  }
0x94: {  	_ =	strace s2  }
0x95: {  	s2 =	sld [smem:$0x3FFD];
	_ =	sdelay $0x3  }
0x96: {  	_ =	strace s2  }
0x97: {  	_ =	strace $0x8FFFFFFF  }
0x98: {  	s18 =	sld [smem:$0x3FDB];
	_ =	sdelay $0x1  }
0x99: {  	s19 =	simm.s32 $_scs_section_size  }
0x9a: {  	s4 =	simm.s32 $_size__tile_overlayer_lowered;
	s5 =	simm.s32 $_tile_overlayer_lowered  }
0x9b: {  	s22 =	simm.s32 $0x1BFF;
	s21 =	sshll.u32 s5, $0x1;
	s2 =	sadd.s32 s19, s18  }
0x9c: {  	s6 =	simm.s32 $0x0;
	s20 =	sshll.u32 s4, $0x1;
	s4 =	sadd.s32 s21, s2  }
0x9d: {  	[timem:s6], [sflag:s22] =	dma.local [hbm:s4], s20  }
0x9e: {  	_ =	swait.ge [sflag:s22], s20  }
0x9f: {  	s3 =	ssub.s32 $0x0, s20;
	[sflag:s22] =	ssyncset.done $0x0  }
0xa0: {  	[sflag:s22] =	ssyncadd.s32 s3;
	_ =	sdelay $0x1  }
0xa1: {  	s23 =	simm.s32 $0x1B8B  }
0xa2: {  	_ =	swait.ge [sflag:s23], $0x1  }
0xa3: {  	[sflag:s23] =	ssyncset.done $0x0  }
0xa4: {  	s25 =	simm.s32 $0x1B8E;
	s24 =	sld [smem:$0x3FFE];
	[sflag:s23] =	ssyncadd.s32 $0xFFFFFFFF  }
0xa5: {  	s26 =	simm.s32 $execute0_lowered;
	[smem:$0x3FD2] =	sst s25  }
0xa6: {  	s4 =	sshll.u32 s26, $0x1;
	_ =	strace $0x80000049;
	[dreg:$0x1] =	wrdreg $0xFFFFFFFF  }
0xa7: {  	s28 =	simm.s32 $_size_execute0_lowered;
	s2 =	sadd.s32 s2, s4;
	[dreg:$0x0] =	wrdreg $0x0  }
0xa8: {  	s4 =	sshll.u32 s28, $0x1;
	[dreg:$0x2] =	wrdreg s2  }
0xa9: {  	[dreg:$0x3] =	wrdreg s4  }
0xaa: {  	[dreg:$0x4] =	wrdreg $0xC0  }
0xab: {  	_ =	task [dreg:s6], $0x5FFFF  }
0xac: {  	[dreg:$0x1] =	wrdreg $0xFFFFFFFF  }
0xad: {  	[dreg:$0x0] =	wrdreg $0x60  }
0xae: {  	[dreg:$0x2] =	wrdreg s24  }
0xaf: {  	[dreg:$0x3] =	wrdreg $0x0  }
0xb0: {  	[dreg:$0x4] =	wrdreg $0x9  }
0xb1: {  	_ =	task.clear_ibuf [dreg:s6], $0x5FFFF;
	_ =	strace $0x90000049  }
0xb2: {  	s29 =	simm.s32 $0x9;
	_ =	strace $0x8000004B  }
0xb3: {  	_ =	swait.ge [sflag:s29], $0x1  }
0xb4: {  	[sflag:s29] =	ssyncadd.s32 $0xFFFFFFFF  }
0xb5: {  	_ =	strace $0x9000004B  }
0xb6: {  	_ =	sfence  }
0xb7: {  	s30 =	sld [smem:$0x0];
	_ =	sdelay $0x2  }
0xb8: {  	s31 =	sshll.u32 s1, $0xD;
	s1 =	sshrl.u32 s1, $0x2  }
0xb9: {  	s3 =	sand.u32 $0x4000, s31;
	s1 =	sadd.s32 s1, s30  }
0xba: {  	s0 =	sor.u32 s3, s0;
	s1 =	sshll.u32 s1, $0x11  }
0xbb: {  	s0 =	sor.u32 s1, s0  }
0xbc: {  	s0 =	sadd.s32 $0x8F2B, s0  }
0xbd: {  	[sflag:s0] =	ssyncadd.remote.s32 $0x1  }
0xbe: {  	_ =	sfence.sel $0xFFFF  }
0xbf: {  	[dreg:$0x0] =	wrdreg $0xFFFFFFFF;
	(pc) =	sbr.abs _section_cstart, $3  }
0xc0: {  	[dreg:$0x1] =	wrdreg $0xFFFFFFFF  }
0xc1: {  	_ =	task.clear_ibuf [dreg:s6], $0x2FFFF;
	_ =	strace $0x9FFFFFFF  }
0xc2: {  	(tm) =	ssettm $0x7FFFFFFF  }
0xc3: {  	_ =	shalt  }
tec
execute0_lowered:
.L_overlay_start_1:
0x0: {  	(tag) =	ssettag $0x1  }
0x1: {  	s0 =	rddreg [dreg:$0x0]  }
0x2: {  	s2 =	rddreg [dreg:$0x1];
	s3 =	simm.s32 $0x0  }
0x3: {  	s1 =	stileid.u32;
	s4 =	srdreg.scid;
	s15 =	simm.s32 $0x14000  }
0x4: {  	s16 =	simm.s32 $0x6;
	s17 =	simm.s32 $0x15400;
	s18 =	simm.s32 $0x5  }
0x5: {  	s19 =	simm.s32 $0x80;
	s20 =	simm.s32 $0x16800;
	s21 =	simm.s32 $0x1  }
0x6: {  	s22 =	simm.s32 $0x14080;
	s23 =	simm.s32 $0x1A800;
	s28 =	simm.s32 $0x14100  }
0x7: {  	s29 =	simm.s32 $0x4;
	s30 =	simm.s32 $0x0;
	[smem:$0x7FF] =	sst s3  }
0x8: {  	s5 =	smul.u32 $0x2800, s1;
	s6 =	sand.u32 $0x1, s4;
	s4 =	sadd.s32 $0x3F200, s0  }
0x9: {  	s10 =	sadd.s32 $0x3200, s0;
	s11 =	sadd.s32 $0xD200, s0;
	s9 =	smul.u32 $0x50000, s1  }
0xa: {  	s24 =	sshll.u32 s1, $0x1;
	_ =	strace $0x8000004A;
	s7 =	smul.u32 $0x28000, s6  }
0xb: {  	s25 =	ssub.s32 $0x2, s6;
	s6 =	sor.u32 s6, s24;
	s24 =	simm.s32 $0x2  }
0xc: {  	s8 =	sadd.s32 s5, s0;
	s26 =	sshrl.u32 s25, $0x1;
	s12 =	smul.u32 $0x2800, s6  }
0xd: {  	s9 =	sshrl.u32 s9, $0x2;
	s31 =	smul.u32 $0x500, s6;
	s6 =	sshll.u32 s1, $0x6  }
0xe: {  	s5 =	sadd.s32 s5, s7;
	s13 =	ssub.s32 s25, s26;
	s14 =	sadd.s32 s9, s2  }
.Ltmp0:
0xf: {  	s7 =	sor.u32 $0x1C05, s6;
	s25 =	simm.s32 $0x15480;
	(pc) =	sbr.rel .LBB2_1-.Ltmp0, $4  }
0x10: {  	s26 =	simm.s32 $0x3;
	s0 =	sadd.s32 s5, s0;
	s5 =	sadd.s32 $0x17200, s8  }
0x11: {  	s12 =	sshrl.u32 s12, $0x3;
	s8 =	sadd.s32 s10, s31;
	s9 =	sadd.s32 s11, s31  }
0x12: {  	s13 =	smax.u32 s13, $0x1;
	s14 =	sshrl.u32 s14, $0x3;
	s12 =	sadd.s32 $0x280, s12  }
0x13: {  	s10 =	sadd.s32 s10, s12;
	s11 =	sadd.s32 s11, s12;
	s12 =	sadd.s32 $0x67200, s0  }
.LBB2_7:
0x14: {  	_ =	swait.ge [sflag:s29], $0x4000  }
0x15: {  	s30 =	sadd.s32 $0x1, s30;
	[sflag:s29] =	ssyncset.done $0x0  }
0x16: {  	p0 =	sne.s32 s30, s13;
	[sflag:s29] =	ssyncadd.s32 $0xFFFFC000  }
.Ltmp1:
0x17: {  	s0 =	sor.u32 $0x1C06, s6;
	[bflag:$0x0] =	sbarrier.arrive $0xFFFF;
	(pc) =	sbr.rel @!p0 .LBB2_8-.Ltmp1, $4  }
0x18: {  	[hbm:s12], [sflag:s0] =	dma.local [spmem:s14], $0x2800  }
0x19: {  	_ =	swait.ge [sflag:s16], $0x2800  }
0x1a: {  	[sflag:s16] =	ssyncset.done $0x0  }
0x1b: {  	[sflag:s16] =	ssyncadd.s32 $0xFFFFD800  }
.LBB2_1:
0x1c: {  	[spmem:s14], [sflag:s7] =	dma.local [hbm:s5], $0x2800  }
0x1d: {  	[tilespmem:s15], [sflag:$0x6] =	stream.linear.gather [hbm4b:s8+s3], $0x1400, $0x38;
	[tilespmem:$0x1E800] =	vst v63  }
0x1e: {  	_ =	swait.ge [sflag:s16], $0x1400  }
0x1f: {  	[sflag:s16] =	ssyncset.done $0x0  }
0x20: {  	[sflag:s16] =	ssyncadd.s32 $0xFFFFEC00  }
0x21: {  	[tilespmem:s17], [sflag:$0x6] =	stream.linear.gather [hbm4b:s9+s3], $0x1400, $0x38;
	[tilespmem:$0x1E800] =	vst v63  }
0x22: {  	_ =	swait.ge [sflag:s16], $0x1400  }
0x23: {  	[sflag:s16] =	ssyncset.done $0x0  }
0x24: {  	[sflag:s16] =	ssyncadd.s32 $0xFFFFEC00  }
0x25: {  	_ =	swait.ge [sflag:s18], $0x2800  }
0x26: {  	[sflag:s18] =	ssyncset.done $0x0  }
0x27: {  	[sflag:s18] =	ssyncadd.s32 $0xFFFFD800  }
0x28: {  	[bflag:$0x0] =	sbarrier.arrive $0xFFFF  }
0x29: {  	[tilespmem:s20], [sflag:$0x1] =	stream.indirect.gather [hbm4b:s4+s19], $0x80, s15, s19, $0xb8;
	[tilespmem:$0x1E800] =	vst v63  }
0x2a: {  	_ =	swait.ge [sflag:s21], $0x4000  }
0x2b: {  	[sflag:s21] =	ssyncset.done $0x0  }
0x2c: {  	[sflag:s21] =	ssyncadd.s32 $0xFFFFC000  }
0x2d: {  	[spmem:s2] =	stream.indirect.scatter.add.f32 [tilespmem:s20], [sflag:$0x3], $0x80, s17, s19, $0xb8;
	[tilespmem:$0x1E800] =	vst v63  }
0x2e: {  	_ = 	snop  }
0x2f: {  	[tilespmem:s23], [sflag:$0x2] =	stream.indirect.gather [hbm4b:s4+s19], $0x80, s22, s19, $0xb8;
	[tilespmem:$0x1E800] =	vst v63  }
0x30: {  	_ =	swait.ge [sflag:s24], $0x4000  }
0x31: {  	[sflag:s24] =	ssyncset.done $0x0  }
0x32: {  	[sflag:s24] =	ssyncadd.s32 $0xFFFFC000  }
0x33: {  	[spmem:s2] =	stream.indirect.scatter.add.f32 [tilespmem:s23], [sflag:$0x4], $0x80, s25, s19, $0xb8;
	[tilespmem:$0x1E800] =	vst v63  }
0x34: {  	_ =	swait.ge [sflag:s26], $0x4000  }
0x35: {  	[sflag:s26] =	ssyncset.done $0x0  }
0x36: {  	s31 =	simm.s32 $0xFFFFB800;
	[sflag:s26] =	ssyncadd.s32 $0xFFFFC000  }
0x37: {  	[tilespmem:s20], [sflag:$0x1] =	stream.indirect.gather [hbm4b:s4+s19], $0x80, s28, s19, $0xb8;
	[tilespmem:$0x1E800] =	vst v63  }
.LBB2_2:
0x38: {  	_ =	swait.ge [sflag:s21], $0x4000  }
0x39: {  	s0 =	sshra.s32 s31, $0x2;
	[sflag:s21] =	ssyncset.done $0x0  }
0x3a: {  	s1 =	sadd.s32 $0x16700, s0;
	[sflag:s21] =	ssyncadd.s32 $0xFFFFC000  }
0x3b: {  	[spmem:s2] =	stream.indirect.scatter.add.f32 [tilespmem:s20], [sflag:$0x3], $0x80, s1, s19, $0xb8;
	[tilespmem:$0x1E800] =	vst v63  }
0x3c: {  	_ =	swait.ge [sflag:s29], $0x4000  }
0x3d: {  	[sflag:s29] =	ssyncset.done $0x0  }
0x3e: {  	s1 =	sadd.s32 $0x15380, s0;
	[sflag:s29] =	ssyncadd.s32 $0xFFFFC000  }
0x3f: {  	[tilespmem:s23], [sflag:$0x2] =	stream.indirect.gather [hbm4b:s4+s19], $0x80, s1, s19, $0xb8;
	[tilespmem:$0x1E800] =	vst v63  }
0x40: {  	_ =	swait.ge [sflag:s24], $0x4000  }
0x41: {  	p0 =	seq.s32 s31, $0x0;
	[sflag:s24] =	ssyncset.done $0x0  }
.Ltmp2:
0x42: {  	s1 =	sadd.s32 $0x16780, s0;
	[sflag:s24] =	ssyncadd.s32 $0xFFFFC000;
	(pc) =	sbr.rel @p0 .LBB2_4-.Ltmp2, $4  }
0x43: {  	[spmem:s2] =	stream.indirect.scatter.add.f32 [tilespmem:s23], [sflag:$0x4], $0x80, s1, s19, $0xb8;
	[tilespmem:$0x1E800] =	vst v63  }
0x44: {  	_ =	swait.ge [sflag:s26], $0x4000  }
0x45: {  	[sflag:s26] =	ssyncset.done $0x0  }
0x46: {  	[sflag:s26] =	ssyncadd.s32 $0xFFFFC000  }
.Ltmp3:
0x47: {  	(pc) =	sbr.rel .LBB2_2-.Ltmp3, $3  }
0x48: {  	_ =	sdelay $0x1  }
0x49: {  	s0 =	sadd.s32 $0x15400, s0;
	s31 =	sadd.s32 $0x400, s31  }
0x4a: {  	[tilespmem:s20], [sflag:$0x1] =	stream.indirect.gather [hbm4b:s4+s19], $0x80, s0, s19, $0xb8;
	[tilespmem:$0x1E800] =	vst v63  }
.LBB2_4:
0x4b: {  	_ =	swait.ge [sflag:s29], $0x4000  }
0x4c: {  	[sflag:s29] =	ssyncset.done $0x0  }
0x4d: {  	[sflag:s29] =	ssyncadd.s32 $0xFFFFC000  }
0x4e: {  	[tilespmem:s15], [sflag:$0x6] =	stream.linear.gather [hbm4b:s10+s3], $0x1400, $0x38;
	[tilespmem:$0x1E800] =	vst v63  }
0x4f: {  	_ =	swait.ge [sflag:s16], $0x1400  }
0x50: {  	[sflag:s16] =	ssyncset.done $0x0  }
0x51: {  	[sflag:s16] =	ssyncadd.s32 $0xFFFFEC00  }
0x52: {  	[tilespmem:s17], [sflag:$0x6] =	stream.linear.gather [hbm4b:s11+s3], $0x1400, $0x38;
	[tilespmem:$0x1E800] =	vst v63  }
0x53: {  	_ =	swait.ge [sflag:s16], $0x1400  }
0x54: {  	[sflag:s16] =	ssyncset.done $0x0  }
0x55: {  	[sflag:s16] =	ssyncadd.s32 $0xFFFFEC00  }
0x56: {  	[tilespmem:s20], [sflag:$0x1] =	stream.indirect.gather [hbm4b:s4+s19], $0x80, s15, s19, $0xb8;
	[tilespmem:$0x1E800] =	vst v63  }
0x57: {  	_ =	swait.ge [sflag:s21], $0x4000  }
0x58: {  	[sflag:s21] =	ssyncset.done $0x0  }
0x59: {  	[sflag:s21] =	ssyncadd.s32 $0xFFFFC000  }
0x5a: {  	[spmem:s2] =	stream.indirect.scatter.add.f32 [tilespmem:s20], [sflag:$0x3], $0x80, s17, s19, $0xb8;
	[tilespmem:$0x1E800] =	vst v63  }
0x5b: {  	_ = 	snop  }
0x5c: {  	[tilespmem:s23], [sflag:$0x2] =	stream.indirect.gather [hbm4b:s4+s19], $0x80, s22, s19, $0xb8;
	[tilespmem:$0x1E800] =	vst v63  }
0x5d: {  	_ =	swait.ge [sflag:s24], $0x4000  }
0x5e: {  	[sflag:s24] =	ssyncset.done $0x0  }
0x5f: {  	[sflag:s24] =	ssyncadd.s32 $0xFFFFC000  }
0x60: {  	[spmem:s2] =	stream.indirect.scatter.add.f32 [tilespmem:s23], [sflag:$0x4], $0x80, s25, s19, $0xb8;
	[tilespmem:$0x1E800] =	vst v63  }
0x61: {  	_ =	swait.ge [sflag:s26], $0x4000  }
0x62: {  	[sflag:s26] =	ssyncset.done $0x0  }
0x63: {  	s31 =	simm.s32 $0xFFFFB800;
	[sflag:s26] =	ssyncadd.s32 $0xFFFFC000  }
0x64: {  	[tilespmem:s20], [sflag:$0x1] =	stream.indirect.gather [hbm4b:s4+s19], $0x80, s28, s19, $0xb8;
	[tilespmem:$0x1E800] =	vst v63  }
.LBB2_5:
0x65: {  	_ =	swait.ge [sflag:s21], $0x4000  }
0x66: {  	s0 =	sshra.s32 s31, $0x2;
	[sflag:s21] =	ssyncset.done $0x0  }
0x67: {  	s1 =	sadd.s32 $0x16700, s0;
	[sflag:s21] =	ssyncadd.s32 $0xFFFFC000  }
0x68: {  	[spmem:s2] =	stream.indirect.scatter.add.f32 [tilespmem:s20], [sflag:$0x3], $0x80, s1, s19, $0xb8;
	[tilespmem:$0x1E800] =	vst v63  }
0x69: {  	_ =	swait.ge [sflag:s29], $0x4000  }
0x6a: {  	[sflag:s29] =	ssyncset.done $0x0  }
0x6b: {  	s1 =	sadd.s32 $0x15380, s0;
	[sflag:s29] =	ssyncadd.s32 $0xFFFFC000  }
0x6c: {  	[tilespmem:s23], [sflag:$0x2] =	stream.indirect.gather [hbm4b:s4+s19], $0x80, s1, s19, $0xb8;
	[tilespmem:$0x1E800] =	vst v63  }
0x6d: {  	_ =	swait.ge [sflag:s24], $0x4000  }
0x6e: {  	p0 =	seq.s32 s31, $0x0;
	[sflag:s24] =	ssyncset.done $0x0  }
.Ltmp4:
0x6f: {  	s1 =	sadd.s32 $0x16780, s0;
	[sflag:s24] =	ssyncadd.s32 $0xFFFFC000;
	(pc) =	sbr.rel @p0 .LBB2_7-.Ltmp4, $4  }
0x70: {  	[spmem:s2] =	stream.indirect.scatter.add.f32 [tilespmem:s23], [sflag:$0x4], $0x80, s1, s19, $0xb8;
	[tilespmem:$0x1E800] =	vst v63  }
0x71: {  	_ =	swait.ge [sflag:s26], $0x4000  }
0x72: {  	[sflag:s26] =	ssyncset.done $0x0  }
0x73: {  	[sflag:s26] =	ssyncadd.s32 $0xFFFFC000  }
.Ltmp5:
0x74: {  	(pc) =	sbr.rel .LBB2_5-.Ltmp5, $3  }
0x75: {  	_ =	sdelay $0x1  }
0x76: {  	s0 =	sadd.s32 $0x15400, s0;
	s31 =	sadd.s32 $0x400, s31  }
0x77: {  	[tilespmem:s20], [sflag:$0x1] =	stream.indirect.gather [hbm4b:s4+s19], $0x80, s0, s19, $0xb8;
	[tilespmem:$0x1E800] =	vst v63  }
.LBB2_8:
0x78: {  	_ =	sfence.sel $0x180000  }
0x79: {  	[bflag:$0x0] =	sbarrier.arrive $0xFFFF  }
0x7a: {  	_ =	strace $0x9000004A  }
0x7b: {  	s0 =	stileid.u32;
	[bflag:$0x2] =	sbarrier.arrive $0xFFFF  }
0x7c: {  	p0 =	sne.s32 s0, $0x0;
	s0 =	rddreg [dreg:$0x2]  }
0x7d: {  	s0 =	sadd.s32 @!p0 $0x100000, s0  }
0x7e: {  	[sflag:s0] =	ssyncadd.tile.s32 @!p0 $0x1;
	_ =	shalt  }
.Lfunc_end2:
_tile_overlayer_lowered:
.L_overlay_start_2:
0x7f: {  	(tag) =	ssettag $0x2  }
0x80: {  	s0 =	rddreg [dreg:$0x0];
	s2 =	stileid.u32  }
0x81: {  	s1 =	rddreg [dreg:$0x1];
	p0 =	sne.s32 s2, $0x0  }
0x82: {  	s3 =	rddreg [dreg:$0x2];
	[bflag:$0x3] =	sbarrier.arrive $0xFFFF;
	s2 =	simm.s32 @!p0 $0x1C06  }
0x83: {  	[timem:s3], [sflag:s2] =	dma.local @!p0 [hbm:s0], s1  }
0x84: {  	s0 =	simm.s32 @!p0 $0x6  }
0x85: {  	_ =	swait.ge @!p0 [sflag:s0], s1  }
0x86: {  	s1 =	ssub.s32 @!p0 $0x0, s1;
	[sflag:s0] =	ssyncset.done @!p0 $0x0  }
0x87: {  	[sflag:s0] =	ssyncadd.s32 @!p0 s1  }
0x88: {  	[bflag:$0x3] =	sbarrier.arrive $0xFFFF  }
0x89: {  	_ =	shalt  }

// kernel: kernel.16.cloned.1.call-start
scs
__scs_entry_jumppad:
0x0: {  	(pc) =	sbr.rel $0x88, $3  }
0x1: {  	(tag) =	ssettag $0x0;
	lr =	simm.s32 $0x1  }
0x2: {  	[smem:$0x3F99] =	sst lr;
	_ =	strace $0xD0000000  }
0x3: {  	_ = 	snop  }
0x4: {  	_ = 	snop  }
0x5: {  	_ = 	snop  }
0x6: {  	_ = 	snop  }
0x7: {  	_ = 	snop  }
__scs_overlays_trampoline_lowered:
0x8: {  	[smem:$0x3FA8] =	sst s0  }
0x9: {  	[smem:$0x3FA9] =	sst s1  }
0xa: {  	[smem:$0x3FAA] =	sst s2  }
0xb: {  	[smem:$0x3FAB] =	sst s3  }
0xc: {  	[smem:$0x3FAC] =	sst s4  }
0xd: {  	[smem:$0x3FAD] =	sst s5  }
0xe: {  	[smem:$0x3FAE] =	sst s6  }
0xf: {  	[smem:$0x3FAF] =	sst s7  }
0x10: {  	[smem:$0x3FB0] =	sst s8  }
0x11: {  	[smem:$0x3FB1] =	sst s9;
	s0 =	simm.s32 @!p0 $0x0  }
0x12: {  	s1 =	sld [smem:$0x3F97];
	s0 =	simm.s32 @p0 $0x1  }
0x13: {  	[smem:$0x3FB2] =	sst s0;
	s0 =	simm.s32 @!p1 $0x0  }
0x14: {  	s2 =	sld [smem:$0x3F96];
	s0 =	simm.s32 @p1 $0x1  }
0x15: {  	[smem:$0x3FB3] =	sst s0;
	s0 =	simm.s32 @!p2 $0x0  }
0x16: {  	s3 =	sld [smem:$0x3FDB];
	s0 =	simm.s32 @p2 $0x1  }
0x17: {  	s4 =	simm.s32 $0x1BF5;
	[smem:$0x3FB5] =	sst s0  }
0x18: {  	s0 =	sld [smem:$0x3F98];
	_ =	swait.ge [sflag:s4], $0x0  }
0x19: {  	s7 =	sld [smem:$0x3F99]  }
0x1a: {  	s8 =	sadd.s32 $0xFFFFE003, lr  }
0x1b: {  	s9 =	sadd.s32 $0xFFFFFEF7, lr;
	s5 =	simm.s32 $0xFFFFFFFF;
	p2 =	slt.u32 s8, $0xFFFFF086  }
0x1c: {  	p1 =	slt.u32 s9, $0xF7A;
	s5 =	simm.s32 @!p2 $0x0  }
0x1d: {  	s5 =	simm.s32 @p1 $0x1;
	p0 =	seq.s32 s7, s2  }
0x1e: {  	s7 =	smul.u32 @!p0 $0xF7A, s2;
	p2 =	seq.s32 @!p0 s5, $0x0  }
0x1f: {  	s9 =	smul.u32 $0xF7A, s1;
	s8 =	simm.s32 @!p0 $0x1BF5;
	p2 =	por !p2, p0  }
0x20: {  	[sflag:s8] =	ssyncset.s32 @!p0 $0xFFFFF086;
	s6 =	sadd.s32 @!p0 s3, s7;
	s7 =	simm.s32 @!p0 $0x108  }
0x21: {  	s3 =	sadd.s32 s3, s9;
	s6 =	sadd.s32 @!p0 $0x88, s6;
	s7 =	simm.s32 @p2 $0x1082  }
0x22: {  	[simem:s7], [sflag:s8] =	dma.local @!p0 [hbm:s6], $0xF7A  }
0x23: {  	s9 =	sor.u32 $0xD0000000, s2;
	s6 =	simm.s32 $0x108;
	_ =	swait.ge @!p0 [sflag:s8], $0x0  }
0x24: {  	s3 =	sadd.s32 $0x88, s3;
	s6 =	simm.s32 @!p1 $0x1082;
	[sflag:s4] =	ssyncset.s32 $0xFFFFF086  }
0x25: {  	[simem:s6], [sflag:s4] =	dma.local [hbm:s3], $0xF7A  }
0x26: {  	[smem:$0x3F99] =	sst s1;
	(tag) =	ssettag s2;
	_ =	strace s9  }
0x27: {  	s1 =	sld [smem:$0x3FA9]  }
0x28: {  	s2 =	sld [smem:$0x3FAA]  }
0x29: {  	s4 =	sld [smem:$0x3FAC]  }
0x2a: {  	p0 =	seq.s32 s5, $0x0;
	s5 =	sld [smem:$0x3FAD]  }
0x2b: {  	s6 =	sld [smem:$0x3FAE]  }
0x2c: {  	s7 =	sld [smem:$0x3FAF]  }
0x2d: {  	s3 =	simm.s32 $0x108;
	s8 =	sld [smem:$0x3FB0]  }
0x2e: {  	s3 =	simm.s32 @!p0 $0x1082;
	s9 =	sld [smem:$0x3FB1]  }
0x2f: {  	lr =	sadd.s32 s0, s3;
	s0 =	sld [smem:$0x3FA8]  }
0x30: {  	s3 =	sld [smem:$0x3FAB]  }
0x31: {  	[smem:$0x3FB4] =	sst s10  }
0x32: {  	s10 =	sld [smem:$0x3FB2];
	_ =	sdelay $0x3  }
0x33: {  	p0 =	seq.s32 s10, $0x1;
	s10 =	sld [smem:$0x3FB4];
	_ =	sdelay $0x3  }
0x34: {  	[smem:$0x3FB4] =	sst s10  }
0x35: {  	s10 =	sld [smem:$0x3FB3];
	_ =	sdelay $0x3  }
0x36: {  	p1 =	seq.s32 s10, $0x1;
	s10 =	sld [smem:$0x3FB4];
	_ =	sdelay $0x3  }
0x37: {  	[smem:$0x3FB4] =	sst s10  }
0x38: {  	s10 =	sld [smem:$0x3FB5]  }
0x39: {  	_ = 	snop;
	(pc) =	sbr.ind lr, $3  }
0x3a: {  	_ = 	snop  }
0x3b: {  	_ = 	snop  }
0x3c: {  	p2 =	seq.s32 s10, $0x1;
	s10 =	sld [smem:$0x3FB4]  }
0x3d: {  	_ =	shalt  }
0x3e: {  	_ =	shalt  }
0x3f: {  	_ =	shalt  }
0x40: {  	_ =	shalt  }
0x41: {  	_ =	shalt  }
0x42: {  	_ =	shalt  }
0x43: {  	_ =	shalt  }
0x44: {  	_ =	shalt  }
0x45: {  	_ =	shalt  }
0x46: {  	_ =	shalt  }
0x47: {  	_ =	shalt  }
0x48: {  	_ =	shalt  }
0x49: {  	_ =	shalt  }
0x4a: {  	_ =	shalt  }
0x4b: {  	_ =	shalt  }
0x4c: {  	_ =	shalt  }
0x4d: {  	_ =	shalt  }
0x4e: {  	_ =	shalt  }
0x4f: {  	_ =	shalt  }
0x50: {  	_ =	shalt  }
0x51: {  	_ =	shalt  }
0x52: {  	_ =	shalt  }
0x53: {  	_ =	shalt  }
0x54: {  	_ =	shalt  }
0x55: {  	_ =	shalt  }
0x56: {  	_ =	shalt  }
0x57: {  	_ =	shalt  }
0x58: {  	_ =	shalt  }
0x59: {  	_ =	shalt  }
0x5a: {  	_ =	shalt  }
0x5b: {  	_ =	shalt  }
0x5c: {  	_ =	shalt  }
0x5d: {  	_ =	shalt  }
0x5e: {  	_ =	shalt  }
0x5f: {  	_ =	shalt  }
0x60: {  	_ =	shalt  }
0x61: {  	_ =	shalt  }
0x62: {  	_ =	shalt  }
0x63: {  	_ =	shalt  }
0x64: {  	_ =	shalt  }
0x65: {  	_ =	shalt  }
0x66: {  	_ =	shalt  }
0x67: {  	_ =	shalt  }
0x68: {  	_ =	shalt  }
0x69: {  	_ =	shalt  }
0x6a: {  	_ =	shalt  }
0x6b: {  	_ =	shalt  }
0x6c: {  	_ =	shalt  }
0x6d: {  	_ =	shalt  }
0x6e: {  	_ =	shalt  }
0x6f: {  	_ =	shalt  }
0x70: {  	_ =	shalt  }
0x71: {  	_ =	shalt  }
0x72: {  	_ =	shalt  }
0x73: {  	_ =	shalt  }
0x74: {  	_ =	shalt  }
0x75: {  	_ =	shalt  }
0x76: {  	_ =	shalt  }
0x77: {  	_ =	shalt  }
0x78: {  	_ =	shalt  }
0x79: {  	_ =	shalt  }
0x7a: {  	_ =	shalt  }
0x7b: {  	_ =	shalt  }
0x7c: {  	_ =	shalt  }
0x7d: {  	_ =	shalt  }
0x7e: {  	_ =	shalt  }
0x7f: {  	_ =	shalt  }
0x80: {  	_ =	shalt  }
0x81: {  	_ =	shalt  }
0x82: {  	_ =	shalt  }
0x83: {  	_ =	shalt  }
0x84: {  	_ =	shalt  }
0x85: {  	_ =	shalt  }
0x86: {  	_ =	shalt  }
0x87: {  	_ =	shalt  }
.Lfunc_end0:
.L_simem_size_0:
called_computation.2_lowered:
.L_overlay_start_0:
0x88: {  	s2 =	sld [smem:$0x3FD9]  }
0x89: {  	s3 =	sld [smem:$0x3FFE];
	_ =	sdelay $0x1  }
0x8a: {  	s1 =	srdreg.scid  }
0x8b: {  	s0 =	sand.u32 $0x1, s1  }
0x8c: {  	s16 =	sshll.u32 s0, $0xA;
	s2 =	sadd.s32 s3, s2  }
0x8d: {  	s2 =	sadd.s32 s2, s16  }
0x8e: {  	[smem:$0x3FC0] =	sst s2  }
0x8f: {  	_ = 	snop  }
0x90: {  	(tm) =	ssettm $0x1  }
0x91: {  	s17 =	sld [smem:$0x3FFB];
	_ =	sdelay $0x3  }
0x92: {  	_ =	strace s17  }
0x93: {  	s2 =	sld [smem:$0x3FFC];
	_ =	sdelay $0x3  }
0x94: {  	_ =	strace s2  }
0x95: {  	s2 =	sld [smem:$0x3FFD];
	_ =	sdelay $0x3  }
0x96: {  	_ =	strace s2  }
0x97: {  	_ =	strace $0x8FFFFFFF  }
0x98: {  	s18 =	sld [smem:$0x3FDB];
	_ =	sdelay $0x1  }
0x99: {  	s19 =	simm.s32 $_scs_section_size  }
0x9a: {  	s4 =	simm.s32 $_size__tile_overlayer_lowered;
	s5 =	simm.s32 $_tile_overlayer_lowered  }
0x9b: {  	s22 =	simm.s32 $0x1BFF;
	s21 =	sshll.u32 s5, $0x1;
	s2 =	sadd.s32 s19, s18  }
0x9c: {  	s6 =	simm.s32 $0x0;
	s20 =	sshll.u32 s4, $0x1;
	s4 =	sadd.s32 s21, s2  }
0x9d: {  	[timem:s6], [sflag:s22] =	dma.local [hbm:s4], s20  }
0x9e: {  	_ =	swait.ge [sflag:s22], s20  }
0x9f: {  	s3 =	ssub.s32 $0x0, s20;
	[sflag:s22] =	ssyncset.done $0x0  }
0xa0: {  	[sflag:s22] =	ssyncadd.s32 s3;
	_ =	sdelay $0x1  }
0xa1: {  	s23 =	simm.s32 $0x1B8B  }
0xa2: {  	_ =	swait.ge [sflag:s23], $0x1  }
0xa3: {  	[sflag:s23] =	ssyncset.done $0x0  }
0xa4: {  	s25 =	simm.s32 $0x1B8E;
	s24 =	sld [smem:$0x3FFE];
	[sflag:s23] =	ssyncadd.s32 $0xFFFFFFFF  }
0xa5: {  	s26 =	simm.s32 $execute0_lowered;
	[smem:$0x3FD2] =	sst s25  }
0xa6: {  	s4 =	sshll.u32 s26, $0x1;
	_ =	strace $0x8000004C;
	[dreg:$0x1] =	wrdreg $0xFFFFFFFF  }
0xa7: {  	s28 =	simm.s32 $_size_execute0_lowered;
	s2 =	sadd.s32 s2, s4;
	[dreg:$0x0] =	wrdreg $0x0  }
0xa8: {  	s4 =	sshll.u32 s28, $0x1;
	[dreg:$0x2] =	wrdreg s2  }
0xa9: {  	[dreg:$0x3] =	wrdreg s4  }
0xaa: {  	[dreg:$0x4] =	wrdreg $0xC0  }
0xab: {  	_ =	task [dreg:s6], $0x5FFFF  }
0xac: {  	[dreg:$0x1] =	wrdreg $0xFFFFFFFF  }
0xad: {  	[dreg:$0x0] =	wrdreg $0x60  }
0xae: {  	[dreg:$0x2] =	wrdreg s24  }
0xaf: {  	[dreg:$0x3] =	wrdreg $0x0  }
0xb0: {  	[dreg:$0x4] =	wrdreg $0x9  }
0xb1: {  	_ =	task.clear_ibuf [dreg:s6], $0x5FFFF;
	_ =	strace $0x9000004C  }
0xb2: {  	s29 =	simm.s32 $0x9;
	_ =	strace $0x8000004E  }
0xb3: {  	_ =	swait.ge [sflag:s29], $0x1  }
0xb4: {  	[sflag:s29] =	ssyncadd.s32 $0xFFFFFFFF  }
0xb5: {  	_ =	strace $0x9000004E  }
0xb6: {  	_ =	sfence  }
0xb7: {  	s30 =	sld [smem:$0x0];
	_ =	sdelay $0x2  }
0xb8: {  	s31 =	sshll.u32 s1, $0xD;
	s1 =	sshrl.u32 s1, $0x2  }
0xb9: {  	s3 =	sand.u32 $0x4000, s31;
	s1 =	sadd.s32 s1, s30  }
0xba: {  	s0 =	sor.u32 s3, s0;
	s1 =	sshll.u32 s1, $0x11  }
0xbb: {  	s0 =	sor.u32 s1, s0  }
0xbc: {  	s0 =	sadd.s32 $0x8F2B, s0  }
0xbd: {  	[sflag:s0] =	ssyncadd.remote.s32 $0x1  }
0xbe: {  	_ =	sfence.sel $0xFFFF  }
0xbf: {  	[dreg:$0x0] =	wrdreg $0xFFFFFFFF;
	(pc) =	sbr.abs _section_cstart, $3  }
0xc0: {  	[dreg:$0x1] =	wrdreg $0xFFFFFFFF  }
0xc1: {  	_ =	task.clear_ibuf [dreg:s6], $0x2FFFF;
	_ =	strace $0x9FFFFFFF  }
0xc2: {  	(tm) =	ssettm $0x7FFFFFFF  }
0xc3: {  	_ =	shalt  }
tec
execute0_lowered:
.L_overlay_start_1:
0x0: {  	(tag) =	ssettag $0x1  }
0x1: {  	s0 =	rddreg [dreg:$0x0]  }
0x2: {  	s2 =	rddreg [dreg:$0x1];
	s3 =	simm.s32 $0x0  }
0x3: {  	s1 =	stileid.u32;
	s4 =	srdreg.scid;
	s15 =	simm.s32 $0x14000  }
0x4: {  	s16 =	simm.s32 $0x6;
	s17 =	simm.s32 $0x15400;
	s18 =	simm.s32 $0x5  }
0x5: {  	s19 =	simm.s32 $0x80;
	s20 =	simm.s32 $0x16800;
	s21 =	simm.s32 $0x1  }
0x6: {  	s22 =	simm.s32 $0x14080;
	s23 =	simm.s32 $0x1A800;
	s28 =	simm.s32 $0x14100  }
0x7: {  	s29 =	simm.s32 $0x4;
	s30 =	simm.s32 $0x0;
	[smem:$0x7FF] =	sst s3  }
0x8: {  	s5 =	smul.u32 $0x2800, s1;
	s6 =	sand.u32 $0x1, s4;
	s4 =	sadd.s32 $0x3F200, s0  }
0x9: {  	s10 =	sadd.s32 $0x3200, s0;
	s11 =	sadd.s32 $0xD200, s0;
	s9 =	smul.u32 $0x50000, s1  }
0xa: {  	s24 =	sshll.u32 s1, $0x1;
	_ =	strace $0x8000004D;
	s7 =	smul.u32 $0x28000, s6  }
0xb: {  	s25 =	ssub.s32 $0x2, s6;
	s6 =	sor.u32 s6, s24;
	s24 =	simm.s32 $0x2  }
0xc: {  	s8 =	sadd.s32 s5, s0;
	s26 =	sshrl.u32 s25, $0x1;
	s12 =	smul.u32 $0x2800, s6  }
0xd: {  	s9 =	sshrl.u32 s9, $0x2;
	s31 =	smul.u32 $0x500, s6;
	s6 =	sshll.u32 s1, $0x6  }
0xe: {  	s5 =	sadd.s32 s5, s7;
	s13 =	ssub.s32 s25, s26;
	s14 =	sadd.s32 s9, s2  }
.Ltmp0:
0xf: {  	s7 =	sor.u32 $0x1C05, s6;
	s25 =	simm.s32 $0x15480;
	(pc) =	sbr.rel .LBB2_1-.Ltmp0, $4  }
0x10: {  	s26 =	simm.s32 $0x3;
	s0 =	sadd.s32 s5, s0;
	s5 =	sadd.s32 $0x17200, s8  }
0x11: {  	s12 =	sshrl.u32 s12, $0x3;
	s8 =	sadd.s32 s10, s31;
	s9 =	sadd.s32 s11, s31  }
0x12: {  	s13 =	smax.u32 s13, $0x1;
	s14 =	sshrl.u32 s14, $0x3;
	s12 =	sadd.s32 $0x280, s12  }
0x13: {  	s10 =	sadd.s32 s10, s12;
	s11 =	sadd.s32 s11, s12;
	s12 =	sadd.s32 $0x67200, s0  }
.LBB2_7:
0x14: {  	_ =	swait.ge [sflag:s29], $0x4000  }
0x15: {  	s30 =	sadd.s32 $0x1, s30;
	[sflag:s29] =	ssyncset.done $0x0  }
0x16: {  	p0 =	sne.s32 s30, s13;
	[sflag:s29] =	ssyncadd.s32 $0xFFFFC000  }
.Ltmp1:
0x17: {  	s0 =	sor.u32 $0x1C06, s6;
	[bflag:$0x0] =	sbarrier.arrive $0xFFFF;
	(pc) =	sbr.rel @!p0 .LBB2_8-.Ltmp1, $4  }
0x18: {  	[hbm:s12], [sflag:s0] =	dma.local [spmem:s14], $0x2800  }
0x19: {  	_ =	swait.ge [sflag:s16], $0x2800  }
0x1a: {  	[sflag:s16] =	ssyncset.done $0x0  }
0x1b: {  	[sflag:s16] =	ssyncadd.s32 $0xFFFFD800  }
.LBB2_1:
0x1c: {  	[spmem:s14], [sflag:s7] =	dma.local [hbm:s5], $0x2800  }
0x1d: {  	[tilespmem:s15], [sflag:$0x6] =	stream.linear.gather [hbm4b:s8+s3], $0x1400, $0x38;
	[tilespmem:$0x1E800] =	vst v63  }
0x1e: {  	_ =	swait.ge [sflag:s16], $0x1400  }
0x1f: {  	[sflag:s16] =	ssyncset.done $0x0  }
0x20: {  	[sflag:s16] =	ssyncadd.s32 $0xFFFFEC00  }
0x21: {  	[tilespmem:s17], [sflag:$0x6] =	stream.linear.gather [hbm4b:s9+s3], $0x1400, $0x38;
	[tilespmem:$0x1E800] =	vst v63  }
0x22: {  	_ =	swait.ge [sflag:s16], $0x1400  }
0x23: {  	[sflag:s16] =	ssyncset.done $0x0  }
0x24: {  	[sflag:s16] =	ssyncadd.s32 $0xFFFFEC00  }
0x25: {  	_ =	swait.ge [sflag:s18], $0x2800  }
0x26: {  	[sflag:s18] =	ssyncset.done $0x0  }
0x27: {  	[sflag:s18] =	ssyncadd.s32 $0xFFFFD800  }
0x28: {  	[bflag:$0x0] =	sbarrier.arrive $0xFFFF  }
0x29: {  	[tilespmem:s20], [sflag:$0x1] =	stream.indirect.gather [hbm4b:s4+s19], $0x80, s15, s19, $0xb8;
	[tilespmem:$0x1E800] =	vst v63  }
0x2a: {  	_ =	swait.ge [sflag:s21], $0x4000  }
0x2b: {  	[sflag:s21] =	ssyncset.done $0x0  }
0x2c: {  	[sflag:s21] =	ssyncadd.s32 $0xFFFFC000  }
0x2d: {  	[spmem:s2] =	stream.indirect.scatter.add.f32 [tilespmem:s20], [sflag:$0x3], $0x80, s17, s19, $0xb8;
	[tilespmem:$0x1E800] =	vst v63  }
0x2e: {  	_ = 	snop  }
0x2f: {  	[tilespmem:s23], [sflag:$0x2] =	stream.indirect.gather [hbm4b:s4+s19], $0x80, s22, s19, $0xb8;
	[tilespmem:$0x1E800] =	vst v63  }
0x30: {  	_ =	swait.ge [sflag:s24], $0x4000  }
0x31: {  	[sflag:s24] =	ssyncset.done $0x0  }
0x32: {  	[sflag:s24] =	ssyncadd.s32 $0xFFFFC000  }
0x33: {  	[spmem:s2] =	stream.indirect.scatter.add.f32 [tilespmem:s23], [sflag:$0x4], $0x80, s25, s19, $0xb8;
	[tilespmem:$0x1E800] =	vst v63  }
0x34: {  	_ =	swait.ge [sflag:s26], $0x4000  }
0x35: {  	[sflag:s26] =	ssyncset.done $0x0  }
0x36: {  	s31 =	simm.s32 $0xFFFFB800;
	[sflag:s26] =	ssyncadd.s32 $0xFFFFC000  }
0x37: {  	[tilespmem:s20], [sflag:$0x1] =	stream.indirect.gather [hbm4b:s4+s19], $0x80, s28, s19, $0xb8;
	[tilespmem:$0x1E800] =	vst v63  }
.LBB2_2:
0x38: {  	_ =	swait.ge [sflag:s21], $0x4000  }
0x39: {  	s0 =	sshra.s32 s31, $0x2;
	[sflag:s21] =	ssyncset.done $0x0  }
0x3a: {  	s1 =	sadd.s32 $0x16700, s0;
	[sflag:s21] =	ssyncadd.s32 $0xFFFFC000  }
0x3b: {  	[spmem:s2] =	stream.indirect.scatter.add.f32 [tilespmem:s20], [sflag:$0x3], $0x80, s1, s19, $0xb8;
	[tilespmem:$0x1E800] =	vst v63  }
0x3c: {  	_ =	swait.ge [sflag:s29], $0x4000  }
0x3d: {  	[sflag:s29] =	ssyncset.done $0x0  }
0x3e: {  	s1 =	sadd.s32 $0x15380, s0;
	[sflag:s29] =	ssyncadd.s32 $0xFFFFC000  }
0x3f: {  	[tilespmem:s23], [sflag:$0x2] =	stream.indirect.gather [hbm4b:s4+s19], $0x80, s1, s19, $0xb8;
	[tilespmem:$0x1E800] =	vst v63  }
0x40: {  	_ =	swait.ge [sflag:s24], $0x4000  }
0x41: {  	p0 =	seq.s32 s31, $0x0;
	[sflag:s24] =	ssyncset.done $0x0  }
.Ltmp2:
0x42: {  	s1 =	sadd.s32 $0x16780, s0;
	[sflag:s24] =	ssyncadd.s32 $0xFFFFC000;
	(pc) =	sbr.rel @p0 .LBB2_4-.Ltmp2, $4  }
0x43: {  	[spmem:s2] =	stream.indirect.scatter.add.f32 [tilespmem:s23], [sflag:$0x4], $0x80, s1, s19, $0xb8;
	[tilespmem:$0x1E800] =	vst v63  }
0x44: {  	_ =	swait.ge [sflag:s26], $0x4000  }
0x45: {  	[sflag:s26] =	ssyncset.done $0x0  }
0x46: {  	[sflag:s26] =	ssyncadd.s32 $0xFFFFC000  }
.Ltmp3:
0x47: {  	(pc) =	sbr.rel .LBB2_2-.Ltmp3, $3  }
0x48: {  	_ =	sdelay $0x1  }
0x49: {  	s0 =	sadd.s32 $0x15400, s0;
	s31 =	sadd.s32 $0x400, s31  }
0x4a: {  	[tilespmem:s20], [sflag:$0x1] =	stream.indirect.gather [hbm4b:s4+s19], $0x80, s0, s19, $0xb8;
	[tilespmem:$0x1E800] =	vst v63  }
.LBB2_4:
0x4b: {  	_ =	swait.ge [sflag:s29], $0x4000  }
0x4c: {  	[sflag:s29] =	ssyncset.done $0x0  }
0x4d: {  	[sflag:s29] =	ssyncadd.s32 $0xFFFFC000  }
0x4e: {  	[tilespmem:s15], [sflag:$0x6] =	stream.linear.gather [hbm4b:s10+s3], $0x1400, $0x38;
	[tilespmem:$0x1E800] =	vst v63  }
0x4f: {  	_ =	swait.ge [sflag:s16], $0x1400  }
0x50: {  	[sflag:s16] =	ssyncset.done $0x0  }
0x51: {  	[sflag:s16] =	ssyncadd.s32 $0xFFFFEC00  }
0x52: {  	[tilespmem:s17], [sflag:$0x6] =	stream.linear.gather [hbm4b:s11+s3], $0x1400, $0x38;
	[tilespmem:$0x1E800] =	vst v63  }
0x53: {  	_ =	swait.ge [sflag:s16], $0x1400  }
0x54: {  	[sflag:s16] =	ssyncset.done $0x0  }
0x55: {  	[sflag:s16] =	ssyncadd.s32 $0xFFFFEC00  }
0x56: {  	[tilespmem:s20], [sflag:$0x1] =	stream.indirect.gather [hbm4b:s4+s19], $0x80, s15, s19, $0xb8;
	[tilespmem:$0x1E800] =	vst v63  }
0x57: {  	_ =	swait.ge [sflag:s21], $0x4000  }
0x58: {  	[sflag:s21] =	ssyncset.done $0x0  }
0x59: {  	[sflag:s21] =	ssyncadd.s32 $0xFFFFC000  }
0x5a: {  	[spmem:s2] =	stream.indirect.scatter.add.f32 [tilespmem:s20], [sflag:$0x3], $0x80, s17, s19, $0xb8;
	[tilespmem:$0x1E800] =	vst v63  }
0x5b: {  	_ = 	snop  }
0x5c: {  	[tilespmem:s23], [sflag:$0x2] =	stream.indirect.gather [hbm4b:s4+s19], $0x80, s22, s19, $0xb8;
	[tilespmem:$0x1E800] =	vst v63  }
0x5d: {  	_ =	swait.ge [sflag:s24], $0x4000  }
0x5e: {  	[sflag:s24] =	ssyncset.done $0x0  }
0x5f: {  	[sflag:s24] =	ssyncadd.s32 $0xFFFFC000  }
0x60: {  	[spmem:s2] =	stream.indirect.scatter.add.f32 [tilespmem:s23], [sflag:$0x4], $0x80, s25, s19, $0xb8;
	[tilespmem:$0x1E800] =	vst v63  }
0x61: {  	_ =	swait.ge [sflag:s26], $0x4000  }
0x62: {  	[sflag:s26] =	ssyncset.done $0x0  }
0x63: {  	s31 =	simm.s32 $0xFFFFB800;
	[sflag:s26] =	ssyncadd.s32 $0xFFFFC000  }
0x64: {  	[tilespmem:s20], [sflag:$0x1] =	stream.indirect.gather [hbm4b:s4+s19], $0x80, s28, s19, $0xb8;
	[tilespmem:$0x1E800] =	vst v63  }
.LBB2_5:
0x65: {  	_ =	swait.ge [sflag:s21], $0x4000  }
0x66: {  	s0 =	sshra.s32 s31, $0x2;
	[sflag:s21] =	ssyncset.done $0x0  }
0x67: {  	s1 =	sadd.s32 $0x16700, s0;
	[sflag:s21] =	ssyncadd.s32 $0xFFFFC000  }
0x68: {  	[spmem:s2] =	stream.indirect.scatter.add.f32 [tilespmem:s20], [sflag:$0x3], $0x80, s1, s19, $0xb8;
	[tilespmem:$0x1E800] =	vst v63  }
0x69: {  	_ =	swait.ge [sflag:s29], $0x4000  }
0x6a: {  	[sflag:s29] =	ssyncset.done $0x0  }
0x6b: {  	s1 =	sadd.s32 $0x15380, s0;
	[sflag:s29] =	ssyncadd.s32 $0xFFFFC000  }
0x6c: {  	[tilespmem:s23], [sflag:$0x2] =	stream.indirect.gather [hbm4b:s4+s19], $0x80, s1, s19, $0xb8;
	[tilespmem:$0x1E800] =	vst v63  }
0x6d: {  	_ =	swait.ge [sflag:s24], $0x4000  }
0x6e: {  	p0 =	seq.s32 s31, $0x0;
	[sflag:s24] =	ssyncset.done $0x0  }
.Ltmp4:
0x6f: {  	s1 =	sadd.s32 $0x16780, s0;
	[sflag:s24] =	ssyncadd.s32 $0xFFFFC000;
	(pc) =	sbr.rel @p0 .LBB2_7-.Ltmp4, $4  }
0x70: {  	[spmem:s2] =	stream.indirect.scatter.add.f32 [tilespmem:s23], [sflag:$0x4], $0x80, s1, s19, $0xb8;
	[tilespmem:$0x1E800] =	vst v63  }
0x71: {  	_ =	swait.ge [sflag:s26], $0x4000  }
0x72: {  	[sflag:s26] =	ssyncset.done $0x0  }
0x73: {  	[sflag:s26] =	ssyncadd.s32 $0xFFFFC000  }
.Ltmp5:
0x74: {  	(pc) =	sbr.rel .LBB2_5-.Ltmp5, $3  }
0x75: {  	_ =	sdelay $0x1  }
0x76: {  	s0 =	sadd.s32 $0x15400, s0;
	s31 =	sadd.s32 $0x400, s31  }
0x77: {  	[tilespmem:s20], [sflag:$0x1] =	stream.indirect.gather [hbm4b:s4+s19], $0x80, s0, s19, $0xb8;
	[tilespmem:$0x1E800] =	vst v63  }
.LBB2_8:
0x78: {  	_ =	sfence.sel $0x180000  }
0x79: {  	[bflag:$0x0] =	sbarrier.arrive $0xFFFF  }
0x7a: {  	_ =	strace $0x9000004D  }
0x7b: {  	s0 =	stileid.u32;
	[bflag:$0x2] =	sbarrier.arrive $0xFFFF  }
0x7c: {  	p0 =	sne.s32 s0, $0x0;
	s0 =	rddreg [dreg:$0x2]  }
0x7d: {  	s0 =	sadd.s32 @!p0 $0x100000, s0  }
0x7e: {  	[sflag:s0] =	ssyncadd.tile.s32 @!p0 $0x1;
	_ =	shalt  }
.Lfunc_end2:
_tile_overlayer_lowered:
.L_overlay_start_2:
0x7f: {  	(tag) =	ssettag $0x2  }
0x80: {  	s0 =	rddreg [dreg:$0x0];
	s2 =	stileid.u32  }
0x81: {  	s1 =	rddreg [dreg:$0x1];
	p0 =	sne.s32 s2, $0x0  }
0x82: {  	s3 =	rddreg [dreg:$0x2];
	[bflag:$0x3] =	sbarrier.arrive $0xFFFF;
	s2 =	simm.s32 @!p0 $0x1C06  }
0x83: {  	[timem:s3], [sflag:s2] =	dma.local @!p0 [hbm:s0], s1  }
0x84: {  	s0 =	simm.s32 @!p0 $0x6  }
0x85: {  	_ =	swait.ge @!p0 [sflag:s0], s1  }
0x86: {  	s1 =	ssub.s32 @!p0 $0x0, s1;
	[sflag:s0] =	ssyncset.done @!p0 $0x0  }
0x87: {  	[sflag:s0] =	ssyncadd.s32 @!p0 s1  }
0x88: {  	[bflag:$0x3] =	sbarrier.arrive $0xFFFF  }
0x89: {  	_ =	shalt  }

// kernel: kernel.19.cloned.1.call-start
scs
__scs_entry_jumppad:
0x0: {  	(pc) =	sbr.rel $0x88, $3  }
0x1: {  	(tag) =	ssettag $0x0;
	lr =	simm.s32 $0x1  }
0x2: {  	[smem:$0x3F99] =	sst lr;
	_ =	strace $0xD0000000  }
0x3: {  	_ = 	snop  }
0x4: {  	_ = 	snop  }
0x5: {  	_ = 	snop  }
0x6: {  	_ = 	snop  }
0x7: {  	_ = 	snop  }
__scs_overlays_trampoline_lowered:
0x8: {  	[smem:$0x3FA8] =	sst s0  }
0x9: {  	[smem:$0x3FA9] =	sst s1  }
0xa: {  	[smem:$0x3FAA] =	sst s2  }
0xb: {  	[smem:$0x3FAB] =	sst s3  }
0xc: {  	[smem:$0x3FAC] =	sst s4  }
0xd: {  	[smem:$0x3FAD] =	sst s5  }
0xe: {  	[smem:$0x3FAE] =	sst s6  }
0xf: {  	[smem:$0x3FAF] =	sst s7  }
0x10: {  	[smem:$0x3FB0] =	sst s8  }
0x11: {  	[smem:$0x3FB1] =	sst s9;
	s0 =	simm.s32 @!p0 $0x0  }
0x12: {  	s1 =	sld [smem:$0x3F97];
	s0 =	simm.s32 @p0 $0x1  }
0x13: {  	[smem:$0x3FB2] =	sst s0;
	s0 =	simm.s32 @!p1 $0x0  }
0x14: {  	s2 =	sld [smem:$0x3F96];
	s0 =	simm.s32 @p1 $0x1  }
0x15: {  	[smem:$0x3FB3] =	sst s0;
	s0 =	simm.s32 @!p2 $0x0  }
0x16: {  	s3 =	sld [smem:$0x3FDB];
	s0 =	simm.s32 @p2 $0x1  }
0x17: {  	s4 =	simm.s32 $0x1BF5;
	[smem:$0x3FB5] =	sst s0  }
0x18: {  	s0 =	sld [smem:$0x3F98];
	_ =	swait.ge [sflag:s4], $0x0  }
0x19: {  	s7 =	sld [smem:$0x3F99]  }
0x1a: {  	s8 =	sadd.s32 $0xFFFFE003, lr  }
0x1b: {  	s9 =	sadd.s32 $0xFFFFFEF7, lr;
	s5 =	simm.s32 $0xFFFFFFFF;
	p2 =	slt.u32 s8, $0xFFFFF086  }
0x1c: {  	p1 =	slt.u32 s9, $0xF7A;
	s5 =	simm.s32 @!p2 $0x0  }
0x1d: {  	s5 =	simm.s32 @p1 $0x1;
	p0 =	seq.s32 s7, s2  }
0x1e: {  	s7 =	smul.u32 @!p0 $0xF7A, s2;
	p2 =	seq.s32 @!p0 s5, $0x0  }
0x1f: {  	s9 =	smul.u32 $0xF7A, s1;
	s8 =	simm.s32 @!p0 $0x1BF5;
	p2 =	por !p2, p0  }
0x20: {  	[sflag:s8] =	ssyncset.s32 @!p0 $0xFFFFF086;
	s6 =	sadd.s32 @!p0 s3, s7;
	s7 =	simm.s32 @!p0 $0x108  }
0x21: {  	s3 =	sadd.s32 s3, s9;
	s6 =	sadd.s32 @!p0 $0x88, s6;
	s7 =	simm.s32 @p2 $0x1082  }
0x22: {  	[simem:s7], [sflag:s8] =	dma.local @!p0 [hbm:s6], $0xF7A  }
0x23: {  	s9 =	sor.u32 $0xD0000000, s2;
	s6 =	simm.s32 $0x108;
	_ =	swait.ge @!p0 [sflag:s8], $0x0  }
0x24: {  	s3 =	sadd.s32 $0x88, s3;
	s6 =	simm.s32 @!p1 $0x1082;
	[sflag:s4] =	ssyncset.s32 $0xFFFFF086  }
0x25: {  	[simem:s6], [sflag:s4] =	dma.local [hbm:s3], $0xF7A  }
0x26: {  	[smem:$0x3F99] =	sst s1;
	(tag) =	ssettag s2;
	_ =	strace s9  }
0x27: {  	s1 =	sld [smem:$0x3FA9]  }
0x28: {  	s2 =	sld [smem:$0x3FAA]  }
0x29: {  	s4 =	sld [smem:$0x3FAC]  }
0x2a: {  	p0 =	seq.s32 s5, $0x0;
	s5 =	sld [smem:$0x3FAD]  }
0x2b: {  	s6 =	sld [smem:$0x3FAE]  }
0x2c: {  	s7 =	sld [smem:$0x3FAF]  }
0x2d: {  	s3 =	simm.s32 $0x108;
	s8 =	sld [smem:$0x3FB0]  }
0x2e: {  	s3 =	simm.s32 @!p0 $0x1082;
	s9 =	sld [smem:$0x3FB1]  }
0x2f: {  	lr =	sadd.s32 s0, s3;
	s0 =	sld [smem:$0x3FA8]  }
0x30: {  	s3 =	sld [smem:$0x3FAB]  }
0x31: {  	[smem:$0x3FB4] =	sst s10  }
0x32: {  	s10 =	sld [smem:$0x3FB2];
	_ =	sdelay $0x3  }
0x33: {  	p0 =	seq.s32 s10, $0x1;
	s10 =	sld [smem:$0x3FB4];
	_ =	sdelay $0x3  }
0x34: {  	[smem:$0x3FB4] =	sst s10  }
0x35: {  	s10 =	sld [smem:$0x3FB3];
	_ =	sdelay $0x3  }
0x36: {  	p1 =	seq.s32 s10, $0x1;
	s10 =	sld [smem:$0x3FB4];
	_ =	sdelay $0x3  }
0x37: {  	[smem:$0x3FB4] =	sst s10  }
0x38: {  	s10 =	sld [smem:$0x3FB5]  }
0x39: {  	_ = 	snop;
	(pc) =	sbr.ind lr, $3  }
0x3a: {  	_ = 	snop  }
0x3b: {  	_ = 	snop  }
0x3c: {  	p2 =	seq.s32 s10, $0x1;
	s10 =	sld [smem:$0x3FB4]  }
0x3d: {  	_ =	shalt  }
0x3e: {  	_ =	shalt  }
0x3f: {  	_ =	shalt  }
0x40: {  	_ =	shalt  }
0x41: {  	_ =	shalt  }
0x42: {  	_ =	shalt  }
0x43: {  	_ =	shalt  }
0x44: {  	_ =	shalt  }
0x45: {  	_ =	shalt  }
0x46: {  	_ =	shalt  }
0x47: {  	_ =	shalt  }
0x48: {  	_ =	shalt  }
0x49: {  	_ =	shalt  }
0x4a: {  	_ =	shalt  }
0x4b: {  	_ =	shalt  }
0x4c: {  	_ =	shalt  }
0x4d: {  	_ =	shalt  }
0x4e: {  	_ =	shalt  }
0x4f: {  	_ =	shalt  }
0x50: {  	_ =	shalt  }
0x51: {  	_ =	shalt  }
0x52: {  	_ =	shalt  }
0x53: {  	_ =	shalt  }
0x54: {  	_ =	shalt  }
0x55: {  	_ =	shalt  }
0x56: {  	_ =	shalt  }
0x57: {  	_ =	shalt  }
0x58: {  	_ =	shalt  }
0x59: {  	_ =	shalt  }
0x5a: {  	_ =	shalt  }
0x5b: {  	_ =	shalt  }
0x5c: {  	_ =	shalt  }
0x5d: {  	_ =	shalt  }
0x5e: {  	_ =	shalt  }
0x5f: {  	_ =	shalt  }
0x60: {  	_ =	shalt  }
0x61: {  	_ =	shalt  }
0x62: {  	_ =	shalt  }
0x63: {  	_ =	shalt  }
0x64: {  	_ =	shalt  }
0x65: {  	_ =	shalt  }
0x66: {  	_ =	shalt  }
0x67: {  	_ =	shalt  }
0x68: {  	_ =	shalt  }
0x69: {  	_ =	shalt  }
0x6a: {  	_ =	shalt  }
0x6b: {  	_ =	shalt  }
0x6c: {  	_ =	shalt  }
0x6d: {  	_ =	shalt  }
0x6e: {  	_ =	shalt  }
0x6f: {  	_ =	shalt  }
0x70: {  	_ =	shalt  }
0x71: {  	_ =	shalt  }
0x72: {  	_ =	shalt  }
0x73: {  	_ =	shalt  }
0x74: {  	_ =	shalt  }
0x75: {  	_ =	shalt  }
0x76: {  	_ =	shalt  }
0x77: {  	_ =	shalt  }
0x78: {  	_ =	shalt  }
0x79: {  	_ =	shalt  }
0x7a: {  	_ =	shalt  }
0x7b: {  	_ =	shalt  }
0x7c: {  	_ =	shalt  }
0x7d: {  	_ =	shalt  }
0x7e: {  	_ =	shalt  }
0x7f: {  	_ =	shalt  }
0x80: {  	_ =	shalt  }
0x81: {  	_ =	shalt  }
0x82: {  	_ =	shalt  }
0x83: {  	_ =	shalt  }
0x84: {  	_ =	shalt  }
0x85: {  	_ =	shalt  }
0x86: {  	_ =	shalt  }
0x87: {  	_ =	shalt  }
.Lfunc_end0:
.L_simem_size_0:
called_computation.3_lowered:
.L_overlay_start_0:
0x88: {  	s2 =	sld [smem:$0x3FD9]  }
0x89: {  	s3 =	sld [smem:$0x3FFE];
	_ =	sdelay $0x1  }
0x8a: {  	s1 =	srdreg.scid  }
0x8b: {  	s0 =	sand.u32 $0x1, s1  }
0x8c: {  	s16 =	sshll.u32 s0, $0xA;
	s2 =	sadd.s32 s3, s2  }
0x8d: {  	s2 =	sadd.s32 s2, s16  }
0x8e: {  	[smem:$0x3FC0] =	sst s2  }
0x8f: {  	_ = 	snop  }
0x90: {  	(tm) =	ssettm $0x1  }
0x91: {  	s17 =	sld [smem:$0x3FFB];
	_ =	sdelay $0x3  }
0x92: {  	_ =	strace s17  }
0x93: {  	s2 =	sld [smem:$0x3FFC];
	_ =	sdelay $0x3  }
0x94: {  	_ =	strace s2  }
0x95: {  	s2 =	sld [smem:$0x3FFD];
	_ =	sdelay $0x3  }
0x96: {  	_ =	strace s2  }
0x97: {  	_ =	strace $0x8FFFFFFF  }
0x98: {  	s18 =	sld [smem:$0x3FDB];
	_ =	sdelay $0x1  }
0x99: {  	s19 =	simm.s32 $_scs_section_size  }
0x9a: {  	s4 =	simm.s32 $_size__tile_overlayer_lowered;
	s5 =	simm.s32 $_tile_overlayer_lowered  }
0x9b: {  	s22 =	simm.s32 $0x1BFF;
	s21 =	sshll.u32 s5, $0x1;
	s2 =	sadd.s32 s19, s18  }
0x9c: {  	s6 =	simm.s32 $0x0;
	s20 =	sshll.u32 s4, $0x1;
	s4 =	sadd.s32 s21, s2  }
0x9d: {  	[timem:s6], [sflag:s22] =	dma.local [hbm:s4], s20  }
0x9e: {  	_ =	swait.ge [sflag:s22], s20  }
0x9f: {  	s3 =	ssub.s32 $0x0, s20;
	[sflag:s22] =	ssyncset.done $0x0  }
0xa0: {  	[sflag:s22] =	ssyncadd.s32 s3;
	_ =	sdelay $0x1  }
0xa1: {  	s23 =	simm.s32 $0x1B8B  }
0xa2: {  	_ =	swait.ge [sflag:s23], $0x1  }
0xa3: {  	[sflag:s23] =	ssyncset.done $0x0  }
0xa4: {  	s25 =	simm.s32 $0x1B8E;
	s24 =	sld [smem:$0x3FFE];
	[sflag:s23] =	ssyncadd.s32 $0xFFFFFFFF  }
0xa5: {  	s26 =	simm.s32 $execute0_lowered;
	[smem:$0x3FD2] =	sst s25  }
0xa6: {  	s4 =	sshll.u32 s26, $0x1;
	_ =	strace $0x8000004F;
	[dreg:$0x1] =	wrdreg $0xFFFFFFFF  }
0xa7: {  	s28 =	simm.s32 $_size_execute0_lowered;
	s2 =	sadd.s32 s2, s4;
	[dreg:$0x0] =	wrdreg $0x0  }
0xa8: {  	s4 =	sshll.u32 s28, $0x1;
	[dreg:$0x2] =	wrdreg s2  }
0xa9: {  	[dreg:$0x3] =	wrdreg s4  }
0xaa: {  	[dreg:$0x4] =	wrdreg $0xC0  }
0xab: {  	_ =	task [dreg:s6], $0x5FFFF  }
0xac: {  	[dreg:$0x1] =	wrdreg $0xFFFFFFFF  }
0xad: {  	[dreg:$0x0] =	wrdreg $0x60  }
0xae: {  	[dreg:$0x2] =	wrdreg s24  }
0xaf: {  	[dreg:$0x3] =	wrdreg $0x0  }
0xb0: {  	[dreg:$0x4] =	wrdreg $0x9  }
0xb1: {  	_ =	task.clear_ibuf [dreg:s6], $0x5FFFF;
	_ =	strace $0x9000004F  }
0xb2: {  	s29 =	simm.s32 $0x9;
	_ =	strace $0x80000051  }
0xb3: {  	_ =	swait.ge [sflag:s29], $0x1  }
0xb4: {  	[sflag:s29] =	ssyncadd.s32 $0xFFFFFFFF  }
0xb5: {  	_ =	strace $0x90000051  }
0xb6: {  	_ =	sfence  }
0xb7: {  	s30 =	sld [smem:$0x0];
	_ =	sdelay $0x2  }
0xb8: {  	s31 =	sshll.u32 s1, $0xD;
	s1 =	sshrl.u32 s1, $0x2  }
0xb9: {  	s3 =	sand.u32 $0x4000, s31;
	s1 =	sadd.s32 s1, s30  }
0xba: {  	s0 =	sor.u32 s3, s0;
	s1 =	sshll.u32 s1, $0x11  }
0xbb: {  	s0 =	sor.u32 s1, s0  }
0xbc: {  	s0 =	sadd.s32 $0x8F2B, s0  }
0xbd: {  	[sflag:s0] =	ssyncadd.remote.s32 $0x1  }
0xbe: {  	_ =	sfence.sel $0xFFFF  }
0xbf: {  	[dreg:$0x0] =	wrdreg $0xFFFFFFFF;
	(pc) =	sbr.abs _section_cstart, $3  }
0xc0: {  	[dreg:$0x1] =	wrdreg $0xFFFFFFFF  }
0xc1: {  	_ =	task.clear_ibuf [dreg:s6], $0x2FFFF;
	_ =	strace $0x9FFFFFFF  }
0xc2: {  	(tm) =	ssettm $0x7FFFFFFF  }
0xc3: {  	_ =	shalt  }
tec
execute0_lowered:
.L_overlay_start_1:
0x0: {  	(tag) =	ssettag $0x1  }
0x1: {  	s0 =	rddreg [dreg:$0x0]  }
0x2: {  	s2 =	rddreg [dreg:$0x1];
	s3 =	simm.s32 $0x0  }
0x3: {  	s1 =	stileid.u32;
	s4 =	srdreg.scid;
	s15 =	simm.s32 $0x14000  }
0x4: {  	s16 =	simm.s32 $0x6;
	s17 =	simm.s32 $0x15400;
	s18 =	simm.s32 $0x5  }
0x5: {  	s19 =	simm.s32 $0x80;
	s20 =	simm.s32 $0x16800;
	s21 =	simm.s32 $0x1  }
0x6: {  	s22 =	simm.s32 $0x14080;
	s23 =	simm.s32 $0x1A800;
	s28 =	simm.s32 $0x14100  }
0x7: {  	s29 =	simm.s32 $0x4;
	s30 =	simm.s32 $0x0;
	[smem:$0x7FF] =	sst s3  }
0x8: {  	s5 =	smul.u32 $0x2800, s1;
	s6 =	sand.u32 $0x1, s4;
	s4 =	sadd.s32 $0x3F200, s0  }
0x9: {  	s10 =	sadd.s32 $0x3200, s0;
	s11 =	sadd.s32 $0xD200, s0;
	s9 =	smul.u32 $0x50000, s1  }
0xa: {  	s24 =	sshll.u32 s1, $0x1;
	_ =	strace $0x80000050;
	s7 =	smul.u32 $0x28000, s6  }
0xb: {  	s25 =	ssub.s32 $0x2, s6;
	s6 =	sor.u32 s6, s24;
	s24 =	simm.s32 $0x2  }
0xc: {  	s8 =	sadd.s32 s5, s0;
	s26 =	sshrl.u32 s25, $0x1;
	s12 =	smul.u32 $0x2800, s6  }
0xd: {  	s9 =	sshrl.u32 s9, $0x2;
	s31 =	smul.u32 $0x500, s6;
	s6 =	sshll.u32 s1, $0x6  }
0xe: {  	s5 =	sadd.s32 s5, s7;
	s13 =	ssub.s32 s25, s26;
	s14 =	sadd.s32 s9, s2  }
.Ltmp0:
0xf: {  	s7 =	sor.u32 $0x1C05, s6;
	s25 =	simm.s32 $0x15480;
	(pc) =	sbr.rel .LBB2_1-.Ltmp0, $4  }
0x10: {  	s26 =	simm.s32 $0x3;
	s0 =	sadd.s32 s5, s0;
	s5 =	sadd.s32 $0x17200, s8  }
0x11: {  	s12 =	sshrl.u32 s12, $0x3;
	s8 =	sadd.s32 s10, s31;
	s9 =	sadd.s32 s11, s31  }
0x12: {  	s13 =	smax.u32 s13, $0x1;
	s14 =	sshrl.u32 s14, $0x3;
	s12 =	sadd.s32 $0x280, s12  }
0x13: {  	s10 =	sadd.s32 s10, s12;
	s11 =	sadd.s32 s11, s12;
	s12 =	sadd.s32 $0x67200, s0  }
.LBB2_7:
0x14: {  	_ =	swait.ge [sflag:s29], $0x4000  }
0x15: {  	s30 =	sadd.s32 $0x1, s30;
	[sflag:s29] =	ssyncset.done $0x0  }
0x16: {  	p0 =	sne.s32 s30, s13;
	[sflag:s29] =	ssyncadd.s32 $0xFFFFC000  }
.Ltmp1:
0x17: {  	s0 =	sor.u32 $0x1C06, s6;
	[bflag:$0x0] =	sbarrier.arrive $0xFFFF;
	(pc) =	sbr.rel @!p0 .LBB2_8-.Ltmp1, $4  }
0x18: {  	[hbm:s12], [sflag:s0] =	dma.local [spmem:s14], $0x2800  }
0x19: {  	_ =	swait.ge [sflag:s16], $0x2800  }
0x1a: {  	[sflag:s16] =	ssyncset.done $0x0  }
0x1b: {  	[sflag:s16] =	ssyncadd.s32 $0xFFFFD800  }
.LBB2_1:
0x1c: {  	[spmem:s14], [sflag:s7] =	dma.local [hbm:s5], $0x2800  }
0x1d: {  	[tilespmem:s15], [sflag:$0x6] =	stream.linear.gather [hbm4b:s8+s3], $0x1400, $0x38;
	[tilespmem:$0x1E800] =	vst v63  }
0x1e: {  	_ =	swait.ge [sflag:s16], $0x1400  }
0x1f: {  	[sflag:s16] =	ssyncset.done $0x0  }
0x20: {  	[sflag:s16] =	ssyncadd.s32 $0xFFFFEC00  }
0x21: {  	[tilespmem:s17], [sflag:$0x6] =	stream.linear.gather [hbm4b:s9+s3], $0x1400, $0x38;
	[tilespmem:$0x1E800] =	vst v63  }
0x22: {  	_ =	swait.ge [sflag:s16], $0x1400  }
0x23: {  	[sflag:s16] =	ssyncset.done $0x0  }
0x24: {  	[sflag:s16] =	ssyncadd.s32 $0xFFFFEC00  }
0x25: {  	_ =	swait.ge [sflag:s18], $0x2800  }
0x26: {  	[sflag:s18] =	ssyncset.done $0x0  }
0x27: {  	[sflag:s18] =	ssyncadd.s32 $0xFFFFD800  }
0x28: {  	[bflag:$0x0] =	sbarrier.arrive $0xFFFF  }
0x29: {  	[tilespmem:s20], [sflag:$0x1] =	stream.indirect.gather [hbm4b:s4+s19], $0x80, s15, s19, $0xb8;
	[tilespmem:$0x1E800] =	vst v63  }
0x2a: {  	_ =	swait.ge [sflag:s21], $0x4000  }
0x2b: {  	[sflag:s21] =	ssyncset.done $0x0  }
0x2c: {  	[sflag:s21] =	ssyncadd.s32 $0xFFFFC000  }
0x2d: {  	[spmem:s2] =	stream.indirect.scatter.add.f32 [tilespmem:s20], [sflag:$0x3], $0x80, s17, s19, $0xb8;
	[tilespmem:$0x1E800] =	vst v63  }
0x2e: {  	_ = 	snop  }
0x2f: {  	[tilespmem:s23], [sflag:$0x2] =	stream.indirect.gather [hbm4b:s4+s19], $0x80, s22, s19, $0xb8;
	[tilespmem:$0x1E800] =	vst v63  }
0x30: {  	_ =	swait.ge [sflag:s24], $0x4000  }
0x31: {  	[sflag:s24] =	ssyncset.done $0x0  }
0x32: {  	[sflag:s24] =	ssyncadd.s32 $0xFFFFC000  }
0x33: {  	[spmem:s2] =	stream.indirect.scatter.add.f32 [tilespmem:s23], [sflag:$0x4], $0x80, s25, s19, $0xb8;
	[tilespmem:$0x1E800] =	vst v63  }
0x34: {  	_ =	swait.ge [sflag:s26], $0x4000  }
0x35: {  	[sflag:s26] =	ssyncset.done $0x0  }
0x36: {  	s31 =	simm.s32 $0xFFFFB800;
	[sflag:s26] =	ssyncadd.s32 $0xFFFFC000  }
0x37: {  	[tilespmem:s20], [sflag:$0x1] =	stream.indirect.gather [hbm4b:s4+s19], $0x80, s28, s19, $0xb8;
	[tilespmem:$0x1E800] =	vst v63  }
.LBB2_2:
0x38: {  	_ =	swait.ge [sflag:s21], $0x4000  }
0x39: {  	s0 =	sshra.s32 s31, $0x2;
	[sflag:s21] =	ssyncset.done $0x0  }
0x3a: {  	s1 =	sadd.s32 $0x16700, s0;
	[sflag:s21] =	ssyncadd.s32 $0xFFFFC000  }
0x3b: {  	[spmem:s2] =	stream.indirect.scatter.add.f32 [tilespmem:s20], [sflag:$0x3], $0x80, s1, s19, $0xb8;
	[tilespmem:$0x1E800] =	vst v63  }
0x3c: {  	_ =	swait.ge [sflag:s29], $0x4000  }
0x3d: {  	[sflag:s29] =	ssyncset.done $0x0  }
0x3e: {  	s1 =	sadd.s32 $0x15380, s0;
	[sflag:s29] =	ssyncadd.s32 $0xFFFFC000  }
0x3f: {  	[tilespmem:s23], [sflag:$0x2] =	stream.indirect.gather [hbm4b:s4+s19], $0x80, s1, s19, $0xb8;
	[tilespmem:$0x1E800] =	vst v63  }
0x40: {  	_ =	swait.ge [sflag:s24], $0x4000  }
0x41: {  	p0 =	seq.s32 s31, $0x0;
	[sflag:s24] =	ssyncset.done $0x0  }
.Ltmp2:
0x42: {  	s1 =	sadd.s32 $0x16780, s0;
	[sflag:s24] =	ssyncadd.s32 $0xFFFFC000;
	(pc) =	sbr.rel @p0 .LBB2_4-.Ltmp2, $4  }
0x43: {  	[spmem:s2] =	stream.indirect.scatter.add.f32 [tilespmem:s23], [sflag:$0x4], $0x80, s1, s19, $0xb8;
	[tilespmem:$0x1E800] =	vst v63  }
0x44: {  	_ =	swait.ge [sflag:s26], $0x4000  }
0x45: {  	[sflag:s26] =	ssyncset.done $0x0  }
0x46: {  	[sflag:s26] =	ssyncadd.s32 $0xFFFFC000  }
.Ltmp3:
0x47: {  	(pc) =	sbr.rel .LBB2_2-.Ltmp3, $3  }
0x48: {  	_ =	sdelay $0x1  }
0x49: {  	s0 =	sadd.s32 $0x15400, s0;
	s31 =	sadd.s32 $0x400, s31  }
0x4a: {  	[tilespmem:s20], [sflag:$0x1] =	stream.indirect.gather [hbm4b:s4+s19], $0x80, s0, s19, $0xb8;
	[tilespmem:$0x1E800] =	vst v63  }
.LBB2_4:
0x4b: {  	_ =	swait.ge [sflag:s29], $0x4000  }
0x4c: {  	[sflag:s29] =	ssyncset.done $0x0  }
0x4d: {  	[sflag:s29] =	ssyncadd.s32 $0xFFFFC000  }
0x4e: {  	[tilespmem:s15], [sflag:$0x6] =	stream.linear.gather [hbm4b:s10+s3], $0x1400, $0x38;
	[tilespmem:$0x1E800] =	vst v63  }
0x4f: {  	_ =	swait.ge [sflag:s16], $0x1400  }
0x50: {  	[sflag:s16] =	ssyncset.done $0x0  }
0x51: {  	[sflag:s16] =	ssyncadd.s32 $0xFFFFEC00  }
0x52: {  	[tilespmem:s17], [sflag:$0x6] =	stream.linear.gather [hbm4b:s11+s3], $0x1400, $0x38;
	[tilespmem:$0x1E800] =	vst v63  }
0x53: {  	_ =	swait.ge [sflag:s16], $0x1400  }
0x54: {  	[sflag:s16] =	ssyncset.done $0x0  }
0x55: {  	[sflag:s16] =	ssyncadd.s32 $0xFFFFEC00  }
0x56: {  	[tilespmem:s20], [sflag:$0x1] =	stream.indirect.gather [hbm4b:s4+s19], $0x80, s15, s19, $0xb8;
	[tilespmem:$0x1E800] =	vst v63  }
0x57: {  	_ =	swait.ge [sflag:s21], $0x4000  }
0x58: {  	[sflag:s21] =	ssyncset.done $0x0  }
0x59: {  	[sflag:s21] =	ssyncadd.s32 $0xFFFFC000  }
0x5a: {  	[spmem:s2] =	stream.indirect.scatter.add.f32 [tilespmem:s20], [sflag:$0x3], $0x80, s17, s19, $0xb8;
	[tilespmem:$0x1E800] =	vst v63  }
0x5b: {  	_ = 	snop  }
0x5c: {  	[tilespmem:s23], [sflag:$0x2] =	stream.indirect.gather [hbm4b:s4+s19], $0x80, s22, s19, $0xb8;
	[tilespmem:$0x1E800] =	vst v63  }
0x5d: {  	_ =	swait.ge [sflag:s24], $0x4000  }
0x5e: {  	[sflag:s24] =	ssyncset.done $0x0  }
0x5f: {  	[sflag:s24] =	ssyncadd.s32 $0xFFFFC000  }
0x60: {  	[spmem:s2] =	stream.indirect.scatter.add.f32 [tilespmem:s23], [sflag:$0x4], $0x80, s25, s19, $0xb8;
	[tilespmem:$0x1E800] =	vst v63  }
0x61: {  	_ =	swait.ge [sflag:s26], $0x4000  }
0x62: {  	[sflag:s26] =	ssyncset.done $0x0  }
0x63: {  	s31 =	simm.s32 $0xFFFFB800;
	[sflag:s26] =	ssyncadd.s32 $0xFFFFC000  }
0x64: {  	[tilespmem:s20], [sflag:$0x1] =	stream.indirect.gather [hbm4b:s4+s19], $0x80, s28, s19, $0xb8;
	[tilespmem:$0x1E800] =	vst v63  }
.LBB2_5:
0x65: {  	_ =	swait.ge [sflag:s21], $0x4000  }
0x66: {  	s0 =	sshra.s32 s31, $0x2;
	[sflag:s21] =	ssyncset.done $0x0  }
0x67: {  	s1 =	sadd.s32 $0x16700, s0;
	[sflag:s21] =	ssyncadd.s32 $0xFFFFC000  }
0x68: {  	[spmem:s2] =	stream.indirect.scatter.add.f32 [tilespmem:s20], [sflag:$0x3], $0x80, s1, s19, $0xb8;
	[tilespmem:$0x1E800] =	vst v63  }
0x69: {  	_ =	swait.ge [sflag:s29], $0x4000  }
0x6a: {  	[sflag:s29] =	ssyncset.done $0x0  }
0x6b: {  	s1 =	sadd.s32 $0x15380, s0;
	[sflag:s29] =	ssyncadd.s32 $0xFFFFC000  }
0x6c: {  	[tilespmem:s23], [sflag:$0x2] =	stream.indirect.gather [hbm4b:s4+s19], $0x80, s1, s19, $0xb8;
	[tilespmem:$0x1E800] =	vst v63  }
0x6d: {  	_ =	swait.ge [sflag:s24], $0x4000  }
0x6e: {  	p0 =	seq.s32 s31, $0x0;
	[sflag:s24] =	ssyncset.done $0x0  }
.Ltmp4:
0x6f: {  	s1 =	sadd.s32 $0x16780, s0;
	[sflag:s24] =	ssyncadd.s32 $0xFFFFC000;
	(pc) =	sbr.rel @p0 .LBB2_7-.Ltmp4, $4  }
0x70: {  	[spmem:s2] =	stream.indirect.scatter.add.f32 [tilespmem:s23], [sflag:$0x4], $0x80, s1, s19, $0xb8;
	[tilespmem:$0x1E800] =	vst v63  }
0x71: {  	_ =	swait.ge [sflag:s26], $0x4000  }
0x72: {  	[sflag:s26] =	ssyncset.done $0x0  }
0x73: {  	[sflag:s26] =	ssyncadd.s32 $0xFFFFC000  }
.Ltmp5:
0x74: {  	(pc) =	sbr.rel .LBB2_5-.Ltmp5, $3  }
0x75: {  	_ =	sdelay $0x1  }
0x76: {  	s0 =	sadd.s32 $0x15400, s0;
	s31 =	sadd.s32 $0x400, s31  }
0x77: {  	[tilespmem:s20], [sflag:$0x1] =	stream.indirect.gather [hbm4b:s4+s19], $0x80, s0, s19, $0xb8;
	[tilespmem:$0x1E800] =	vst v63  }
.LBB2_8:
0x78: {  	_ =	sfence.sel $0x180000  }
0x79: {  	[bflag:$0x0] =	sbarrier.arrive $0xFFFF  }
0x7a: {  	_ =	strace $0x90000050  }
0x7b: {  	s0 =	stileid.u32;
	[bflag:$0x2] =	sbarrier.arrive $0xFFFF  }
0x7c: {  	p0 =	sne.s32 s0, $0x0;
	s0 =	rddreg [dreg:$0x2]  }
0x7d: {  	s0 =	sadd.s32 @!p0 $0x100000, s0  }
0x7e: {  	[sflag:s0] =	ssyncadd.tile.s32 @!p0 $0x1;
	_ =	shalt  }
.Lfunc_end2:
_tile_overlayer_lowered:
.L_overlay_start_2:
0x7f: {  	(tag) =	ssettag $0x2  }
0x80: {  	s0 =	rddreg [dreg:$0x0];
	s2 =	stileid.u32  }
0x81: {  	s1 =	rddreg [dreg:$0x1];
	p0 =	sne.s32 s2, $0x0  }
0x82: {  	s3 =	rddreg [dreg:$0x2];
	[bflag:$0x3] =	sbarrier.arrive $0xFFFF;
	s2 =	simm.s32 @!p0 $0x1C06  }
0x83: {  	[timem:s3], [sflag:s2] =	dma.local @!p0 [hbm:s0], s1  }
0x84: {  	s0 =	simm.s32 @!p0 $0x6  }
0x85: {  	_ =	swait.ge @!p0 [sflag:s0], s1  }
0x86: {  	s1 =	ssub.s32 @!p0 $0x0, s1;
	[sflag:s0] =	ssyncset.done @!p0 $0x0  }
0x87: {  	[sflag:s0] =	ssyncadd.s32 @!p0 s1  }
0x88: {  	[bflag:$0x3] =	sbarrier.arrive $0xFFFF  }
0x89: {  	_ =	shalt  }

</sc_bundles>
